<compile_context>
chip_gen: v7x
topology: tpu7x:2x2x1
jax: 0.10.2.dev20260603
libtpu: 0.0.44.dev20260713+nightly
codegen_flags: <defaults>
</compile_context>

<pallas_src>
import functools

import jax
import jax.numpy as jnp
from jax import lax
from jax.experimental import pallas as pl
from jax.experimental.pallas import tpu as pltpu
from jax.experimental.pallas import tpu_sc as plsc

_N = 10000
_E = 320000
_F = 128
_H = 256
_OUT = 128
_G = 128
_NEG = 0.01

_NC = 2
_NS = 16
_NW = _NC * _NS
_CH = 128
_IB = 40
_K1 = 79
_K2 = 157
_NP = 10112
_ZPW = _NP // _NS
_RPAD = 10240
_RPW = _RPAD // _NW
_TRASH = _N


def _leaky(x):
    return jnp.where(x >= 0, x, _NEG * x)


def _sc_mesh():
    return plsc.VectorSubcoreMesh(core_axis_name="c", subcore_axis_name="s")


def _make_agg(K, add_core):

    @functools.partial(
        pl.kernel,
        out_type=jax.ShapeDtypeStruct((_NC, _NP, _CH), jnp.float32),
        mesh=_sc_mesh(),
        scratch_types=[
            pltpu.VMEM((_CH,), jnp.int32),
            pltpu.VMEM((_CH,), jnp.int32),
            pltpu.VMEM((_CH, _CH), jnp.float32),
            pltpu.VMEM_SHARED((_NP, _CH), jnp.float32),
            pltpu.SemaphoreType.DMA,
        ],
    )
    def agg(table, srcm, dstm, out, idx_v, dst_v, rows_v, acc, sem):
        c = lax.axis_index("c")
        s = lax.axis_index("s")

        def zrow(i, carry):
            for k in range(_CH // 16):
                rows_v[i, pl.ds(k * 16, 16)] = jnp.zeros((16,), jnp.float32)
            return carry

        lax.fori_loop(0, _CH, zrow, 0)
        zbase = s * _ZPW
        off = 0
        while off < _ZPW:
            ch = min(_CH, _ZPW - off)
            pltpu.sync_copy(rows_v.at[pl.ds(0, ch)],
                            acc.at[pl.ds(zbase + off, ch)])
            off += ch
        plsc.subcore_barrier()

        if add_core:
            rbase = s * K
        else:
            rbase = (s * _NC + c) * K

        cvec = jnp.full((16,), c, jnp.int32)

        def body(j, carry):
            row = rbase + j
            pltpu.sync_copy(srcm.at[row], idx_v)
            if add_core:
                for k in range(_CH // 16):
                    idx_v[pl.ds(k * 16, 16)] = idx_v[pl.ds(k * 16, 16)] + cvec
            pltpu.async_copy(table.at[idx_v], rows_v, sem).wait()
            pltpu.sync_copy(dstm.at[row], dst_v)
            pltpu.sync_copy(rows_v, acc.at[dst_v], add=True)
            return carry

        lax.fori_loop(0, K, body, 0)
        plsc.subcore_barrier()
        pltpu.sync_copy(acc.at[pl.ds(zbase, _ZPW)],
                        out.at[c, pl.ds(zbase, _ZPW)])

    return agg


_HS = _H + 16


@functools.partial(
    pl.kernel,
    out_type=(
        jax.ShapeDtypeStruct((_NW, _G * _HS), jnp.float32),
        jax.ShapeDtypeStruct((_NW, _G * _H), jnp.float32),
    ),
    mesh=_sc_mesh(),
    scratch_types=[
        pltpu.VMEM((_RPW + 16,), jnp.int32),
        pltpu.VMEM((64 * _H,), jnp.float32),
        pltpu.VMEM(((_G + 1) * _HS,), jnp.float32),
        pltpu.VMEM(((_G + 1) * _H,), jnp.float32),
    ],
)
def _pool(h2f, batchp, sums, maxs, batch_v, buf, sacc, macc):
    c = lax.axis_index("c")
    s = lax.axis_index("s")
    wid = s * _NC + c
    base = wid * _RPW

    zero16 = jnp.zeros((16,), jnp.float32)
    ninf16 = jnp.full((16,), -3.4e38, jnp.float32)
    one16 = jnp.full((16,), 1.0, jnp.float32)

    def inits(i, carry):
        for u in range(4):
            sacc[pl.ds(i * 64 + u * 16, 16)] = zero16
        return carry

    def initm(i, carry):
        for u in range(4):
            macc[pl.ds(i * 64 + u * 16, 16)] = ninf16
        return carry

    lax.fori_loop(0, (_G + 1) * _HS // 64, inits, 0)
    for r in range((_G + 1) * _HS // 64 * 64, (_G + 1) * _HS, 16):
        sacc[pl.ds(r, 16)] = zero16
    lax.fori_loop(0, (_G + 1) * _H // 64, initm, 0)

    pltpu.sync_copy(batchp.at[pl.ds(base, _RPW)], batch_v.at[pl.ds(0, _RPW)])

    def chunk(t, carry):
        pltpu.sync_copy(h2f.at[pl.ds((base + t * 64) * _H, 64 * _H)], buf)

        def row(i, carry2):
            r = t * 64 + i
            g = batch_v[pl.ds(r, 16)][0]
            soff = g * _HS
            moff = g * _H
            for k in range(_H // 16):
                v = buf[pl.ds(i * _H + k * 16, 16)]
                sacc[pl.ds(soff + k * 16, 16)] = sacc[pl.ds(soff + k * 16, 16)] + v
                m = macc[pl.ds(moff + k * 16, 16)]
                macc[pl.ds(moff + k * 16, 16)] = jnp.maximum(m, v)
            sacc[pl.ds(soff + _H, 16)] = sacc[pl.ds(soff + _H, 16)] + one16
            return carry2

        lax.fori_loop(0, 64, row, 0)
        return carry

    lax.fori_loop(0, _RPW // 64, chunk, 0)

    pltpu.sync_copy(sacc.at[pl.ds(0, _G * _HS)], sums.at[wid])
    pltpu.sync_copy(macc.at[pl.ds(0, _G * _H)], maxs.at[wid])


def _tc_layer1(x, parts, W0, b0):
    def body(x_ref, p_ref, w_ref, b_ref, o_ref):
        z = x_ref[...] + p_ref[0] + p_ref[1]
        z = jnp.dot(z, w_ref[...], preferred_element_type=jnp.float32)
        z = z + b_ref[...]
        o_ref[...] = _leaky(_leaky(z))

    blk = 1024
    return pl.pallas_call(
        body,
        grid=(_RPAD // blk,),
        in_specs=[
            pl.BlockSpec((blk, _F), lambda i: (i, 0)),
            pl.BlockSpec((_NC, blk, _F), lambda i: (0, i, 0)),
            pl.BlockSpec((_F, _H), lambda i: (0, 0)),
            pl.BlockSpec((1, _H), lambda i: (0, 0)),
        ],
        out_specs=pl.BlockSpec((blk, _H), lambda i: (i, 0)),
        out_shape=jax.ShapeDtypeStruct((_RPAD, _H), jnp.float32),
    )(x, parts, W0, b0)


def _tc_layer2(h1, parts, W1, b1):
    def body(h_ref, p_ref, w_ref, b_ref, o_ref):
        h = h_ref[...]
        za = h[:, :_F] + p_ref[0]
        zb = h[:, _F:] + p_ref[1]
        w = w_ref[...]
        z = jnp.dot(za, w[:_F, :], preferred_element_type=jnp.float32)
        z = z + jnp.dot(zb, w[_F:, :], preferred_element_type=jnp.float32)
        z = z + b_ref[...]
        o_ref[...] = _leaky(_leaky(z))

    blk = 1024
    return pl.pallas_call(
        body,
        grid=(_RPAD // blk,),
        in_specs=[
            pl.BlockSpec((blk, _H), lambda i: (i, 0)),
            pl.BlockSpec((_NC, blk, _F), lambda i: (0, i, 0)),
            pl.BlockSpec((_H, _H), lambda i: (0, 0)),
            pl.BlockSpec((1, _H), lambda i: (0, 0)),
        ],
        out_specs=pl.BlockSpec((blk, _H), lambda i: (i, 0)),
        out_shape=jax.ShapeDtypeStruct((_RPAD, _H), jnp.float32),
    )(h1, parts, W1, b1)


def _tc_pool_combine(sums, maxs, Wp, bp):
    def body(s_ref, m_ref, w_ref, b_ref, o_ref):
        sall = jnp.sum(s_ref[...], axis=0)
        ssum = sall[:, :_H]
        cnt = sall[:, _H]
        mx = jnp.max(m_ref[...], axis=0)
        mean = ssum / jnp.maximum(cnt, 1.0)[:, None]
        mx = jnp.where(cnt[:, None] > 0, mx, 0.0)
        g = jnp.concatenate([mean, ssum, mx], axis=-1)
        z = jnp.dot(g, w_ref[...], preferred_element_type=jnp.float32)
        o_ref[...] = _leaky(z + b_ref[...])

    return pl.pallas_call(
        body,
        grid=(1,),
        in_specs=[
            pl.BlockSpec((_NW, _G, _HS), lambda i: (0, 0, 0)),
            pl.BlockSpec((_NW, _G, _H), lambda i: (0, 0, 0)),
            pl.BlockSpec((3 * _H, _OUT), lambda i: (0, 0)),
            pl.BlockSpec((1, _OUT), lambda i: (0, 0)),
        ],
        out_specs=pl.BlockSpec((_G, _OUT), lambda i: (0, 0)),
        out_shape=jax.ShapeDtypeStruct((_G, _OUT), jnp.float32),
    )(sums, maxs, Wp, bp)


def kernel(x, edge_index, batch, W0, b0, W1, b1, Wp, bp):
    src = edge_index[0].astype(jnp.int32)
    dst = edge_index[1].astype(jnp.int32)

    pad1 = _NW * _K1 * _CH - _E
    src1 = jnp.concatenate([src, jnp.zeros((pad1,), jnp.int32)]).reshape(-1, _CH)
    dst1 = jnp.concatenate([dst, jnp.full((pad1,), _TRASH, jnp.int32)]).reshape(-1, _CH)
    pad2 = _NS * _K2 * _CH - _E
    src2 = jnp.concatenate([2 * src, jnp.zeros((pad2,), jnp.int32)]).reshape(-1, _CH)
    dst2 = jnp.concatenate([dst, jnp.full((pad2,), _TRASH, jnp.int32)]).reshape(-1, _CH)

    agg1 = _make_agg(_K1, add_core=False)(x, src1, dst1)
    h1 = _tc_layer1(x, agg1, W0, b0.reshape(1, _H))

    table2 = h1.reshape(2 * _RPAD, _F)
    agg2 = _make_agg(_K2, add_core=True)(table2, src2, dst2)
    h2 = _tc_layer2(h1, agg2, W1, b1.reshape(1, _H))

    batchp = jnp.concatenate(
        [batch.astype(jnp.int32), jnp.full((_RPAD - _N,), _G, jnp.int32)])
    sums, maxs = _pool(h2.reshape(-1), batchp)

    return _tc_pool_combine(sums.reshape(_NW, _G, _HS),
                            maxs.reshape(_NW, _G, _H),
                            Wp, bp.reshape(1, _OUT))

# --- scband reference (transcript-rebuilt; emitter-appended) ---
"""Pipeline reference for scband-leembedder-6425271075026 (READ-ONLY COPY).

The authoritative reference and input builder live on the scoring server;
editing this copy changes nothing except your own understanding.
"""

import jax, jax.numpy as jnp
import numpy as np

N = 10000
E = 320000
F = 128
H = 256
OUT = 128
G = 128
NEG = 0.01


def leaky(x):
    return jnp.where(x >= 0, x, NEG * x)


def setup_inputs(seed: int = 0) -> dict:
    key = jax.random.key(seed)
    ks = jax.random.split(key, 10)
    x = jax.random.normal(ks[0], (N, F), dtype=jnp.float32)
    edge_index = jax.random.randint(ks[1], (2, E), 0, N, dtype=jnp.int64)
    batch = jnp.sort(jax.random.randint(ks[2], (N,), 0, G, dtype=jnp.int64))
    W0 = jax.random.normal(ks[3], (F, H), dtype=jnp.float32) / np.sqrt(F)
    b0 = jnp.zeros((H,), dtype=jnp.float32)
    W1 = jax.random.normal(ks[4], (H, H), dtype=jnp.float32) / np.sqrt(H)
    b1 = jnp.zeros((H,), dtype=jnp.float32)
    Wp = jax.random.normal(ks[5], (3 * H, OUT), dtype=jnp.float32) / np.sqrt(3 * H)
    bp = jnp.zeros((OUT,), dtype=jnp.float32)
    return {"x": x, "edge_index": edge_index, "batch": batch,
            "W0": W0, "b0": b0, "W1": W1, "b1": b1, "Wp": Wp, "bp": bp}


def reference(x, edge_index, batch, W0, b0, W1, b1, Wp, bp):
    src = edge_index[0]
    dst = edge_index[1]
    h = x
    for (W, b) in ((W0, b0), (W1, b1)):
        # GINConv (train_eps=False, eps=0): nn((1+0)*x + sum_{j->i} x_j)
        agg = jax.ops.segment_sum(h[src], dst, num_segments=N)
        z = h + agg
        z = z @ W + b
        z = leaky(z)          # LeakyReLU inside the GIN nn (dropout is identity in eval)
        h = leaky(z)          # self.actv applied in get_emb
    # global pools per graph
    ones = jnp.ones((N,), dtype=jnp.float32)
    counts = jax.ops.segment_sum(ones, batch, num_segments=G)
    s = jax.ops.segment_sum(h, batch, num_segments=G)
    mean = s / jnp.maximum(counts, 1.0)[:, None]
    mx = jax.ops.segment_max(h, batch, num_segments=G)
    mx = jnp.where(counts[:, None] > 0, mx, 0.0)
    g = jnp.concatenate([mean, s, mx], axis=-1)
    out = leaky(g @ Wp + bp)
    return out

if __name__ == "__main__":
    import jax
    _d = setup_inputs()
    print(jax.jit(kernel)(*tuple(_d.values())))

</pallas_src>

<mosaic_0001>
#map = affine_map<(d0, d1) -> (0, 0)>
#map1 = affine_map<(d0, d1) -> (0, 0, 0)>
module attributes {stable_mosaic.version = 14 : i64} {
  func.func @agg(%arg0: i32, %arg1: i32, %arg2: memref<20480x128xf32, #tpu.memory_space<hbm>>, %arg3: memref<2512x128xi32, #tpu.memory_space<hbm>>, %arg4: memref<2512x128xi32, #tpu.memory_space<hbm>>, %arg5: memref<2x10112x128xf32, #tpu.memory_space<hbm>>, %arg6: memref<128xi32, #tpu.memory_space<vmem>>, %arg7: memref<128xi32, #tpu.memory_space<vmem>>, %arg8: memref<128x128xf32, #tpu.memory_space<vmem>>, %arg9: memref<10112x128xf32, #tpu.memory_space<vmem_shared>>, %arg10: memref<!tpu.dma_semaphore, #tpu.memory_space<semaphore_mem>>) attributes {dimension_semantics = [#tpu.dimension_semantics<core_parallel>, #tpu.dimension_semantics<subcore_parallel>], iteration_bounds = array<i64: 2, 16>, scalar_prefetch = 0 : i64, scratch_operands = 5 : i64, tpu.core_type = #tpu.core_type<sc_vector_subcore>, window_params = [{transform_indices = #map}, {transform_indices = #map}, {transform_indices = #map}, {transform_indices = #map1}]} {
    %scan3A = arith.constant 0 : i32
    %scan3A_0 = arith.constant 0 : i32
    %scan3A_1 = arith.constant 128 : i32
    %scan3A_2 = arith.addi %scan3A_0, %scan3A_1 : i32
    %scan3A_3 = arith.constant 1 : i32
    scf.for %scan3A_24 = %scan3A_0 to %scan3A_2 step %scan3A_3  : i32 {
      %broadcast_in_dim3A_25 = arith.constant 0.000000e+00 : f32
      %broadcast_in_dim3A_26 = vector.broadcast %broadcast_in_dim3A_25 : f32 to vector<16xf32>
      %swap3A = arith.index_cast %scan3A_24 : i32 to index
      %swap3A_27 = arith.constant 0 : index
      %swap3A_28 = tpu.vector_load %arg8[%swap3A, %swap3A_27] {strides = array<i32>} : memref<128x128xf32, #tpu.memory_space<vmem>>, vector<1x16xf32>,
      %swap3A_29 = vector.shape_cast %swap3A_28 : vector<1x16xf32> to vector<16xf32>
      %swap3A_30 = vector.shape_cast %broadcast_in_dim3A_26 : vector<16xf32> to vector<1x16xf32>
      tpu.vector_store %arg8[%swap3A, %swap3A_27], %swap3A_30 {strides = array<i32>} : memref<128x128xf32, #tpu.memory_space<vmem>>, vector<1x16xf32>,
      %broadcast_in_dim3A_31 = arith.constant 0.000000e+00 : f32
      %broadcast_in_dim3A_32 = vector.broadcast %broadcast_in_dim3A_31 : f32 to vector<16xf32>
      %swap3A_33 = arith.index_cast %scan3A_24 : i32 to index
      %swap3A_34 = arith.constant 16 : index
      %swap3A_35 = tpu.vector_load %arg8[%swap3A_33, %swap3A_34] {strides = array<i32>} : memref<128x128xf32, #tpu.memory_space<vmem>>, vector<1x16xf32>,
      %swap3A_36 = vector.shape_cast %swap3A_35 : vector<1x16xf32> to vector<16xf32>
      %swap3A_37 = vector.shape_cast %broadcast_in_dim3A_32 : vector<16xf32> to vector<1x16xf32>
      tpu.vector_store %arg8[%swap3A_33, %swap3A_34], %swap3A_37 {strides = array<i32>} : memref<128x128xf32, #tpu.memory_space<vmem>>, vector<1x16xf32>,
      %broadcast_in_dim3A_38 = arith.constant 0.000000e+00 : f32
      %broadcast_in_dim3A_39 = vector.broadcast %broadcast_in_dim3A_38 : f32 to vector<16xf32>
      %swap3A_40 = arith.index_cast %scan3A_24 : i32 to index
      %swap3A_41 = arith.constant 32 : index
      %swap3A_42 = tpu.vector_load %arg8[%swap3A_40, %swap3A_41] {strides = array<i32>} : memref<128x128xf32, #tpu.memory_space<vmem>>, vector<1x16xf32>,
      %swap3A_43 = vector.shape_cast %swap3A_42 : vector<1x16xf32> to vector<16xf32>
      %swap3A_44 = vector.shape_cast %broadcast_in_dim3A_39 : vector<16xf32> to vector<1x16xf32>
      tpu.vector_store %arg8[%swap3A_40, %swap3A_41], %swap3A_44 {strides = array<i32>} : memref<128x128xf32, #tpu.memory_space<vmem>>, vector<1x16xf32>,
      %broadcast_in_dim3A_45 = arith.constant 0.000000e+00 : f32
      %broadcast_in_dim3A_46 = vector.broadcast %broadcast_in_dim3A_45 : f32 to vector<16xf32>
      %swap3A_47 = arith.index_cast %scan3A_24 : i32 to index
      %swap3A_48 = arith.constant 48 : index
      %swap3A_49 = tpu.vector_load %arg8[%swap3A_47, %swap3A_48] {strides = array<i32>} : memref<128x128xf32, #tpu.memory_space<vmem>>, vector<1x16xf32>,
      %swap3A_50 = vector.shape_cast %swap3A_49 : vector<1x16xf32> to vector<16xf32>
      %swap3A_51 = vector.shape_cast %broadcast_in_dim3A_46 : vector<16xf32> to vector<1x16xf32>
      tpu.vector_store %arg8[%swap3A_47, %swap3A_48], %swap3A_51 {strides = array<i32>} : memref<128x128xf32, #tpu.memory_space<vmem>>, vector<1x16xf32>,
      %broadcast_in_dim3A_52 = arith.constant 0.000000e+00 : f32
      %broadcast_in_dim3A_53 = vector.broadcast %broadcast_in_dim3A_52 : f32 to vector<16xf32>
      %swap3A_54 = arith.index_cast %scan3A_24 : i32 to index
      %swap3A_55 = arith.constant 64 : index
      %swap3A_56 = tpu.vector_load %arg8[%swap3A_54, %swap3A_55] {strides = array<i32>} : memref<128x128xf32, #tpu.memory_space<vmem>>, vector<1x16xf32>,
      %swap3A_57 = vector.shape_cast %swap3A_56 : vector<1x16xf32> to vector<16xf32>
      %swap3A_58 = vector.shape_cast %broadcast_in_dim3A_53 : vector<16xf32> to vector<1x16xf32>
      tpu.vector_store %arg8[%swap3A_54, %swap3A_55], %swap3A_58 {strides = array<i32>} : memref<128x128xf32, #tpu.memory_space<vmem>>, vector<1x16xf32>,
      %broadcast_in_dim3A_59 = arith.constant 0.000000e+00 : f32
      %broadcast_in_dim3A_60 = vector.broadcast %broadcast_in_dim3A_59 : f32 to vector<16xf32>
      %swap3A_61 = arith.index_cast %scan3A_24 : i32 to index
      %swap3A_62 = arith.constant 80 : index
      %swap3A_63 = tpu.vector_load %arg8[%swap3A_61, %swap3A_62] {strides = array<i32>} : memref<128x128xf32, #tpu.memory_space<vmem>>, vector<1x16xf32>,
      %swap3A_64 = vector.shape_cast %swap3A_63 : vector<1x16xf32> to vector<16xf32>
      %swap3A_65 = vector.shape_cast %broadcast_in_dim3A_60 : vector<16xf32> to vector<1x16xf32>
      tpu.vector_store %arg8[%swap3A_61, %swap3A_62], %swap3A_65 {strides = array<i32>} : memref<128x128xf32, #tpu.memory_space<vmem>>, vector<1x16xf32>,
      %broadcast_in_dim3A_66 = arith.constant 0.000000e+00 : f32
      %broadcast_in_dim3A_67 = vector.broadcast %broadcast_in_dim3A_66 : f32 to vector<16xf32>
      %swap3A_68 = arith.index_cast %scan3A_24 : i32 to index
      %swap3A_69 = arith.constant 96 : index
      %swap3A_70 = tpu.vector_load %arg8[%swap3A_68, %swap3A_69] {strides = array<i32>} : memref<128x128xf32, #tpu.memory_space<vmem>>, vector<1x16xf32>,
      %swap3A_71 = vector.shape_cast %swap3A_70 : vector<1x16xf32> to vector<16xf32>
      %swap3A_72 = vector.shape_cast %broadcast_in_dim3A_67 : vector<16xf32> to vector<1x16xf32>
      tpu.vector_store %arg8[%swap3A_68, %swap3A_69], %swap3A_72 {strides = array<i32>} : memref<128x128xf32, #tpu.memory_space<vmem>>, vector<1x16xf32>,
      %broadcast_in_dim3A_73 = arith.constant 0.000000e+00 : f32
      %broadcast_in_dim3A_74 = vector.broadcast %broadcast_in_dim3A_73 : f32 to vector<16xf32>
      %swap3A_75 = arith.index_cast %scan3A_24 : i32 to index
      %swap3A_76 = arith.constant 112 : index
      %swap3A_77 = tpu.vector_load %arg8[%swap3A_75, %swap3A_76] {strides = array<i32>} : memref<128x128xf32, #tpu.memory_space<vmem>>, vector<1x16xf32>,
      %swap3A_78 = vector.shape_cast %swap3A_77 : vector<1x16xf32> to vector<16xf32>
      %swap3A_79 = vector.shape_cast %broadcast_in_dim3A_74 : vector<16xf32> to vector<1x16xf32>
      tpu.vector_store %arg8[%swap3A_75, %swap3A_76], %swap3A_79 {strides = array<i32>} : memref<128x128xf32, #tpu.memory_space<vmem>>, vector<1x16xf32>,
    }
    %scan3A_4 = arith.constant 128 : i32
    %mul3A = arith.constant 632 : i32
    %mul3A_5 = arith.muli %arg1, %mul3A : i32
    %add3A = arith.constant 0 : i32
    %add3A_6 = arith.addi %mul3A_5, %add3A : i32
    "tpu.region"() ({
      %run_scoped3A = tpu.sem_alloc : memref<!tpu.dma_semaphore, #tpu.memory_space<semaphore_mem>>
      %dma_start3A = arith.constant 0 : i32
      %dma_start3A_24 = arith.constant 0 : i32
      %dma_start3A_25 = tpu.memref_slice %arg8[%dma_start3A, %dma_start3A_24] : memref<128x128xf32, #tpu.memory_space<vmem>> -> memref<128x128xf32, #tpu.memory_space<vmem>>
      %dma_start3A_26 = arith.constant 0 : i32
      %dma_start3A_27 = tpu.memref_slice %arg9[%add3A_6, %dma_start3A_26] : memref<10112x128xf32, #tpu.memory_space<vmem_shared>> -> memref<128x128xf32, #tpu.memory_space<vmem_shared>>
      %dma_start3A_28 = arith.constant 0 : i32
      %dma_start3A_29 = tpu.memref_slice %arg9[%add3A_6, %dma_start3A_28] : memref<10112x128xf32, #tpu.memory_space<vmem_shared>> -> memref<128x128xf32, #tpu.memory_space<vmem_shared>>
      %dma_start3A_30 = arith.constant 0 : i32
      %dma_start3A_31 = arith.constant 0 : i32
      %dma_start3A_32 = tpu.memref_slice %arg8[%dma_start3A_30, %dma_start3A_31] : memref<128x128xf32, #tpu.memory_space<vmem>> -> memref<128x128xf32, #tpu.memory_space<vmem>>
      tpu.enqueue_dma source(%dma_start3A_32 : memref<128x128xf32, #tpu.memory_space<vmem>>) target(%dma_start3A_29 : memref<128x128xf32, #tpu.memory_space<vmem_shared>>) target_semaphore(%run_scoped3A : memref<!tpu.dma_semaphore, #tpu.memory_space<semaphore_mem>>)
      %dma_wait3A = arith.constant 0 : i32
      %dma_wait3A_33 = arith.constant 0 : i32
      %dma_wait3A_34 = tpu.memref_slice %arg8[%dma_wait3A, %dma_wait3A_33] : memref<128x128xf32, #tpu.memory_space<vmem>> -> memref<128x128xf32, #tpu.memory_space<vmem>>
      %dma_wait3A_35 = arith.constant 0 : i32
      %dma_wait3A_36 = tpu.memref_slice %arg9[%add3A_6, %dma_wait3A_35] : memref<10112x128xf32, #tpu.memory_space<vmem_shared>> -> memref<128x128xf32, #tpu.memory_space<vmem_shared>>
      %dma_wait3A_37 = arith.constant 0 : i32
      %dma_wait3A_38 = tpu.memref_slice %arg9[%add3A_6, %dma_wait3A_37] : memref<10112x128xf32, #tpu.memory_space<vmem_shared>> -> memref<128x128xf32, #tpu.memory_space<vmem_shared>>
      %dma_wait3A_39 = arith.constant 0 : i32
      %dma_wait3A_40 = arith.constant 0 : i32
      %dma_wait3A_41 = tpu.memref_slice %arg8[%dma_wait3A_39, %dma_wait3A_40] : memref<128x128xf32, #tpu.memory_space<vmem>> -> memref<128x128xf32, #tpu.memory_space<vmem>>
      tpu.wait_dma2 semaphore(%run_scoped3A : memref<!tpu.dma_semaphore, #tpu.memory_space<semaphore_mem>>) src(%dma_wait3A_41 : memref<128x128xf32, #tpu.memory_space<vmem>>) dst(%dma_wait3A_38 : memref<128x128xf32, #tpu.memory_space<vmem_shared>>)
      tpu.yield
    }) : () -> ()
    %add3A_7 = arith.constant 128 : i32
    %add3A_8 = arith.addi %mul3A_5, %add3A_7 : i32
    "tpu.region"() ({
      %run_scoped3A = tpu.sem_alloc : memref<!tpu.dma_semaphore, #tpu.memory_space<semaphore_mem>>
      %dma_start3A = arith.constant 0 : i32
      %dma_start3A_24 = arith.constant 0 : i32
      %dma_start3A_25 = tpu.memref_slice %arg8[%dma_start3A, %dma_start3A_24] : memref<128x128xf32, #tpu.memory_space<vmem>> -> memref<128x128xf32, #tpu.memory_space<vmem>>
      %dma_start3A_26 = arith.constant 0 : i32
      %dma_start3A_27 = tpu.memref_slice %arg9[%add3A_8, %dma_start3A_26] : memref<10112x128xf32, #tpu.memory_space<vmem_shared>> -> memref<128x128xf32, #tpu.memory_space<vmem_shared>>
      %dma_start3A_28 = arith.constant 0 : i32
      %dma_start3A_29 = tpu.memref_slice %arg9[%add3A_8, %dma_start3A_28] : memref<10112x128xf32, #tpu.memory_space<vmem_shared>> -> memref<128x128xf32, #tpu.memory_space<vmem_shared>>
      %dma_start3A_30 = arith.constant 0 : i32
      %dma_start3A_31 = arith.constant 0 : i32
      %dma_start3A_32 = tpu.memref_slice %arg8[%dma_start3A_30, %dma_start3A_31] : memref<128x128xf32, #tpu.memory_space<vmem>> -> memref<128x128xf32, #tpu.memory_space<vmem>>
      tpu.enqueue_dma source(%dma_start3A_32 : memref<128x128xf32, #tpu.memory_space<vmem>>) target(%dma_start3A_29 : memref<128x128xf32, #tpu.memory_space<vmem_shared>>) target_semaphore(%run_scoped3A : memref<!tpu.dma_semaphore, #tpu.memory_space<semaphore_mem>>)
      %dma_wait3A = arith.constant 0 : i32
      %dma_wait3A_33 = arith.constant 0 : i32
      %dma_wait3A_34 = tpu.memref_slice %arg8[%dma_wait3A, %dma_wait3A_33] : memref<128x128xf32, #tpu.memory_space<vmem>> -> memref<128x128xf32, #tpu.memory_space<vmem>>
      %dma_wait3A_35 = arith.constant 0 : i32
      %dma_wait3A_36 = tpu.memref_slice %arg9[%add3A_8, %dma_wait3A_35] : memref<10112x128xf32, #tpu.memory_space<vmem_shared>> -> memref<128x128xf32, #tpu.memory_space<vmem_shared>>
      %dma_wait3A_37 = arith.constant 0 : i32
      %dma_wait3A_38 = tpu.memref_slice %arg9[%add3A_8, %dma_wait3A_37] : memref<10112x128xf32, #tpu.memory_space<vmem_shared>> -> memref<128x128xf32, #tpu.memory_space<vmem_shared>>
      %dma_wait3A_39 = arith.constant 0 : i32
      %dma_wait3A_40 = arith.constant 0 : i32
      %dma_wait3A_41 = tpu.memref_slice %arg8[%dma_wait3A_39, %dma_wait3A_40] : memref<128x128xf32, #tpu.memory_space<vmem>> -> memref<128x128xf32, #tpu.memory_space<vmem>>
      tpu.wait_dma2 semaphore(%run_scoped3A : memref<!tpu.dma_semaphore, #tpu.memory_space<semaphore_mem>>) src(%dma_wait3A_41 : memref<128x128xf32, #tpu.memory_space<vmem>>) dst(%dma_wait3A_38 : memref<128x128xf32, #tpu.memory_space<vmem_shared>>)
      tpu.yield
    }) : () -> ()
    %add3A_9 = arith.constant 256 : i32
    %add3A_10 = arith.addi %mul3A_5, %add3A_9 : i32
    "tpu.region"() ({
      %run_scoped3A = tpu.sem_alloc : memref<!tpu.dma_semaphore, #tpu.memory_space<semaphore_mem>>
      %dma_start3A = arith.constant 0 : i32
      %dma_start3A_24 = arith.constant 0 : i32
      %dma_start3A_25 = tpu.memref_slice %arg8[%dma_start3A, %dma_start3A_24] : memref<128x128xf32, #tpu.memory_space<vmem>> -> memref<128x128xf32, #tpu.memory_space<vmem>>
      %dma_start3A_26 = arith.constant 0 : i32
      %dma_start3A_27 = tpu.memref_slice %arg9[%add3A_10, %dma_start3A_26] : memref<10112x128xf32, #tpu.memory_space<vmem_shared>> -> memref<128x128xf32, #tpu.memory_space<vmem_shared>>
      %dma_start3A_28 = arith.constant 0 : i32
      %dma_start3A_29 = tpu.memref_slice %arg9[%add3A_10, %dma_start3A_28] : memref<10112x128xf32, #tpu.memory_space<vmem_shared>> -> memref<128x128xf32, #tpu.memory_space<vmem_shared>>
      %dma_start3A_30 = arith.constant 0 : i32
      %dma_start3A_31 = arith.constant 0 : i32
      %dma_start3A_32 = tpu.memref_slice %arg8[%dma_start3A_30, %dma_start3A_31] : memref<128x128xf32, #tpu.memory_space<vmem>> -> memref<128x128xf32, #tpu.memory_space<vmem>>
      tpu.enqueue_dma source(%dma_start3A_32 : memref<128x128xf32, #tpu.memory_space<vmem>>) target(%dma_start3A_29 : memref<128x128xf32, #tpu.memory_space<vmem_shared>>) target_semaphore(%run_scoped3A : memref<!tpu.dma_semaphore, #tpu.memory_space<semaphore_mem>>)
      %dma_wait3A = arith.constant 0 : i32
      %dma_wait3A_33 = arith.constant 0 : i32
      %dma_wait3A_34 = tpu.memref_slice %arg8[%dma_wait3A, %dma_wait3A_33] : memref<128x128xf32, #tpu.memory_space<vmem>> -> memref<128x128xf32, #tpu.memory_space<vmem>>
      %dma_wait3A_35 = arith.constant 0 : i32
      %dma_wait3A_36 = tpu.memref_slice %arg9[%add3A_10, %dma_wait3A_35] : memref<10112x128xf32, #tpu.memory_space<vmem_shared>> -> memref<128x128xf32, #tpu.memory_space<vmem_shared>>
      %dma_wait3A_37 = arith.constant 0 : i32
      %dma_wait3A_38 = tpu.memref_slice %arg9[%add3A_10, %dma_wait3A_37] : memref<10112x128xf32, #tpu.memory_space<vmem_shared>> -> memref<128x128xf32, #tpu.memory_space<vmem_shared>>
      %dma_wait3A_39 = arith.constant 0 : i32
      %dma_wait3A_40 = arith.constant 0 : i32
      %dma_wait3A_41 = tpu.memref_slice %arg8[%dma_wait3A_39, %dma_wait3A_40] : memref<128x128xf32, #tpu.memory_space<vmem>> -> memref<128x128xf32, #tpu.memory_space<vmem>>
      tpu.wait_dma2 semaphore(%run_scoped3A : memref<!tpu.dma_semaphore, #tpu.memory_space<semaphore_mem>>) src(%dma_wait3A_41 : memref<128x128xf32, #tpu.memory_space<vmem>>) dst(%dma_wait3A_38 : memref<128x128xf32, #tpu.memory_space<vmem_shared>>)
      tpu.yield
    }) : () -> ()
    %add3A_11 = arith.constant 384 : i32
    %add3A_12 = arith.addi %mul3A_5, %add3A_11 : i32
    "tpu.region"() ({
      %run_scoped3A = tpu.sem_alloc : memref<!tpu.dma_semaphore, #tpu.memory_space<semaphore_mem>>
      %dma_start3A = arith.constant 0 : i32
      %dma_start3A_24 = arith.constant 0 : i32
      %dma_start3A_25 = tpu.memref_slice %arg8[%dma_start3A, %dma_start3A_24] : memref<128x128xf32, #tpu.memory_space<vmem>> -> memref<128x128xf32, #tpu.memory_space<vmem>>
      %dma_start3A_26 = arith.constant 0 : i32
      %dma_start3A_27 = tpu.memref_slice %arg9[%add3A_12, %dma_start3A_26] : memref<10112x128xf32, #tpu.memory_space<vmem_shared>> -> memref<128x128xf32, #tpu.memory_space<vmem_shared>>
      %dma_start3A_28 = arith.constant 0 : i32
      %dma_start3A_29 = tpu.memref_slice %arg9[%add3A_12, %dma_start3A_28] : memref<10112x128xf32, #tpu.memory_space<vmem_shared>> -> memref<128x128xf32, #tpu.memory_space<vmem_shared>>
      %dma_start3A_30 = arith.constant 0 : i32
      %dma_start3A_31 = arith.constant 0 : i32
      %dma_start3A_32 = tpu.memref_slice %arg8[%dma_start3A_30, %dma_start3A_31] : memref<128x128xf32, #tpu.memory_space<vmem>> -> memref<128x128xf32, #tpu.memory_space<vmem>>
      tpu.enqueue_dma source(%dma_start3A_32 : memref<128x128xf32, #tpu.memory_space<vmem>>) target(%dma_start3A_29 : memref<128x128xf32, #tpu.memory_space<vmem_shared>>) target_semaphore(%run_scoped3A : memref<!tpu.dma_semaphore, #tpu.memory_space<semaphore_mem>>)
      %dma_wait3A = arith.constant 0 : i32
      %dma_wait3A_33 = arith.constant 0 : i32
      %dma_wait3A_34 = tpu.memref_slice %arg8[%dma_wait3A, %dma_wait3A_33] : memref<128x128xf32, #tpu.memory_space<vmem>> -> memref<128x128xf32, #tpu.memory_space<vmem>>
      %dma_wait3A_35 = arith.constant 0 : i32
      %dma_wait3A_36 = tpu.memref_slice %arg9[%add3A_12, %dma_wait3A_35] : memref<10112x128xf32, #tpu.memory_space<vmem_shared>> -> memref<128x128xf32, #tpu.memory_space<vmem_shared>>
      %dma_wait3A_37 = arith.constant 0 : i32
      %dma_wait3A_38 = tpu.memref_slice %arg9[%add3A_12, %dma_wait3A_37] : memref<10112x128xf32, #tpu.memory_space<vmem_shared>> -> memref<128x128xf32, #tpu.memory_space<vmem_shared>>
      %dma_wait3A_39 = arith.constant 0 : i32
      %dma_wait3A_40 = arith.constant 0 : i32
      %dma_wait3A_41 = tpu.memref_slice %arg8[%dma_wait3A_39, %dma_wait3A_40] : memref<128x128xf32, #tpu.memory_space<vmem>> -> memref<128x128xf32, #tpu.memory_space<vmem>>
      tpu.wait_dma2 semaphore(%run_scoped3A : memref<!tpu.dma_semaphore, #tpu.memory_space<semaphore_mem>>) src(%dma_wait3A_41 : memref<128x128xf32, #tpu.memory_space<vmem>>) dst(%dma_wait3A_38 : memref<128x128xf32, #tpu.memory_space<vmem_shared>>)
      tpu.yield
    }) : () -> ()
    %add3A_13 = arith.constant 512 : i32
    %add3A_14 = arith.addi %mul3A_5, %add3A_13 : i32
    "tpu.region"() ({
      %run_scoped3A = tpu.sem_alloc : memref<!tpu.dma_semaphore, #tpu.memory_space<semaphore_mem>>
      %dma_start3A = arith.constant 0 : i32
      %dma_start3A_24 = arith.constant 0 : i32
      %dma_start3A_25 = tpu.memref_slice %arg8[%dma_start3A, %dma_start3A_24] : memref<128x128xf32, #tpu.memory_space<vmem>> -> memref<120x128xf32, #tpu.memory_space<vmem>>
      %dma_start3A_26 = arith.constant 0 : i32
      %dma_start3A_27 = tpu.memref_slice %arg9[%add3A_14, %dma_start3A_26] : memref<10112x128xf32, #tpu.memory_space<vmem_shared>> -> memref<120x128xf32, #tpu.memory_space<vmem_shared>>
      %dma_start3A_28 = arith.constant 0 : i32
      %dma_start3A_29 = tpu.memref_slice %arg9[%add3A_14, %dma_start3A_28] : memref<10112x128xf32, #tpu.memory_space<vmem_shared>> -> memref<120x128xf32, #tpu.memory_space<vmem_shared>>
      %dma_start3A_30 = arith.constant 0 : i32
      %dma_start3A_31 = arith.constant 0 : i32
      %dma_start3A_32 = tpu.memref_slice %arg8[%dma_start3A_30, %dma_start3A_31] : memref<128x128xf32, #tpu.memory_space<vmem>> -> memref<120x128xf32, #tpu.memory_space<vmem>>
      tpu.enqueue_dma source(%dma_start3A_32 : memref<120x128xf32, #tpu.memory_space<vmem>>) target(%dma_start3A_29 : memref<120x128xf32, #tpu.memory_space<vmem_shared>>) target_semaphore(%run_scoped3A : memref<!tpu.dma_semaphore, #tpu.memory_space<semaphore_mem>>)
      %dma_wait3A = arith.constant 0 : i32
      %dma_wait3A_33 = arith.constant 0 : i32
      %dma_wait3A_34 = tpu.memref_slice %arg8[%dma_wait3A, %dma_wait3A_33] : memref<128x128xf32, #tpu.memory_space<vmem>> -> memref<120x128xf32, #tpu.memory_space<vmem>>
      %dma_wait3A_35 = arith.constant 0 : i32
      %dma_wait3A_36 = tpu.memref_slice %arg9[%add3A_14, %dma_wait3A_35] : memref<10112x128xf32, #tpu.memory_space<vmem_shared>> -> memref<120x128xf32, #tpu.memory_space<vmem_shared>>
      %dma_wait3A_37 = arith.constant 0 : i32
      %dma_wait3A_38 = tpu.memref_slice %arg9[%add3A_14, %dma_wait3A_37] : memref<10112x128xf32, #tpu.memory_space<vmem_shared>> -> memref<120x128xf32, #tpu.memory_space<vmem_shared>>
      %dma_wait3A_39 = arith.constant 0 : i32
      %dma_wait3A_40 = arith.constant 0 : i32
      %dma_wait3A_41 = tpu.memref_slice %arg8[%dma_wait3A_39, %dma_wait3A_40] : memref<128x128xf32, #tpu.memory_space<vmem>> -> memref<120x128xf32, #tpu.memory_space<vmem>>
      tpu.wait_dma2 semaphore(%run_scoped3A : memref<!tpu.dma_semaphore, #tpu.memory_space<semaphore_mem>>) src(%dma_wait3A_41 : memref<120x128xf32, #tpu.memory_space<vmem>>) dst(%dma_wait3A_38 : memref<120x128xf32, #tpu.memory_space<vmem_shared>>)
      tpu.yield
    }) : () -> ()
    %barrier3A = arith.constant 0 : index
    tpu.barrier barrier_id(%barrier3A)
    %mul3A_15 = arith.constant 157 : i32
    %mul3A_16 = arith.muli %arg1, %mul3A_15 : i32
    %broadcast_in_dim3A = vector.broadcast %arg0 : i32 to vector<16xi32>
    %scan3A_17 = arith.constant 0 : i32
    %scan3A_18 = arith.constant 0 : i32
    %scan3A_19 = arith.constant 157 : i32
    %scan3A_20 = arith.addi %scan3A_18, %scan3A_19 : i32
    %scan3A_21 = arith.constant 1 : i32
    scf.for %scan3A_24 = %scan3A_18 to %scan3A_20 step %scan3A_21  : i32 {
      %add3A_25 = arith.addi %mul3A_16, %scan3A_24 : i32
      "tpu.region"() ({
        %run_scoped3A = tpu.sem_alloc : memref<!tpu.dma_semaphore, #tpu.memory_space<semaphore_mem>>
        %dma_start3A_92 = arith.constant 0 : i32
        %dma_start3A_93 = tpu.memref_slice %arg3[%add3A_25, %dma_start3A_92] : memref<2512x128xi32, #tpu.memory_space<hbm>> -> memref<1x128xi32, #tpu.memory_space<hbm>>
        %dma_start3A_94 = tpu.memref_squeeze %dma_start3A_93 : memref<1x128xi32, #tpu.memory_space<hbm>> -> memref<128xi32, #tpu.memory_space<hbm>>
        %dma_start3A_95 = arith.constant 0 : i32
        %dma_start3A_96 = tpu.memref_slice %arg3[%add3A_25, %dma_start3A_95] : memref<2512x128xi32, #tpu.memory_space<hbm>> -> memref<1x128xi32, #tpu.memory_space<hbm>>
        %dma_start3A_97 = tpu.memref_squeeze %dma_start3A_96 : memref<1x128xi32, #tpu.memory_space<hbm>> -> memref<128xi32, #tpu.memory_space<hbm>>
        tpu.enqueue_dma source(%dma_start3A_97 : memref<128xi32, #tpu.memory_space<hbm>>) target(%arg6 : memref<128xi32, #tpu.memory_space<vmem>>) target_semaphore(%run_scoped3A : memref<!tpu.dma_semaphore, #tpu.memory_space<semaphore_mem>>)
        %dma_wait3A_98 = arith.constant 0 : i32
        %dma_wait3A_99 = tpu.memref_slice %arg3[%add3A_25, %dma_wait3A_98] : memref<2512x128xi32, #tpu.memory_space<hbm>> -> memref<1x128xi32, #tpu.memory_space<hbm>>
        %dma_wait3A_100 = tpu.memref_squeeze %dma_wait3A_99 : memref<1x128xi32, #tpu.memory_space<hbm>> -> memref<128xi32, #tpu.memory_space<hbm>>
        %dma_wait3A_101 = arith.constant 0 : i32
        %dma_wait3A_102 = tpu.memref_slice %arg3[%add3A_25, %dma_wait3A_101] : memref<2512x128xi32, #tpu.memory_space<hbm>> -> memref<1x128xi32, #tpu.memory_space<hbm>>
        %dma_wait3A_103 = tpu.memref_squeeze %dma_wait3A_102 : memref<1x128xi32, #tpu.memory_space<hbm>> -> memref<128xi32, #tpu.memory_space<hbm>>
        tpu.wait_dma2 semaphore(%run_scoped3A : memref<!tpu.dma_semaphore, #tpu.memory_space<semaphore_mem>>) src(%dma_wait3A_103 : memref<128xi32, #tpu.memory_space<hbm>>) dst(%arg6 : memref<128xi32, #tpu.memory_space<vmem>>)
        tpu.yield
      }) : () -> ()
      %get3A = arith.constant 0 : index
      %get3A_26 = tpu.vector_load %arg6[%get3A] {strides = array<i32>} : memref<128xi32, #tpu.memory_space<vmem>>, vector<16xi32>,
      %get3A_27 = vector.shape_cast %get3A_26 : vector<16xi32> to vector<16xi32>
      %add3A_28 = arith.addi %get3A_27, %broadcast_in_dim3A : vector<16xi32>
      %swap3A = arith.constant 0 : index
      %swap3A_29 = tpu.vector_load %arg6[%swap3A] {strides = array<i32>} : memref<128xi32, #tpu.memory_space<vmem>>, vector<16xi32>,
      %swap3A_30 = vector.shape_cast %swap3A_29 : vector<16xi32> to vector<16xi32>
      %swap3A_31 = vector.shape_cast %add3A_28 : vector<16xi32> to vector<16xi32>
      tpu.vector_store %arg6[%swap3A], %swap3A_31 {strides = array<i32>} : memref<128xi32, #tpu.memory_space<vmem>>, vector<16xi32>,
      %get3A_32 = arith.constant 16 : index
      %get3A_33 = tpu.vector_load %arg6[%get3A_32] {strides = array<i32>} : memref<128xi32, #tpu.memory_space<vmem>>, vector<16xi32>,
      %get3A_34 = vector.shape_cast %get3A_33 : vector<16xi32> to vector<16xi32>
      %add3A_35 = arith.addi %get3A_34, %broadcast_in_dim3A : vector<16xi32>
      %swap3A_36 = arith.constant 16 : index
      %swap3A_37 = tpu.vector_load %arg6[%swap3A_36] {strides = array<i32>} : memref<128xi32, #tpu.memory_space<vmem>>, vector<16xi32>,
      %swap3A_38 = vector.shape_cast %swap3A_37 : vector<16xi32> to vector<16xi32>
      %swap3A_39 = vector.shape_cast %add3A_35 : vector<16xi32> to vector<16xi32>
      tpu.vector_store %arg6[%swap3A_36], %swap3A_39 {strides = array<i32>} : memref<128xi32, #tpu.memory_space<vmem>>, vector<16xi32>,
      %get3A_40 = arith.constant 32 : index
      %get3A_41 = tpu.vector_load %arg6[%get3A_40] {strides = array<i32>} : memref<128xi32, #tpu.memory_space<vmem>>, vector<16xi32>,
      %get3A_42 = vector.shape_cast %get3A_41 : vector<16xi32> to vector<16xi32>
      %add3A_43 = arith.addi %get3A_42, %broadcast_in_dim3A : vector<16xi32>
      %swap3A_44 = arith.constant 32 : index
      %swap3A_45 = tpu.vector_load %arg6[%swap3A_44] {strides = array<i32>} : memref<128xi32, #tpu.memory_space<vmem>>, vector<16xi32>,
      %swap3A_46 = vector.shape_cast %swap3A_45 : vector<16xi32> to vector<16xi32>
      %swap3A_47 = vector.shape_cast %add3A_43 : vector<16xi32> to vector<16xi32>
      tpu.vector_store %arg6[%swap3A_44], %swap3A_47 {strides = array<i32>} : memref<128xi32, #tpu.memory_space<vmem>>, vector<16xi32>,
      %get3A_48 = arith.constant 48 : index
      %get3A_49 = tpu.vector_load %arg6[%get3A_48] {strides = array<i32>} : memref<128xi32, #tpu.memory_space<vmem>>, vector<16xi32>,
      %get3A_50 = vector.shape_cast %get3A_49 : vector<16xi32> to vector<16xi32>
      %add3A_51 = arith.addi %get3A_50, %broadcast_in_dim3A : vector<16xi32>
      %swap3A_52 = arith.constant 48 : index
      %swap3A_53 = tpu.vector_load %arg6[%swap3A_52] {strides = array<i32>} : memref<128xi32, #tpu.memory_space<vmem>>, vector<16xi32>,
      %swap3A_54 = vector.shape_cast %swap3A_53 : vector<16xi32> to vector<16xi32>
      %swap3A_55 = vector.shape_cast %add3A_51 : vector<16xi32> to vector<16xi32>
      tpu.vector_store %arg6[%swap3A_52], %swap3A_55 {strides = array<i32>} : memref<128xi32, #tpu.memory_space<vmem>>, vector<16xi32>,
      %get3A_56 = arith.constant 64 : index
      %get3A_57 = tpu.vector_load %arg6[%get3A_56] {strides = array<i32>} : memref<128xi32, #tpu.memory_space<vmem>>, vector<16xi32>,
      %get3A_58 = vector.shape_cast %get3A_57 : vector<16xi32> to vector<16xi32>
      %add3A_59 = arith.addi %get3A_58, %broadcast_in_dim3A : vector<16xi32>
      %swap3A_60 = arith.constant 64 : index
      %swap3A_61 = tpu.vector_load %arg6[%swap3A_60] {strides = array<i32>} : memref<128xi32, #tpu.memory_space<vmem>>, vector<16xi32>,
      %swap3A_62 = vector.shape_cast %swap3A_61 : vector<16xi32> to vector<16xi32>
      %swap3A_63 = vector.shape_cast %add3A_59 : vector<16xi32> to vector<16xi32>
      tpu.vector_store %arg6[%swap3A_60], %swap3A_63 {strides = array<i32>} : memref<128xi32, #tpu.memory_space<vmem>>, vector<16xi32>,
      %get3A_64 = arith.constant 80 : index
      %get3A_65 = tpu.vector_load %arg6[%get3A_64] {strides = array<i32>} : memref<128xi32, #tpu.memory_space<vmem>>, vector<16xi32>,
      %get3A_66 = vector.shape_cast %get3A_65 : vector<16xi32> to vector<16xi32>
      %add3A_67 = arith.addi %get3A_66, %broadcast_in_dim3A : vector<16xi32>
      %swap3A_68 = arith.constant 80 : index
      %swap3A_69 = tpu.vector_load %arg6[%swap3A_68] {strides = array<i32>} : memref<128xi32, #tpu.memory_space<vmem>>, vector<16xi32>,
      %swap3A_70 = vector.shape_cast %swap3A_69 : vector<16xi32> to vector<16xi32>
      %swap3A_71 = vector.shape_cast %add3A_67 : vector<16xi32> to vector<16xi32>
      tpu.vector_store %arg6[%swap3A_68], %swap3A_71 {strides = array<i32>} : memref<128xi32, #tpu.memory_space<vmem>>, vector<16xi32>,
      %get3A_72 = arith.constant 96 : index
      %get3A_73 = tpu.vector_load %arg6[%get3A_72] {strides = array<i32>} : memref<128xi32, #tpu.memory_space<vmem>>, vector<16xi32>,
      %get3A_74 = vector.shape_cast %get3A_73 : vector<16xi32> to vector<16xi32>
      %add3A_75 = arith.addi %get3A_74, %broadcast_in_dim3A : vector<16xi32>
      %swap3A_76 = arith.constant 96 : index
      %swap3A_77 = tpu.vector_load %arg6[%swap3A_76] {strides = array<i32>} : memref<128xi32, #tpu.memory_space<vmem>>, vector<16xi32>,
      %swap3A_78 = vector.shape_cast %swap3A_77 : vector<16xi32> to vector<16xi32>
      %swap3A_79 = vector.shape_cast %add3A_75 : vector<16xi32> to vector<16xi32>
      tpu.vector_store %arg6[%swap3A_76], %swap3A_79 {strides = array<i32>} : memref<128xi32, #tpu.memory_space<vmem>>, vector<16xi32>,
      %get3A_80 = arith.constant 112 : index
      %get3A_81 = tpu.vector_load %arg6[%get3A_80] {strides = array<i32>} : memref<128xi32, #tpu.memory_space<vmem>>, vector<16xi32>,
      %get3A_82 = vector.shape_cast %get3A_81 : vector<16xi32> to vector<16xi32>
      %add3A_83 = arith.addi %get3A_82, %broadcast_in_dim3A : vector<16xi32>
      %swap3A_84 = arith.constant 112 : index
      %swap3A_85 = tpu.vector_load %arg6[%swap3A_84] {strides = array<i32>} : memref<128xi32, #tpu.memory_space<vmem>>, vector<16xi32>,
      %swap3A_86 = vector.shape_cast %swap3A_85 : vector<16xi32> to vector<16xi32>
      %swap3A_87 = vector.shape_cast %add3A_83 : vector<16xi32> to vector<16xi32>
      tpu.vector_store %arg6[%swap3A_84], %swap3A_87 {strides = array<i32>} : memref<128xi32, #tpu.memory_space<vmem>>, vector<16xi32>,
      %dma_start3A = arith.constant 0 : i32
      %dma_start3A_88 = arith.constant 0 : i32
      %dma_start3A_89 = tpu.memref_slice %arg2[%dma_start3A, %dma_start3A_88] : memref<20480x128xf32, #tpu.memory_space<hbm>> -> memref<20480x128xf32, #tpu.memory_space<hbm>>
      tpu.enqueue_indirect_dma source(%dma_start3A_89 : memref<20480x128xf32, #tpu.memory_space<hbm>>) target(%arg8 : memref<128x128xf32, #tpu.memory_space<vmem>>) offsets(%arg6 : memref<128xi32, #tpu.memory_space<vmem>>) semaphore(%arg10 : memref<!tpu.dma_semaphore, #tpu.memory_space<semaphore_mem>>)
      %dma_wait3A = arith.constant 0 : i32
      %dma_wait3A_90 = arith.constant 0 : i32
      %dma_wait3A_91 = tpu.memref_slice %arg2[%dma_wait3A, %dma_wait3A_90] : memref<20480x128xf32, #tpu.memory_space<hbm>> -> memref<20480x128xf32, #tpu.memory_space<hbm>>
      tpu.wait_indirect_dma semaphore(%arg10 : memref<!tpu.dma_semaphore, #tpu.memory_space<semaphore_mem>>) src(%dma_wait3A_91 : memref<20480x128xf32, #tpu.memory_space<hbm>>) dst(%arg8 : memref<128x128xf32, #tpu.memory_space<vmem>>)
      "tpu.region"() ({
        %run_scoped3A = tpu.sem_alloc : memref<!tpu.dma_semaphore, #tpu.memory_space<semaphore_mem>>
        %dma_start3A_92 = arith.constant 0 : i32
        %dma_start3A_93 = tpu.memref_slice %arg4[%add3A_25, %dma_start3A_92] : memref<2512x128xi32, #tpu.memory_space<hbm>> -> memref<1x128xi32, #tpu.memory_space<hbm>>
        %dma_start3A_94 = tpu.memref_squeeze %dma_start3A_93 : memref<1x128xi32, #tpu.memory_space<hbm>> -> memref<128xi32, #tpu.memory_space<hbm>>
        %dma_start3A_95 = arith.constant 0 : i32
        %dma_start3A_96 = tpu.memref_slice %arg4[%add3A_25, %dma_start3A_95] : memref<2512x128xi32, #tpu.memory_space<hbm>> -> memref<1x128xi32, #tpu.memory_space<hbm>>
        %dma_start3A_97 = tpu.memref_squeeze %dma_start3A_96 : memref<1x128xi32, #tpu.memory_space<hbm>> -> memref<128xi32, #tpu.memory_space<hbm>>
        tpu.enqueue_dma source(%dma_start3A_97 : memref<128xi32, #tpu.memory_space<hbm>>) target(%arg7 : memref<128xi32, #tpu.memory_space<vmem>>) target_semaphore(%run_scoped3A : memref<!tpu.dma_semaphore, #tpu.memory_space<semaphore_mem>>)
        %dma_wait3A_98 = arith.constant 0 : i32
        %dma_wait3A_99 = tpu.memref_slice %arg4[%add3A_25, %dma_wait3A_98] : memref<2512x128xi32, #tpu.memory_space<hbm>> -> memref<1x128xi32, #tpu.memory_space<hbm>>
        %dma_wait3A_100 = tpu.memref_squeeze %dma_wait3A_99 : memref<1x128xi32, #tpu.memory_space<hbm>> -> memref<128xi32, #tpu.memory_space<hbm>>
        %dma_wait3A_101 = arith.constant 0 : i32
        %dma_wait3A_102 = tpu.memref_slice %arg4[%add3A_25, %dma_wait3A_101] : memref<2512x128xi32, #tpu.memory_space<hbm>> -> memref<1x128xi32, #tpu.memory_space<hbm>>
        %dma_wait3A_103 = tpu.memref_squeeze %dma_wait3A_102 : memref<1x128xi32, #tpu.memory_space<hbm>> -> memref<128xi32, #tpu.memory_space<hbm>>
        tpu.wait_dma2 semaphore(%run_scoped3A : memref<!tpu.dma_semaphore, #tpu.memory_space<semaphore_mem>>) src(%dma_wait3A_103 : memref<128xi32, #tpu.memory_space<hbm>>) dst(%arg7 : memref<128xi32, #tpu.memory_space<vmem>>)
        tpu.yield
      }) : () -> ()
      "tpu.region"() ({
        %run_scoped3A = tpu.sem_alloc : memref<!tpu.dma_semaphore, #tpu.memory_space<semaphore_mem>>
        %dma_start3A_92 = arith.constant 0 : i32
        %dma_start3A_93 = arith.constant 0 : i32
        %dma_start3A_94 = tpu.memref_slice %arg9[%dma_start3A_92, %dma_start3A_93] : memref<10112x128xf32, #tpu.memory_space<vmem_shared>> -> memref<10112x128xf32, #tpu.memory_space<vmem_shared>>
        tpu.enqueue_indirect_dma source(%arg8 : memref<128x128xf32, #tpu.memory_space<vmem>>) target(%dma_start3A_94 : memref<10112x128xf32, #tpu.memory_space<vmem_shared>>) offsets(%arg7 : memref<128xi32, #tpu.memory_space<vmem>>) semaphore(%run_scoped3A : memref<!tpu.dma_semaphore, #tpu.memory_space<semaphore_mem>>) {add = true}
        %dma_wait3A_95 = arith.constant 0 : i32
        %dma_wait3A_96 = arith.constant 0 : i32
        %dma_wait3A_97 = tpu.memref_slice %arg9[%dma_wait3A_95, %dma_wait3A_96] : memref<10112x128xf32, #tpu.memory_space<vmem_shared>> -> memref<10112x128xf32, #tpu.memory_space<vmem_shared>>
        tpu.wait_indirect_dma semaphore(%run_scoped3A : memref<!tpu.dma_semaphore, #tpu.memory_space<semaphore_mem>>) src(%arg8 : memref<128x128xf32, #tpu.memory_space<vmem>>) dst(%dma_wait3A_97 : memref<10112x128xf32, #tpu.memory_space<vmem_shared>>)
        tpu.yield
      }) : () -> ()
    }
    %scan3A_22 = arith.constant 157 : i32
    %barrier3A_23 = arith.constant 0 : index
    tpu.barrier barrier_id(%barrier3A_23)
    "tpu.region"() ({
      %run_scoped3A = tpu.sem_alloc : memref<!tpu.dma_semaphore, #tpu.memory_space<semaphore_mem>>
      %dma_start3A = arith.constant 0 : i32
      %dma_start3A_24 = tpu.memref_slice %arg5[%arg0, %mul3A_5, %dma_start3A] : memref<2x10112x128xf32, #tpu.memory_space<hbm>> -> memref<1x632x128xf32, #tpu.memory_space<hbm>>
      %dma_start3A_25 = tpu.memref_squeeze %dma_start3A_24 : memref<1x632x128xf32, #tpu.memory_space<hbm>> -> memref<632x128xf32, #tpu.memory_space<hbm>>
      %dma_start3A_26 = arith.constant 0 : i32
      %dma_start3A_27 = tpu.memref_slice %arg9[%mul3A_5, %dma_start3A_26] : memref<10112x128xf32, #tpu.memory_space<vmem_shared>> -> memref<632x128xf32, #tpu.memory_space<vmem_shared>>
      tpu.enqueue_dma source(%dma_start3A_27 : memref<632x128xf32, #tpu.memory_space<vmem_shared>>) target(%dma_start3A_25 : memref<632x128xf32, #tpu.memory_space<hbm>>) target_semaphore(%run_scoped3A : memref<!tpu.dma_semaphore, #tpu.memory_space<semaphore_mem>>)
      %dma_wait3A = arith.constant 0 : i32
      %dma_wait3A_28 = tpu.memref_slice %arg5[%arg0, %mul3A_5, %dma_wait3A] : memref<2x10112x128xf32, #tpu.memory_space<hbm>> -> memref<1x632x128xf32, #tpu.memory_space<hbm>>
      %dma_wait3A_29 = tpu.memref_squeeze %dma_wait3A_28 : memref<1x632x128xf32, #tpu.memory_space<hbm>> -> memref<632x128xf32, #tpu.memory_space<hbm>>
      %dma_wait3A_30 = arith.constant 0 : i32
      %dma_wait3A_31 = tpu.memref_slice %arg9[%mul3A_5, %dma_wait3A_30] : memref<10112x128xf32, #tpu.memory_space<vmem_shared>> -> memref<632x128xf32, #tpu.memory_space<vmem_shared>>
      tpu.wait_dma2 semaphore(%run_scoped3A : memref<!tpu.dma_semaphore, #tpu.memory_space<semaphore_mem>>) src(%dma_wait3A_31 : memref<632x128xf32, #tpu.memory_space<vmem_shared>>) dst(%dma_wait3A_29 : memref<632x128xf32, #tpu.memory_space<hbm>>)
      tpu.yield
    }) : () -> ()
    return
  }
}

#map = affine_map<(d0, d1) -> (0)>
#map1 = affine_map<(d0, d1) -> (0, 0)>
module attributes {stable_mosaic.version = 14 : i64} {
  func.func @_pool(%arg0: i32, %arg1: i32, %arg2: memref<2621440xf32, #tpu.memory_space<hbm>>, %arg3: memref<10240xi32, #tpu.memory_space<hbm>>, %arg4: memref<32x34816xf32, #tpu.memory_space<hbm>>, %arg5: memref<32x32768xf32, #tpu.memory_space<hbm>>, %arg6: memref<336xi32, #tpu.memory_space<vmem>>, %arg7: memref<16384xf32, #tpu.memory_space<vmem>>, %arg8: memref<35088xf32, #tpu.memory_space<vmem>>, %arg9: memref<33024xf32, #tpu.memory_space<vmem>>) attributes {dimension_semantics = [#tpu.dimension_semantics<core_parallel>, #tpu.dimension_semantics<subcore_parallel>], iteration_bounds = array<i64: 2, 16>, scalar_prefetch = 0 : i64, scratch_operands = 4 : i64, tpu.core_type = #tpu.core_type<sc_vector_subcore>, window_params = [{transform_indices = #map}, {transform_indices = #map}, {transform_indices = #map1}, {transform_indices = #map1}]} {
    %mul3A = arith.constant 2 : i32
    %mul3A_0 = arith.muli %arg1, %mul3A : i32
    %add3A = arith.addi %mul3A_0, %arg0 : i32
    %mul3A_1 = arith.constant 320 : i32
    %mul3A_2 = arith.muli %add3A, %mul3A_1 : i32
    %broadcast_in_dim3A = arith.constant 0.000000e+00 : f32
    %broadcast_in_dim3A_3 = vector.broadcast %broadcast_in_dim3A : f32 to vector<16xf32>
    %broadcast_in_dim3A_4 = arith.constant -3.400000e+38 : f32
    %broadcast_in_dim3A_5 = vector.broadcast %broadcast_in_dim3A_4 : f32 to vector<16xf32>
    %broadcast_in_dim3A_6 = arith.constant 1.000000e+00 : f32
    %broadcast_in_dim3A_7 = vector.broadcast %broadcast_in_dim3A_6 : f32 to vector<16xf32>
    %scan3A = arith.constant 0 : i32
    %scan3A_8 = arith.constant 0 : i32
    %scan3A_9 = arith.constant 548 : i32
    %scan3A_10 = arith.addi %scan3A_8, %scan3A_9 : i32
    %scan3A_11 = arith.constant 1 : i32
    scf.for %scan3A_28 = %scan3A_8 to %scan3A_10 step %scan3A_11  : i32 {
      %mul3A_29 = arith.constant 64 : i32
      %mul3A_30 = arith.muli %scan3A_28, %mul3A_29 : i32
      %add3A_31 = arith.constant 0 : i32
      %add3A_32 = arith.addi %mul3A_30, %add3A_31 : i32
      %swap3A_33 = arith.index_cast %add3A_32 : i32 to index
      %swap3A_34 = tpu.vector_load %arg8[%swap3A_33] {strides = array<i32>} : memref<35088xf32, #tpu.memory_space<vmem>>, vector<16xf32>,
      %swap3A_35 = vector.shape_cast %swap3A_34 : vector<16xf32> to vector<16xf32>
      %swap3A_36 = vector.shape_cast %broadcast_in_dim3A_3 : vector<16xf32> to vector<16xf32>
      tpu.vector_store %arg8[%swap3A_33], %swap3A_36 {strides = array<i32>} : memref<35088xf32, #tpu.memory_space<vmem>>, vector<16xf32>,
      %mul3A_37 = arith.constant 64 : i32
      %mul3A_38 = arith.muli %scan3A_28, %mul3A_37 : i32
      %add3A_39 = arith.constant 16 : i32
      %add3A_40 = arith.addi %mul3A_38, %add3A_39 : i32
      %swap3A_41 = arith.index_cast %add3A_40 : i32 to index
      %swap3A_42 = tpu.vector_load %arg8[%swap3A_41] {strides = array<i32>} : memref<35088xf32, #tpu.memory_space<vmem>>, vector<16xf32>,
      %swap3A_43 = vector.shape_cast %swap3A_42 : vector<16xf32> to vector<16xf32>
      %swap3A_44 = vector.shape_cast %broadcast_in_dim3A_3 : vector<16xf32> to vector<16xf32>
      tpu.vector_store %arg8[%swap3A_41], %swap3A_44 {strides = array<i32>} : memref<35088xf32, #tpu.memory_space<vmem>>, vector<16xf32>,
      %mul3A_45 = arith.constant 64 : i32
      %mul3A_46 = arith.muli %scan3A_28, %mul3A_45 : i32
      %add3A_47 = arith.constant 32 : i32
      %add3A_48 = arith.addi %mul3A_46, %add3A_47 : i32
      %swap3A_49 = arith.index_cast %add3A_48 : i32 to index
      %swap3A_50 = tpu.vector_load %arg8[%swap3A_49] {strides = array<i32>} : memref<35088xf32, #tpu.memory_space<vmem>>, vector<16xf32>,
      %swap3A_51 = vector.shape_cast %swap3A_50 : vector<16xf32> to vector<16xf32>
      %swap3A_52 = vector.shape_cast %broadcast_in_dim3A_3 : vector<16xf32> to vector<16xf32>
      tpu.vector_store %arg8[%swap3A_49], %swap3A_52 {strides = array<i32>} : memref<35088xf32, #tpu.memory_space<vmem>>, vector<16xf32>,
      %mul3A_53 = arith.constant 64 : i32
      %mul3A_54 = arith.muli %scan3A_28, %mul3A_53 : i32
      %add3A_55 = arith.constant 48 : i32
      %add3A_56 = arith.addi %mul3A_54, %add3A_55 : i32
      %swap3A_57 = arith.index_cast %add3A_56 : i32 to index
      %swap3A_58 = tpu.vector_load %arg8[%swap3A_57] {strides = array<i32>} : memref<35088xf32, #tpu.memory_space<vmem>>, vector<16xf32>,
      %swap3A_59 = vector.shape_cast %swap3A_58 : vector<16xf32> to vector<16xf32>
      %swap3A_60 = vector.shape_cast %broadcast_in_dim3A_3 : vector<16xf32> to vector<16xf32>
      tpu.vector_store %arg8[%swap3A_57], %swap3A_60 {strides = array<i32>} : memref<35088xf32, #tpu.memory_space<vmem>>, vector<16xf32>,
    }
    %scan3A_12 = arith.constant 548 : i32
    %swap3A = arith.constant 35072 : index
    %swap3A_13 = tpu.vector_load %arg8[%swap3A] {strides = array<i32>} : memref<35088xf32, #tpu.memory_space<vmem>>, vector<16xf32>,
    %swap3A_14 = vector.shape_cast %swap3A_13 : vector<16xf32> to vector<16xf32>
    %swap3A_15 = vector.shape_cast %broadcast_in_dim3A_3 : vector<16xf32> to vector<16xf32>
    tpu.vector_store %arg8[%swap3A], %swap3A_15 {strides = array<i32>} : memref<35088xf32, #tpu.memory_space<vmem>>, vector<16xf32>,
    %scan3A_16 = arith.constant 0 : i32
    %scan3A_17 = arith.constant 0 : i32
    %scan3A_18 = arith.constant 516 : i32
    %scan3A_19 = arith.addi %scan3A_17, %scan3A_18 : i32
    %scan3A_20 = arith.constant 1 : i32
    scf.for %scan3A_28 = %scan3A_17 to %scan3A_19 step %scan3A_20  : i32 {
      %mul3A_29 = arith.constant 64 : i32
      %mul3A_30 = arith.muli %scan3A_28, %mul3A_29 : i32
      %add3A_31 = arith.constant 0 : i32
      %add3A_32 = arith.addi %mul3A_30, %add3A_31 : i32
      %swap3A_33 = arith.index_cast %add3A_32 : i32 to index
      %swap3A_34 = tpu.vector_load %arg9[%swap3A_33] {strides = array<i32>} : memref<33024xf32, #tpu.memory_space<vmem>>, vector<16xf32>,
      %swap3A_35 = vector.shape_cast %swap3A_34 : vector<16xf32> to vector<16xf32>
      %swap3A_36 = vector.shape_cast %broadcast_in_dim3A_5 : vector<16xf32> to vector<16xf32>
      tpu.vector_store %arg9[%swap3A_33], %swap3A_36 {strides = array<i32>} : memref<33024xf32, #tpu.memory_space<vmem>>, vector<16xf32>,
      %mul3A_37 = arith.constant 64 : i32
      %mul3A_38 = arith.muli %scan3A_28, %mul3A_37 : i32
      %add3A_39 = arith.constant 16 : i32
      %add3A_40 = arith.addi %mul3A_38, %add3A_39 : i32
      %swap3A_41 = arith.index_cast %add3A_40 : i32 to index
      %swap3A_42 = tpu.vector_load %arg9[%swap3A_41] {strides = array<i32>} : memref<33024xf32, #tpu.memory_space<vmem>>, vector<16xf32>,
      %swap3A_43 = vector.shape_cast %swap3A_42 : vector<16xf32> to vector<16xf32>
      %swap3A_44 = vector.shape_cast %broadcast_in_dim3A_5 : vector<16xf32> to vector<16xf32>
      tpu.vector_store %arg9[%swap3A_41], %swap3A_44 {strides = array<i32>} : memref<33024xf32, #tpu.memory_space<vmem>>, vector<16xf32>,
      %mul3A_45 = arith.constant 64 : i32
      %mul3A_46 = arith.muli %scan3A_28, %mul3A_45 : i32
      %add3A_47 = arith.constant 32 : i32
      %add3A_48 = arith.addi %mul3A_46, %add3A_47 : i32
      %swap3A_49 = arith.index_cast %add3A_48 : i32 to index
      %swap3A_50 = tpu.vector_load %arg9[%swap3A_49] {strides = array<i32>} : memref<33024xf32, #tpu.memory_space<vmem>>, vector<16xf32>,
      %swap3A_51 = vector.shape_cast %swap3A_50 : vector<16xf32> to vector<16xf32>
      %swap3A_52 = vector.shape_cast %broadcast_in_dim3A_5 : vector<16xf32> to vector<16xf32>
      tpu.vector_store %arg9[%swap3A_49], %swap3A_52 {strides = array<i32>} : memref<33024xf32, #tpu.memory_space<vmem>>, vector<16xf32>,
      %mul3A_53 = arith.constant 64 : i32
      %mul3A_54 = arith.muli %scan3A_28, %mul3A_53 : i32
      %add3A_55 = arith.constant 48 : i32
      %add3A_56 = arith.addi %mul3A_54, %add3A_55 : i32
      %swap3A_57 = arith.index_cast %add3A_56 : i32 to index
      %swap3A_58 = tpu.vector_load %arg9[%swap3A_57] {strides = array<i32>} : memref<33024xf32, #tpu.memory_space<vmem>>, vector<16xf32>,
      %swap3A_59 = vector.shape_cast %swap3A_58 : vector<16xf32> to vector<16xf32>
      %swap3A_60 = vector.shape_cast %broadcast_in_dim3A_5 : vector<16xf32> to vector<16xf32>
      tpu.vector_store %arg9[%swap3A_57], %swap3A_60 {strides = array<i32>} : memref<33024xf32, #tpu.memory_space<vmem>>, vector<16xf32>,
    }
    %scan3A_21 = arith.constant 516 : i32
    "tpu.region"() ({
      %run_scoped3A = tpu.sem_alloc : memref<!tpu.dma_semaphore, #tpu.memory_space<semaphore_mem>>
      %dma_start3A = arith.constant 0 : i32
      %dma_start3A_28 = tpu.memref_slice %arg6[%dma_start3A] : memref<336xi32, #tpu.memory_space<vmem>> -> memref<320xi32, #tpu.memory_space<vmem>>
      %dma_start3A_29 = tpu.memref_slice %arg3[%mul3A_2] : memref<10240xi32, #tpu.memory_space<hbm>> -> memref<320xi32, #tpu.memory_space<hbm>>
      %dma_start3A_30 = arith.constant 0 : i32
      %dma_start3A_31 = tpu.memref_slice %arg6[%dma_start3A_30] : memref<336xi32, #tpu.memory_space<vmem>> -> memref<320xi32, #tpu.memory_space<vmem>>
      %dma_start3A_32 = tpu.memref_slice %arg3[%mul3A_2] : memref<10240xi32, #tpu.memory_space<hbm>> -> memref<320xi32, #tpu.memory_space<hbm>>
      tpu.enqueue_dma source(%dma_start3A_32 : memref<320xi32, #tpu.memory_space<hbm>>) target(%dma_start3A_31 : memref<320xi32, #tpu.memory_space<vmem>>) target_semaphore(%run_scoped3A : memref<!tpu.dma_semaphore, #tpu.memory_space<semaphore_mem>>)
      %dma_wait3A = arith.constant 0 : i32
      %dma_wait3A_33 = tpu.memref_slice %arg6[%dma_wait3A] : memref<336xi32, #tpu.memory_space<vmem>> -> memref<320xi32, #tpu.memory_space<vmem>>
      %dma_wait3A_34 = tpu.memref_slice %arg3[%mul3A_2] : memref<10240xi32, #tpu.memory_space<hbm>> -> memref<320xi32, #tpu.memory_space<hbm>>
      %dma_wait3A_35 = arith.constant 0 : i32
      %dma_wait3A_36 = tpu.memref_slice %arg6[%dma_wait3A_35] : memref<336xi32, #tpu.memory_space<vmem>> -> memref<320xi32, #tpu.memory_space<vmem>>
      %dma_wait3A_37 = tpu.memref_slice %arg3[%mul3A_2] : memref<10240xi32, #tpu.memory_space<hbm>> -> memref<320xi32, #tpu.memory_space<hbm>>
      tpu.wait_dma2 semaphore(%run_scoped3A : memref<!tpu.dma_semaphore, #tpu.memory_space<semaphore_mem>>) src(%dma_wait3A_37 : memref<320xi32, #tpu.memory_space<hbm>>) dst(%dma_wait3A_36 : memref<320xi32, #tpu.memory_space<vmem>>)
      tpu.yield
    }) : () -> ()
    %scan3A_22 = arith.constant 0 : i32
    %scan3A_23 = arith.constant 0 : i32
    %scan3A_24 = arith.constant 5 : i32
    %scan3A_25 = arith.addi %scan3A_23, %scan3A_24 : i32
    %scan3A_26 = arith.constant 1 : i32
    scf.for %scan3A_28 = %scan3A_23 to %scan3A_25 step %scan3A_26  : i32 {
      %mul3A_29 = arith.constant 64 : i32
      %mul3A_30 = arith.muli %scan3A_28, %mul3A_29 : i32
      %add3A_31 = arith.addi %mul3A_2, %mul3A_30 : i32
      %mul3A_32 = arith.constant 256 : i32
      %mul3A_33 = arith.muli %add3A_31, %mul3A_32 : i32
      "tpu.region"() ({
        %run_scoped3A = tpu.sem_alloc : memref<!tpu.dma_semaphore, #tpu.memory_space<semaphore_mem>>
        %dma_start3A = tpu.memref_slice %arg2[%mul3A_33] : memref<2621440xf32, #tpu.memory_space<hbm>> -> memref<16384xf32, #tpu.memory_space<hbm>>
        %dma_start3A_40 = tpu.memref_slice %arg2[%mul3A_33] : memref<2621440xf32, #tpu.memory_space<hbm>> -> memref<16384xf32, #tpu.memory_space<hbm>>
        tpu.enqueue_dma source(%dma_start3A_40 : memref<16384xf32, #tpu.memory_space<hbm>>) target(%arg7 : memref<16384xf32, #tpu.memory_space<vmem>>) target_semaphore(%run_scoped3A : memref<!tpu.dma_semaphore, #tpu.memory_space<semaphore_mem>>)
        %dma_wait3A = tpu.memref_slice %arg2[%mul3A_33] : memref<2621440xf32, #tpu.memory_space<hbm>> -> memref<16384xf32, #tpu.memory_space<hbm>>
        %dma_wait3A_41 = tpu.memref_slice %arg2[%mul3A_33] : memref<2621440xf32, #tpu.memory_space<hbm>> -> memref<16384xf32, #tpu.memory_space<hbm>>
        tpu.wait_dma2 semaphore(%run_scoped3A : memref<!tpu.dma_semaphore, #tpu.memory_space<semaphore_mem>>) src(%dma_wait3A_41 : memref<16384xf32, #tpu.memory_space<hbm>>) dst(%arg7 : memref<16384xf32, #tpu.memory_space<vmem>>)
        tpu.yield
      }) : () -> ()
      %scan3A_34 = arith.constant 0 : i32
      %scan3A_35 = arith.constant 0 : i32
      %scan3A_36 = arith.constant 64 : i32
      %scan3A_37 = arith.addi %scan3A_35, %scan3A_36 : i32
      %scan3A_38 = arith.constant 1 : i32
      scf.for %scan3A_40 = %scan3A_35 to %scan3A_37 step %scan3A_38  : i32 {
        %mul3A_41 = arith.constant 64 : i32
        %mul3A_42 = arith.muli %scan3A_28, %mul3A_41 : i32
        %add3A_43 = arith.addi %mul3A_42, %scan3A_40 : i32
        %get3A = arith.index_cast %add3A_43 : i32 to index
        %get3A_44 = tpu.vector_load %arg6[%get3A] {strides = array<i32>} : memref<336xi32, #tpu.memory_space<vmem>>, vector<16xi32>,
        %get3A_45 = vector.shape_cast %get3A_44 : vector<16xi32> to vector<16xi32>
        %slice3A = vector.extract_strided_slice %get3A_45 {offsets = [0], sizes = [1], strides = [1]} : vector<16xi32> to vector<1xi32>
        %squeeze3A = vector.extract %slice3A[0] : i32 from vector<1xi32>
        %mul3A_46 = arith.constant 272 : i32
        %mul3A_47 = arith.muli %squeeze3A, %mul3A_46 : i32
        %mul3A_48 = arith.constant 256 : i32
        %mul3A_49 = arith.muli %squeeze3A, %mul3A_48 : i32
        %mul3A_50 = arith.constant 256 : i32
        %mul3A_51 = arith.muli %scan3A_40, %mul3A_50 : i32
        %add3A_52 = arith.constant 0 : i32
        %add3A_53 = arith.addi %mul3A_51, %add3A_52 : i32
        %get3A_54 = arith.index_cast %add3A_53 : i32 to index
        %get3A_55 = tpu.vector_load %arg7[%get3A_54] {strides = array<i32>} : memref<16384xf32, #tpu.memory_space<vmem>>, vector<16xf32>,
        %get3A_56 = vector.shape_cast %get3A_55 : vector<16xf32> to vector<16xf32>
        %add3A_57 = arith.constant 0 : i32
        %add3A_58 = arith.addi %mul3A_47, %add3A_57 : i32
        %get3A_59 = arith.index_cast %add3A_58 : i32 to index
        %get3A_60 = tpu.vector_load %arg8[%get3A_59] {strides = array<i32>} : memref<35088xf32, #tpu.memory_space<vmem>>, vector<16xf32>,
        %get3A_61 = vector.shape_cast %get3A_60 : vector<16xf32> to vector<16xf32>
        %add3A_62 = arith.addf %get3A_61, %get3A_56 : vector<16xf32>
        %add3A_63 = arith.constant 0 : i32
        %add3A_64 = arith.addi %mul3A_47, %add3A_63 : i32
        %swap3A_65 = arith.index_cast %add3A_64 : i32 to index
        %swap3A_66 = tpu.vector_load %arg8[%swap3A_65] {strides = array<i32>} : memref<35088xf32, #tpu.memory_space<vmem>>, vector<16xf32>,
        %swap3A_67 = vector.shape_cast %swap3A_66 : vector<16xf32> to vector<16xf32>
        %swap3A_68 = vector.shape_cast %add3A_62 : vector<16xf32> to vector<16xf32>
        tpu.vector_store %arg8[%swap3A_65], %swap3A_68 {strides = array<i32>} : memref<35088xf32, #tpu.memory_space<vmem>>, vector<16xf32>,
        %add3A_69 = arith.constant 0 : i32
        %add3A_70 = arith.addi %mul3A_49, %add3A_69 : i32
        %get3A_71 = arith.index_cast %add3A_70 : i32 to index
        %get3A_72 = tpu.vector_load %arg9[%get3A_71] {strides = array<i32>} : memref<33024xf32, #tpu.memory_space<vmem>>, vector<16xf32>,
        %get3A_73 = vector.shape_cast %get3A_72 : vector<16xf32> to vector<16xf32>
        %max3A = arith.maximumf %get3A_73, %get3A_56 : vector<16xf32>
        %add3A_74 = arith.constant 0 : i32
        %add3A_75 = arith.addi %mul3A_49, %add3A_74 : i32
        %swap3A_76 = arith.index_cast %add3A_75 : i32 to index
        %swap3A_77 = tpu.vector_load %arg9[%swap3A_76] {strides = array<i32>} : memref<33024xf32, #tpu.memory_space<vmem>>, vector<16xf32>,
        %swap3A_78 = vector.shape_cast %swap3A_77 : vector<16xf32> to vector<16xf32>
        %swap3A_79 = vector.shape_cast %max3A : vector<16xf32> to vector<16xf32>
        tpu.vector_store %arg9[%swap3A_76], %swap3A_79 {strides = array<i32>} : memref<33024xf32, #tpu.memory_space<vmem>>, vector<16xf32>,
        %mul3A_80 = arith.constant 256 : i32
        %mul3A_81 = arith.muli %scan3A_40, %mul3A_80 : i32
        %add3A_82 = arith.constant 16 : i32
        %add3A_83 = arith.addi %mul3A_81, %add3A_82 : i32
        %get3A_84 = arith.index_cast %add3A_83 : i32 to index
        %get3A_85 = tpu.vector_load %arg7[%get3A_84] {strides = array<i32>} : memref<16384xf32, #tpu.memory_space<vmem>>, vector<16xf32>,
        %get3A_86 = vector.shape_cast %get3A_85 : vector<16xf32> to vector<16xf32>
        %add3A_87 = arith.constant 16 : i32
        %add3A_88 = arith.addi %mul3A_47, %add3A_87 : i32
        %get3A_89 = arith.index_cast %add3A_88 : i32 to index
        %get3A_90 = tpu.vector_load %arg8[%get3A_89] {strides = array<i32>} : memref<35088xf32, #tpu.memory_space<vmem>>, vector<16xf32>,
        %get3A_91 = vector.shape_cast %get3A_90 : vector<16xf32> to vector<16xf32>
        %add3A_92 = arith.addf %get3A_91, %get3A_86 : vector<16xf32>
        %add3A_93 = arith.constant 16 : i32
        %add3A_94 = arith.addi %mul3A_47, %add3A_93 : i32
        %swap3A_95 = arith.index_cast %add3A_94 : i32 to index
        %swap3A_96 = tpu.vector_load %arg8[%swap3A_95] {strides = array<i32>} : memref<35088xf32, #tpu.memory_space<vmem>>, vector<16xf32>,
        %swap3A_97 = vector.shape_cast %swap3A_96 : vector<16xf32> to vector<16xf32>
        %swap3A_98 = vector.shape_cast %add3A_92 : vector<16xf32> to vector<16xf32>
        tpu.vector_store %arg8[%swap3A_95], %swap3A_98 {strides = array<i32>} : memref<35088xf32, #tpu.memory_space<vmem>>, vector<16xf32>,
        %add3A_99 = arith.constant 16 : i32
        %add3A_100 = arith.addi %mul3A_49, %add3A_99 : i32
        %get3A_101 = arith.index_cast %add3A_100 : i32 to index
        %get3A_102 = tpu.vector_load %arg9[%get3A_101] {strides = array<i32>} : memref<33024xf32, #tpu.memory_space<vmem>>, vector<16xf32>,
        %get3A_103 = vector.shape_cast %get3A_102 : vector<16xf32> to vector<16xf32>
        %max3A_104 = arith.maximumf %get3A_103, %get3A_86 : vector<16xf32>
        %add3A_105 = arith.constant 16 : i32
        %add3A_106 = arith.addi %mul3A_49, %add3A_105 : i32
        %swap3A_107 = arith.index_cast %add3A_106 : i32 to index
        %swap3A_108 = tpu.vector_load %arg9[%swap3A_107] {strides = array<i32>} : memref<33024xf32, #tpu.memory_space<vmem>>, vector<16xf32>,
        %swap3A_109 = vector.shape_cast %swap3A_108 : vector<16xf32> to vector<16xf32>
        %swap3A_110 = vector.shape_cast %max3A_104 : vector<16xf32> to vector<16xf32>
        tpu.vector_store %arg9[%swap3A_107], %swap3A_110 {strides = array<i32>} : memref<33024xf32, #tpu.memory_space<vmem>>, vector<16xf32>,
        %mul3A_111 = arith.constant 256 : i32
        %mul3A_112 = arith.muli %scan3A_40, %mul3A_111 : i32
        %add3A_113 = arith.constant 32 : i32
        %add3A_114 = arith.addi %mul3A_112, %add3A_113 : i32
        %get3A_115 = arith.index_cast %add3A_114 : i32 to index
        %get3A_116 = tpu.vector_load %arg7[%get3A_115] {strides = array<i32>} : memref<16384xf32, #tpu.memory_space<vmem>>, vector<16xf32>,
        %get3A_117 = vector.shape_cast %get3A_116 : vector<16xf32> to vector<16xf32>
        %add3A_118 = arith.constant 32 : i32
        %add3A_119 = arith.addi %mul3A_47, %add3A_118 : i32
        %get3A_120 = arith.index_cast %add3A_119 : i32 to index
        %get3A_121 = tpu.vector_load %arg8[%get3A_120] {strides = array<i32>} : memref<35088xf32, #tpu.memory_space<vmem>>, vector<16xf32>,
        %get3A_122 = vector.shape_cast %get3A_121 : vector<16xf32> to vector<16xf32>
        %add3A_123 = arith.addf %get3A_122, %get3A_117 : vector<16xf32>
        %add3A_124 = arith.constant 32 : i32
        %add3A_125 = arith.addi %mul3A_47, %add3A_124 : i32
        %swap3A_126 = arith.index_cast %add3A_125 : i32 to index
        %swap3A_127 = tpu.vector_load %arg8[%swap3A_126] {strides = array<i32>} : memref<35088xf32, #tpu.memory_space<vmem>>, vector<16xf32>,
        %swap3A_128 = vector.shape_cast %swap3A_127 : vector<16xf32> to vector<16xf32>
        %swap3A_129 = vector.shape_cast %add3A_123 : vector<16xf32> to vector<16xf32>
        tpu.vector_store %arg8[%swap3A_126], %swap3A_129 {strides = array<i32>} : memref<35088xf32, #tpu.memory_space<vmem>>, vector<16xf32>,
        %add3A_130 = arith.constant 32 : i32
        %add3A_131 = arith.addi %mul3A_49, %add3A_130 : i32
        %get3A_132 = arith.index_cast %add3A_131 : i32 to index
        %get3A_133 = tpu.vector_load %arg9[%get3A_132] {strides = array<i32>} : memref<33024xf32, #tpu.memory_space<vmem>>, vector<16xf32>,
        %get3A_134 = vector.shape_cast %get3A_133 : vector<16xf32> to vector<16xf32>
        %max3A_135 = arith.maximumf %get3A_134, %get3A_117 : vector<16xf32>
        %add3A_136 = arith.constant 32 : i32
        %add3A_137 = arith.addi %mul3A_49, %add3A_136 : i32
        %swap3A_138 = arith.index_cast %add3A_137 : i32 to index
        %swap3A_139 = tpu.vector_load %arg9[%swap3A_138] {strides = array<i32>} : memref<33024xf32, #tpu.memory_space<vmem>>, vector<16xf32>,
        %swap3A_140 = vector.shape_cast %swap3A_139 : vector<16xf32> to vector<16xf32>
        %swap3A_141 = vector.shape_cast %max3A_135 : vector<16xf32> to vector<16xf32>
        tpu.vector_store %arg9[%swap3A_138], %swap3A_141 {strides = array<i32>} : memref<33024xf32, #tpu.memory_space<vmem>>, vector<16xf32>,
        %mul3A_142 = arith.constant 256 : i32
        %mul3A_143 = arith.muli %scan3A_40, %mul3A_142 : i32
        %add3A_144 = arith.constant 48 : i32
        %add3A_145 = arith.addi %mul3A_143, %add3A_144 : i32
        %get3A_146 = arith.index_cast %add3A_145 : i32 to index
        %get3A_147 = tpu.vector_load %arg7[%get3A_146] {strides = array<i32>} : memref<16384xf32, #tpu.memory_space<vmem>>, vector<16xf32>,
        %get3A_148 = vector.shape_cast %get3A_147 : vector<16xf32> to vector<16xf32>
        %add3A_149 = arith.constant 48 : i32
        %add3A_150 = arith.addi %mul3A_47, %add3A_149 : i32
        %get3A_151 = arith.index_cast %add3A_150 : i32 to index
        %get3A_152 = tpu.vector_load %arg8[%get3A_151] {strides = array<i32>} : memref<35088xf32, #tpu.memory_space<vmem>>, vector<16xf32>,
        %get3A_153 = vector.shape_cast %get3A_152 : vector<16xf32> to vector<16xf32>
        %add3A_154 = arith.addf %get3A_153, %get3A_148 : vector<16xf32>
        %add3A_155 = arith.constant 48 : i32
        %add3A_156 = arith.addi %mul3A_47, %add3A_155 : i32
        %swap3A_157 = arith.index_cast %add3A_156 : i32 to index
        %swap3A_158 = tpu.vector_load %arg8[%swap3A_157] {strides = array<i32>} : memref<35088xf32, #tpu.memory_space<vmem>>, vector<16xf32>,
        %swap3A_159 = vector.shape_cast %swap3A_158 : vector<16xf32> to vector<16xf32>
        %swap3A_160 = vector.shape_cast %add3A_154 : vector<16xf32> to vector<16xf32>
        tpu.vector_store %arg8[%swap3A_157], %swap3A_160 {strides = array<i32>} : memref<35088xf32, #tpu.memory_space<vmem>>, vector<16xf32>,
        %add3A_161 = arith.constant 48 : i32
        %add3A_162 = arith.addi %mul3A_49, %add3A_161 : i32
        %get3A_163 = arith.index_cast %add3A_162 : i32 to index
        %get3A_164 = tpu.vector_load %arg9[%get3A_163] {strides = array<i32>} : memref<33024xf32, #tpu.memory_space<vmem>>, vector<16xf32>,
        %get3A_165 = vector.shape_cast %get3A_164 : vector<16xf32> to vector<16xf32>
        %max3A_166 = arith.maximumf %get3A_165, %get3A_148 : vector<16xf32>
        %add3A_167 = arith.constant 48 : i32
        %add3A_168 = arith.addi %mul3A_49, %add3A_167 : i32
        %swap3A_169 = arith.index_cast %add3A_168 : i32 to index
        %swap3A_170 = tpu.vector_load %arg9[%swap3A_169] {strides = array<i32>} : memref<33024xf32, #tpu.memory_space<vmem>>, vector<16xf32>,
        %swap3A_171 = vector.shape_cast %swap3A_170 : vector<16xf32> to vector<16xf32>
        %swap3A_172 = vector.shape_cast %max3A_166 : vector<16xf32> to vector<16xf32>
        tpu.vector_store %arg9[%swap3A_169], %swap3A_172 {strides = array<i32>} : memref<33024xf32, #tpu.memory_space<vmem>>, vector<16xf32>,
        %mul3A_173 = arith.constant 256 : i32
        %mul3A_174 = arith.muli %scan3A_40, %mul3A_173 : i32
        %add3A_175 = arith.constant 64 : i32
        %add3A_176 = arith.addi %mul3A_174, %add3A_175 : i32
        %get3A_177 = arith.index_cast %add3A_176 : i32 to index
        %get3A_178 = tpu.vector_load %arg7[%get3A_177] {strides = array<i32>} : memref<16384xf32, #tpu.memory_space<vmem>>, vector<16xf32>,
        %get3A_179 = vector.shape_cast %get3A_178 : vector<16xf32> to vector<16xf32>
        %add3A_180 = arith.constant 64 : i32
        %add3A_181 = arith.addi %mul3A_47, %add3A_180 : i32
        %get3A_182 = arith.index_cast %add3A_181 : i32 to index
        %get3A_183 = tpu.vector_load %arg8[%get3A_182] {strides = array<i32>} : memref<35088xf32, #tpu.memory_space<vmem>>, vector<16xf32>,
        %get3A_184 = vector.shape_cast %get3A_183 : vector<16xf32> to vector<16xf32>
        %add3A_185 = arith.addf %get3A_184, %get3A_179 : vector<16xf32>
        %add3A_186 = arith.constant 64 : i32
        %add3A_187 = arith.addi %mul3A_47, %add3A_186 : i32
        %swap3A_188 = arith.index_cast %add3A_187 : i32 to index
        %swap3A_189 = tpu.vector_load %arg8[%swap3A_188] {strides = array<i32>} : memref<35088xf32, #tpu.memory_space<vmem>>, vector<16xf32>,
        %swap3A_190 = vector.shape_cast %swap3A_189 : vector<16xf32> to vector<16xf32>
        %swap3A_191 = vector.shape_cast %add3A_185 : vector<16xf32> to vector<16xf32>
        tpu.vector_store %arg8[%swap3A_188], %swap3A_191 {strides = array<i32>} : memref<35088xf32, #tpu.memory_space<vmem>>, vector<16xf32>,
        %add3A_192 = arith.constant 64 : i32
        %add3A_193 = arith.addi %mul3A_49, %add3A_192 : i32
        %get3A_194 = arith.index_cast %add3A_193 : i32 to index
        %get3A_195 = tpu.vector_load %arg9[%get3A_194] {strides = array<i32>} : memref<33024xf32, #tpu.memory_space<vmem>>, vector<16xf32>,
        %get3A_196 = vector.shape_cast %get3A_195 : vector<16xf32> to vector<16xf32>
        %max3A_197 = arith.maximumf %get3A_196, %get3A_179 : vector<16xf32>
        %add3A_198 = arith.constant 64 : i32
        %add3A_199 = arith.addi %mul3A_49, %add3A_198 : i32
        %swap3A_200 = arith.index_cast %add3A_199 : i32 to index
        %swap3A_201 = tpu.vector_load %arg9[%swap3A_200] {strides = array<i32>} : memref<33024xf32, #tpu.memory_space<vmem>>, vector<16xf32>,
        %swap3A_202 = vector.shape_cast %swap3A_201 : vector<16xf32> to vector<16xf32>
        %swap3A_203 = vector.shape_cast %max3A_197 : vector<16xf32> to vector<16xf32>
        tpu.vector_store %arg9[%swap3A_200], %swap3A_203 {strides = array<i32>} : memref<33024xf32, #tpu.memory_space<vmem>>, vector<16xf32>,
        %mul3A_204 = arith.constant 256 : i32
        %mul3A_205 = arith.muli %scan3A_40, %mul3A_204 : i32
        %add3A_206 = arith.constant 80 : i32
        %add3A_207 = arith.addi %mul3A_205, %add3A_206 : i32
        %get3A_208 = arith.index_cast %add3A_207 : i32 to index
        %get3A_209 = tpu.vector_load %arg7[%get3A_208] {strides = array<i32>} : memref<16384xf32, #tpu.memory_space<vmem>>, vector<16xf32>,
        %get3A_210 = vector.shape_cast %get3A_209 : vector<16xf32> to vector<16xf32>
        %add3A_211 = arith.constant 80 : i32
        %add3A_212 = arith.addi %mul3A_47, %add3A_211 : i32
        %get3A_213 = arith.index_cast %add3A_212 : i32 to index
        %get3A_214 = tpu.vector_load %arg8[%get3A_213] {strides = array<i32>} : memref<35088xf32, #tpu.memory_space<vmem>>, vector<16xf32>,
        %get3A_215 = vector.shape_cast %get3A_214 : vector<16xf32> to vector<16xf32>
        %add3A_216 = arith.addf %get3A_215, %get3A_210 : vector<16xf32>
        %add3A_217 = arith.constant 80 : i32
        %add3A_218 = arith.addi %mul3A_47, %add3A_217 : i32
        %swap3A_219 = arith.index_cast %add3A_218 : i32 to index
        %swap3A_220 = tpu.vector_load %arg8[%swap3A_219] {strides = array<i32>} : memref<35088xf32, #tpu.memory_space<vmem>>, vector<16xf32>,
        %swap3A_221 = vector.shape_cast %swap3A_220 : vector<16xf32> to vector<16xf32>
        %swap3A_222 = vector.shape_cast %add3A_216 : vector<16xf32> to vector<16xf32>
        tpu.vector_store %arg8[%swap3A_219], %swap3A_222 {strides = array<i32>} : memref<35088xf32, #tpu.memory_space<vmem>>, vector<16xf32>,
        %add3A_223 = arith.constant 80 : i32
        %add3A_224 = arith.addi %mul3A_49, %add3A_223 : i32
        %get3A_225 = arith.index_cast %add3A_224 : i32 to index
        %get3A_226 = tpu.vector_load %arg9[%get3A_225] {strides = array<i32>} : memref<33024xf32, #tpu.memory_space<vmem>>, vector<16xf32>,
        %get3A_227 = vector.shape_cast %get3A_226 : vector<16xf32> to vector<16xf32>
        %max3A_228 = arith.maximumf %get3A_227, %get3A_210 : vector<16xf32>
        %add3A_229 = arith.constant 80 : i32
        %add3A_230 = arith.addi %mul3A_49, %add3A_229 : i32
        %swap3A_231 = arith.index_cast %add3A_230 : i32 to index
        %swap3A_232 = tpu.vector_load %arg9[%swap3A_231] {strides = array<i32>} : memref<33024xf32, #tpu.memory_space<vmem>>, vector<16xf32>,
        %swap3A_233 = vector.shape_cast %swap3A_232 : vector<16xf32> to vector<16xf32>
        %swap3A_234 = vector.shape_cast %max3A_228 : vector<16xf32> to vector<16xf32>
        tpu.vector_store %arg9[%swap3A_231], %swap3A_234 {strides = array<i32>} : memref<33024xf32, #tpu.memory_space<vmem>>, vector<16xf32>,
        %mul3A_235 = arith.constant 256 : i32
        %mul3A_236 = arith.muli %scan3A_40, %mul3A_235 : i32
        %add3A_237 = arith.constant 96 : i32
        %add3A_238 = arith.addi %mul3A_236, %add3A_237 : i32
        %get3A_239 = arith.index_cast %add3A_238 : i32 to index
        %get3A_240 = tpu.vector_load %arg7[%get3A_239] {strides = array<i32>} : memref<16384xf32, #tpu.memory_space<vmem>>, vector<16xf32>,
        %get3A_241 = vector.shape_cast %get3A_240 : vector<16xf32> to vector<16xf32>
        %add3A_242 = arith.constant 96 : i32
        %add3A_243 = arith.addi %mul3A_47, %add3A_242 : i32
        %get3A_244 = arith.index_cast %add3A_243 : i32 to index
        %get3A_245 = tpu.vector_load %arg8[%get3A_244] {strides = array<i32>} : memref<35088xf32, #tpu.memory_space<vmem>>, vector<16xf32>,
        %get3A_246 = vector.shape_cast %get3A_245 : vector<16xf32> to vector<16xf32>
        %add3A_247 = arith.addf %get3A_246, %get3A_241 : vector<16xf32>
        %add3A_248 = arith.constant 96 : i32
        %add3A_249 = arith.addi %mul3A_47, %add3A_248 : i32
        %swap3A_250 = arith.index_cast %add3A_249 : i32 to index
        %swap3A_251 = tpu.vector_load %arg8[%swap3A_250] {strides = array<i32>} : memref<35088xf32, #tpu.memory_space<vmem>>, vector<16xf32>,
        %swap3A_252 = vector.shape_cast %swap3A_251 : vector<16xf32> to vector<16xf32>
        %swap3A_253 = vector.shape_cast %add3A_247 : vector<16xf32> to vector<16xf32>
        tpu.vector_store %arg8[%swap3A_250], %swap3A_253 {strides = array<i32>} : memref<35088xf32, #tpu.memory_space<vmem>>, vector<16xf32>,
        %add3A_254 = arith.constant 96 : i32
        %add3A_255 = arith.addi %mul3A_49, %add3A_254 : i32
        %get3A_256 = arith.index_cast %add3A_255 : i32 to index
        %get3A_257 = tpu.vector_load %arg9[%get3A_256] {strides = array<i32>} : memref<33024xf32, #tpu.memory_space<vmem>>, vector<16xf32>,
        %get3A_258 = vector.shape_cast %get3A_257 : vector<16xf32> to vector<16xf32>
        %max3A_259 = arith.maximumf %get3A_258, %get3A_241 : vector<16xf32>
        %add3A_260 = arith.constant 96 : i32
        %add3A_261 = arith.addi %mul3A_49, %add3A_260 : i32
        %swap3A_262 = arith.index_cast %add3A_261 : i32 to index
        %swap3A_263 = tpu.vector_load %arg9[%swap3A_262] {strides = array<i32>} : memref<33024xf32, #tpu.memory_space<vmem>>, vector<16xf32>,
        %swap3A_264 = vector.shape_cast %swap3A_263 : vector<16xf32> to vector<16xf32>
        %swap3A_265 = vector.shape_cast %max3A_259 : vector<16xf32> to vector<16xf32>
        tpu.vector_store %arg9[%swap3A_262], %swap3A_265 {strides = array<i32>} : memref<33024xf32, #tpu.memory_space<vmem>>, vector<16xf32>,
        %mul3A_266 = arith.constant 256 : i32
        %mul3A_267 = arith.muli %scan3A_40, %mul3A_266 : i32
        %add3A_268 = arith.constant 112 : i32
        %add3A_269 = arith.addi %mul3A_267, %add3A_268 : i32
        %get3A_270 = arith.index_cast %add3A_269 : i32 to index
        %get3A_271 = tpu.vector_load %arg7[%get3A_270] {strides = array<i32>} : memref<16384xf32, #tpu.memory_space<vmem>>, vector<16xf32>,
        %get3A_272 = vector.shape_cast %get3A_271 : vector<16xf32> to vector<16xf32>
        %add3A_273 = arith.constant 112 : i32
        %add3A_274 = arith.addi %mul3A_47, %add3A_273 : i32
        %get3A_275 = arith.index_cast %add3A_274 : i32 to index
        %get3A_276 = tpu.vector_load %arg8[%get3A_275] {strides = array<i32>} : memref<35088xf32, #tpu.memory_space<vmem>>, vector<16xf32>,
        %get3A_277 = vector.shape_cast %get3A_276 : vector<16xf32> to vector<16xf32>
        %add3A_278 = arith.addf %get3A_277, %get3A_272 : vector<16xf32>
        %add3A_279 = arith.constant 112 : i32
        %add3A_280 = arith.addi %mul3A_47, %add3A_279 : i32
        %swap3A_281 = arith.index_cast %add3A_280 : i32 to index
        %swap3A_282 = tpu.vector_load %arg8[%swap3A_281] {strides = array<i32>} : memref<35088xf32, #tpu.memory_space<vmem>>, vector<16xf32>,
        %swap3A_283 = vector.shape_cast %swap3A_282 : vector<16xf32> to vector<16xf32>
        %swap3A_284 = vector.shape_cast %add3A_278 : vector<16xf32> to vector<16xf32>
        tpu.vector_store %arg8[%swap3A_281], %swap3A_284 {strides = array<i32>} : memref<35088xf32, #tpu.memory_space<vmem>>, vector<16xf32>,
        %add3A_285 = arith.constant 112 : i32
        %add3A_286 = arith.addi %mul3A_49, %add3A_285 : i32
        %get3A_287 = arith.index_cast %add3A_286 : i32 to index
        %get3A_288 = tpu.vector_load %arg9[%get3A_287] {strides = array<i32>} : memref<33024xf32, #tpu.memory_space<vmem>>, vector<16xf32>,
        %get3A_289 = vector.shape_cast %get3A_288 : vector<16xf32> to vector<16xf32>
        %max3A_290 = arith.maximumf %get3A_289, %get3A_272 : vector<16xf32>
        %add3A_291 = arith.constant 112 : i32
        %add3A_292 = arith.addi %mul3A_49, %add3A_291 : i32
        %swap3A_293 = arith.index_cast %add3A_292 : i32 to index
        %swap3A_294 = tpu.vector_load %arg9[%swap3A_293] {strides = array<i32>} : memref<33024xf32, #tpu.memory_space<vmem>>, vector<16xf32>,
        %swap3A_295 = vector.shape_cast %swap3A_294 : vector<16xf32> to vector<16xf32>
        %swap3A_296 = vector.shape_cast %max3A_290 : vector<16xf32> to vector<16xf32>
        tpu.vector_store %arg9[%swap3A_293], %swap3A_296 {strides = array<i32>} : memref<33024xf32, #tpu.memory_space<vmem>>, vector<16xf32>,
        %mul3A_297 = arith.constant 256 : i32
        %mul3A_298 = arith.muli %scan3A_40, %mul3A_297 : i32
        %add3A_299 = arith.constant 128 : i32
        %add3A_300 = arith.addi %mul3A_298, %add3A_299 : i32
        %get3A_301 = arith.index_cast %add3A_300 : i32 to index
        %get3A_302 = tpu.vector_load %arg7[%get3A_301] {strides = array<i32>} : memref<16384xf32, #tpu.memory_space<vmem>>, vector<16xf32>,
        %get3A_303 = vector.shape_cast %get3A_302 : vector<16xf32> to vector<16xf32>
        %add3A_304 = arith.constant 128 : i32
        %add3A_305 = arith.addi %mul3A_47, %add3A_304 : i32
        %get3A_306 = arith.index_cast %add3A_305 : i32 to index
        %get3A_307 = tpu.vector_load %arg8[%get3A_306] {strides = array<i32>} : memref<35088xf32, #tpu.memory_space<vmem>>, vector<16xf32>,
        %get3A_308 = vector.shape_cast %get3A_307 : vector<16xf32> to vector<16xf32>
        %add3A_309 = arith.addf %get3A_308, %get3A_303 : vector<16xf32>
        %add3A_310 = arith.constant 128 : i32
        %add3A_311 = arith.addi %mul3A_47, %add3A_310 : i32
        %swap3A_312 = arith.index_cast %add3A_311 : i32 to index
        %swap3A_313 = tpu.vector_load %arg8[%swap3A_312] {strides = array<i32>} : memref<35088xf32, #tpu.memory_space<vmem>>, vector<16xf32>,
        %swap3A_314 = vector.shape_cast %swap3A_313 : vector<16xf32> to vector<16xf32>
        %swap3A_315 = vector.shape_cast %add3A_309 : vector<16xf32> to vector<16xf32>
        tpu.vector_store %arg8[%swap3A_312], %swap3A_315 {strides = array<i32>} : memref<35088xf32, #tpu.memory_space<vmem>>, vector<16xf32>,
        %add3A_316 = arith.constant 128 : i32
        %add3A_317 = arith.addi %mul3A_49, %add3A_316 : i32
        %get3A_318 = arith.index_cast %add3A_317 : i32 to index
        %get3A_319 = tpu.vector_load %arg9[%get3A_318] {strides = array<i32>} : memref<33024xf32, #tpu.memory_space<vmem>>, vector<16xf32>,
        %get3A_320 = vector.shape_cast %get3A_319 : vector<16xf32> to vector<16xf32>
        %max3A_321 = arith.maximumf %get3A_320, %get3A_303 : vector<16xf32>
        %add3A_322 = arith.constant 128 : i32
        %add3A_323 = arith.addi %mul3A_49, %add3A_322 : i32
        %swap3A_324 = arith.index_cast %add3A_323 : i32 to index
        %swap3A_325 = tpu.vector_load %arg9[%swap3A_324] {strides = array<i32>} : memref<33024xf32, #tpu.memory_space<vmem>>, vector<16xf32>,
        %swap3A_326 = vector.shape_cast %swap3A_325 : vector<16xf32> to vector<16xf32>
        %swap3A_327 = vector.shape_cast %max3A_321 : vector<16xf32> to vector<16xf32>
        tpu.vector_store %arg9[%swap3A_324], %swap3A_327 {strides = array<i32>} : memref<33024xf32, #tpu.memory_space<vmem>>, vector<16xf32>,
        %mul3A_328 = arith.constant 256 : i32
        %mul3A_329 = arith.muli %scan3A_40, %mul3A_328 : i32
        %add3A_330 = arith.constant 144 : i32
        %add3A_331 = arith.addi %mul3A_329, %add3A_330 : i32
        %get3A_332 = arith.index_cast %add3A_331 : i32 to index
        %get3A_333 = tpu.vector_load %arg7[%get3A_332] {strides = array<i32>} : memref<16384xf32, #tpu.memory_space<vmem>>, vector<16xf32>,
        %get3A_334 = vector.shape_cast %get3A_333 : vector<16xf32> to vector<16xf32>
        %add3A_335 = arith.constant 144 : i32
        %add3A_336 = arith.addi %mul3A_47, %add3A_335 : i32
        %get3A_337 = arith.index_cast %add3A_336 : i32 to index
        %get3A_338 = tpu.vector_load %arg8[%get3A_337] {strides = array<i32>} : memref<35088xf32, #tpu.memory_space<vmem>>, vector<16xf32>,
        %get3A_339 = vector.shape_cast %get3A_338 : vector<16xf32> to vector<16xf32>
        %add3A_340 = arith.addf %get3A_339, %get3A_334 : vector<16xf32>
        %add3A_341 = arith.constant 144 : i32
        %add3A_342 = arith.addi %mul3A_47, %add3A_341 : i32
        %swap3A_343 = arith.index_cast %add3A_342 : i32 to index
        %swap3A_344 = tpu.vector_load %arg8[%swap3A_343] {strides = array<i32>} : memref<35088xf32, #tpu.memory_space<vmem>>, vector<16xf32>,
        %swap3A_345 = vector.shape_cast %swap3A_344 : vector<16xf32> to vector<16xf32>
        %swap3A_346 = vector.shape_cast %add3A_340 : vector<16xf32> to vector<16xf32>
        tpu.vector_store %arg8[%swap3A_343], %swap3A_346 {strides = array<i32>} : memref<35088xf32, #tpu.memory_space<vmem>>, vector<16xf32>,
        %add3A_347 = arith.constant 144 : i32
        %add3A_348 = arith.addi %mul3A_49, %add3A_347 : i32
        %get3A_349 = arith.index_cast %add3A_348 : i32 to index
        %get3A_350 = tpu.vector_load %arg9[%get3A_349] {strides = array<i32>} : memref<33024xf32, #tpu.memory_space<vmem>>, vector<16xf32>,
        %get3A_351 = vector.shape_cast %get3A_350 : vector<16xf32> to vector<16xf32>
        %max3A_352 = arith.maximumf %get3A_351, %get3A_334 : vector<16xf32>
        %add3A_353 = arith.constant 144 : i32
        %add3A_354 = arith.addi %mul3A_49, %add3A_353 : i32
        %swap3A_355 = arith.index_cast %add3A_354 : i32 to index
        %swap3A_356 = tpu.vector_load %arg9[%swap3A_355] {strides = array<i32>} : memref<33024xf32, #tpu.memory_space<vmem>>, vector<16xf32>,
        %swap3A_357 = vector.shape_cast %swap3A_356 : vector<16xf32> to vector<16xf32>
        %swap3A_358 = vector.shape_cast %max3A_352 : vector<16xf32> to vector<16xf32>
        tpu.vector_store %arg9[%swap3A_355], %swap3A_358 {strides = array<i32>} : memref<33024xf32, #tpu.memory_space<vmem>>, vector<16xf32>,
        %mul3A_359 = arith.constant 256 : i32
        %mul3A_360 = arith.muli %scan3A_40, %mul3A_359 : i32
        %add3A_361 = arith.constant 160 : i32
        %add3A_362 = arith.addi %mul3A_360, %add3A_361 : i32
        %get3A_363 = arith.index_cast %add3A_362 : i32 to index
        %get3A_364 = tpu.vector_load %arg7[%get3A_363] {strides = array<i32>} : memref<16384xf32, #tpu.memory_space<vmem>>, vector<16xf32>,
        %get3A_365 = vector.shape_cast %get3A_364 : vector<16xf32> to vector<16xf32>
        %add3A_366 = arith.constant 160 : i32
        %add3A_367 = arith.addi %mul3A_47, %add3A_366 : i32
        %get3A_368 = arith.index_cast %add3A_367 : i32 to index
        %get3A_369 = tpu.vector_load %arg8[%get3A_368] {strides = array<i32>} : memref<35088xf32, #tpu.memory_space<vmem>>, vector<16xf32>,
        %get3A_370 = vector.shape_cast %get3A_369 : vector<16xf32> to vector<16xf32>
        %add3A_371 = arith.addf %get3A_370, %get3A_365 : vector<16xf32>
        %add3A_372 = arith.constant 160 : i32
        %add3A_373 = arith.addi %mul3A_47, %add3A_372 : i32
        %swap3A_374 = arith.index_cast %add3A_373 : i32 to index
        %swap3A_375 = tpu.vector_load %arg8[%swap3A_374] {strides = array<i32>} : memref<35088xf32, #tpu.memory_space<vmem>>, vector<16xf32>,
        %swap3A_376 = vector.shape_cast %swap3A_375 : vector<16xf32> to vector<16xf32>
        %swap3A_377 = vector.shape_cast %add3A_371 : vector<16xf32> to vector<16xf32>
        tpu.vector_store %arg8[%swap3A_374], %swap3A_377 {strides = array<i32>} : memref<35088xf32, #tpu.memory_space<vmem>>, vector<16xf32>,
        %add3A_378 = arith.constant 160 : i32
        %add3A_379 = arith.addi %mul3A_49, %add3A_378 : i32
        %get3A_380 = arith.index_cast %add3A_379 : i32 to index
        %get3A_381 = tpu.vector_load %arg9[%get3A_380] {strides = array<i32>} : memref<33024xf32, #tpu.memory_space<vmem>>, vector<16xf32>,
        %get3A_382 = vector.shape_cast %get3A_381 : vector<16xf32> to vector<16xf32>
        %max3A_383 = arith.maximumf %get3A_382, %get3A_365 : vector<16xf32>
        %add3A_384 = arith.constant 160 : i32
        %add3A_385 = arith.addi %mul3A_49, %add3A_384 : i32
        %swap3A_386 = arith.index_cast %add3A_385 : i32 to index
        %swap3A_387 = tpu.vector_load %arg9[%swap3A_386] {strides = array<i32>} : memref<33024xf32, #tpu.memory_space<vmem>>, vector<16xf32>,
        %swap3A_388 = vector.shape_cast %swap3A_387 : vector<16xf32> to vector<16xf32>
        %swap3A_389 = vector.shape_cast %max3A_383 : vector<16xf32> to vector<16xf32>
        tpu.vector_store %arg9[%swap3A_386], %swap3A_389 {strides = array<i32>} : memref<33024xf32, #tpu.memory_space<vmem>>, vector<16xf32>,
        %mul3A_390 = arith.constant 256 : i32
        %mul3A_391 = arith.muli %scan3A_40, %mul3A_390 : i32
        %add3A_392 = arith.constant 176 : i32
        %add3A_393 = arith.addi %mul3A_391, %add3A_392 : i32
        %get3A_394 = arith.index_cast %add3A_393 : i32 to index
        %get3A_395 = tpu.vector_load %arg7[%get3A_394] {strides = array<i32>} : memref<16384xf32, #tpu.memory_space<vmem>>, vector<16xf32>,
        %get3A_396 = vector.shape_cast %get3A_395 : vector<16xf32> to vector<16xf32>
        %add3A_397 = arith.constant 176 : i32
        %add3A_398 = arith.addi %mul3A_47, %add3A_397 : i32
        %get3A_399 = arith.index_cast %add3A_398 : i32 to index
        %get3A_400 = tpu.vector_load %arg8[%get3A_399] {strides = array<i32>} : memref<35088xf32, #tpu.memory_space<vmem>>, vector<16xf32>,
        %get3A_401 = vector.shape_cast %get3A_400 : vector<16xf32> to vector<16xf32>
        %add3A_402 = arith.addf %get3A_401, %get3A_396 : vector<16xf32>
        %add3A_403 = arith.constant 176 : i32
        %add3A_404 = arith.addi %mul3A_47, %add3A_403 : i32
        %swap3A_405 = arith.index_cast %add3A_404 : i32 to index
        %swap3A_406 = tpu.vector_load %arg8[%swap3A_405] {strides = array<i32>} : memref<35088xf32, #tpu.memory_space<vmem>>, vector<16xf32>,
        %swap3A_407 = vector.shape_cast %swap3A_406 : vector<16xf32> to vector<16xf32>
        %swap3A_408 = vector.shape_cast %add3A_402 : vector<16xf32> to vector<16xf32>
        tpu.vector_store %arg8[%swap3A_405], %swap3A_408 {strides = array<i32>} : memref<35088xf32, #tpu.memory_space<vmem>>, vector<16xf32>,
        %add3A_409 = arith.constant 176 : i32
        %add3A_410 = arith.addi %mul3A_49, %add3A_409 : i32
        %get3A_411 = arith.index_cast %add3A_410 : i32 to index
        %get3A_412 = tpu.vector_load %arg9[%get3A_411] {strides = array<i32>} : memref<33024xf32, #tpu.memory_space<vmem>>, vector<16xf32>,
        %get3A_413 = vector.shape_cast %get3A_412 : vector<16xf32> to vector<16xf32>
        %max3A_414 = arith.maximumf %get3A_413, %get3A_396 : vector<16xf32>
        %add3A_415 = arith.constant 176 : i32
        %add3A_416 = arith.addi %mul3A_49, %add3A_415 : i32
        %swap3A_417 = arith.index_cast %add3A_416 : i32 to index
        %swap3A_418 = tpu.vector_load %arg9[%swap3A_417] {strides = array<i32>} : memref<33024xf32, #tpu.memory_space<vmem>>, vector<16xf32>,
        %swap3A_419 = vector.shape_cast %swap3A_418 : vector<16xf32> to vector<16xf32>
        %swap3A_420 = vector.shape_cast %max3A_414 : vector<16xf32> to vector<16xf32>
        tpu.vector_store %arg9[%swap3A_417], %swap3A_420 {strides = array<i32>} : memref<33024xf32, #tpu.memory_space<vmem>>, vector<16xf32>,
        %mul3A_421 = arith.constant 256 : i32
        %mul3A_422 = arith.muli %scan3A_40, %mul3A_421 : i32
        %add3A_423 = arith.constant 192 : i32
        %add3A_424 = arith.addi %mul3A_422, %add3A_423 : i32
        %get3A_425 = arith.index_cast %add3A_424 : i32 to index
        %get3A_426 = tpu.vector_load %arg7[%get3A_425] {strides = array<i32>} : memref<16384xf32, #tpu.memory_space<vmem>>, vector<16xf32>,
        %get3A_427 = vector.shape_cast %get3A_426 : vector<16xf32> to vector<16xf32>
        %add3A_428 = arith.constant 192 : i32
        %add3A_429 = arith.addi %mul3A_47, %add3A_428 : i32
        %get3A_430 = arith.index_cast %add3A_429 : i32 to index
        %get3A_431 = tpu.vector_load %arg8[%get3A_430] {strides = array<i32>} : memref<35088xf32, #tpu.memory_space<vmem>>, vector<16xf32>,
        %get3A_432 = vector.shape_cast %get3A_431 : vector<16xf32> to vector<16xf32>
        %add3A_433 = arith.addf %get3A_432, %get3A_427 : vector<16xf32>
        %add3A_434 = arith.constant 192 : i32
        %add3A_435 = arith.addi %mul3A_47, %add3A_434 : i32
        %swap3A_436 = arith.index_cast %add3A_435 : i32 to index
        %swap3A_437 = tpu.vector_load %arg8[%swap3A_436] {strides = array<i32>} : memref<35088xf32, #tpu.memory_space<vmem>>, vector<16xf32>,
        %swap3A_438 = vector.shape_cast %swap3A_437 : vector<16xf32> to vector<16xf32>
        %swap3A_439 = vector.shape_cast %add3A_433 : vector<16xf32> to vector<16xf32>
        tpu.vector_store %arg8[%swap3A_436], %swap3A_439 {strides = array<i32>} : memref<35088xf32, #tpu.memory_space<vmem>>, vector<16xf32>,
        %add3A_440 = arith.constant 192 : i32
        %add3A_441 = arith.addi %mul3A_49, %add3A_440 : i32
        %get3A_442 = arith.index_cast %add3A_441 : i32 to index
        %get3A_443 = tpu.vector_load %arg9[%get3A_442] {strides = array<i32>} : memref<33024xf32, #tpu.memory_space<vmem>>, vector<16xf32>,
        %get3A_444 = vector.shape_cast %get3A_443 : vector<16xf32> to vector<16xf32>
        %max3A_445 = arith.maximumf %get3A_444, %get3A_427 : vector<16xf32>
        %add3A_446 = arith.constant 192 : i32
        %add3A_447 = arith.addi %mul3A_49, %add3A_446 : i32
        %swap3A_448 = arith.index_cast %add3A_447 : i32 to index
        %swap3A_449 = tpu.vector_load %arg9[%swap3A_448] {strides = array<i32>} : memref<33024xf32, #tpu.memory_space<vmem>>, vector<16xf32>,
        %swap3A_450 = vector.shape_cast %swap3A_449 : vector<16xf32> to vector<16xf32>
        %swap3A_451 = vector.shape_cast %max3A_445 : vector<16xf32> to vector<16xf32>
        tpu.vector_store %arg9[%swap3A_448], %swap3A_451 {strides = array<i32>} : memref<33024xf32, #tpu.memory_space<vmem>>, vector<16xf32>,
        %mul3A_452 = arith.constant 256 : i32
        %mul3A_453 = arith.muli %scan3A_40, %mul3A_452 : i32
        %add3A_454 = arith.constant 208 : i32
        %add3A_455 = arith.addi %mul3A_453, %add3A_454 : i32
        %get3A_456 = arith.index_cast %add3A_455 : i32 to index
        %get3A_457 = tpu.vector_load %arg7[%get3A_456] {strides = array<i32>} : memref<16384xf32, #tpu.memory_space<vmem>>, vector<16xf32>,
        %get3A_458 = vector.shape_cast %get3A_457 : vector<16xf32> to vector<16xf32>
        %add3A_459 = arith.constant 208 : i32
        %add3A_460 = arith.addi %mul3A_47, %add3A_459 : i32
        %get3A_461 = arith.index_cast %add3A_460 : i32 to index
        %get3A_462 = tpu.vector_load %arg8[%get3A_461] {strides = array<i32>} : memref<35088xf32, #tpu.memory_space<vmem>>, vector<16xf32>,
        %get3A_463 = vector.shape_cast %get3A_462 : vector<16xf32> to vector<16xf32>
        %add3A_464 = arith.addf %get3A_463, %get3A_458 : vector<16xf32>
        %add3A_465 = arith.constant 208 : i32
        %add3A_466 = arith.addi %mul3A_47, %add3A_465 : i32
        %swap3A_467 = arith.index_cast %add3A_466 : i32 to index
        %swap3A_468 = tpu.vector_load %arg8[%swap3A_467] {strides = array<i32>} : memref<35088xf32, #tpu.memory_space<vmem>>, vector<16xf32>,
        %swap3A_469 = vector.shape_cast %swap3A_468 : vector<16xf32> to vector<16xf32>
        %swap3A_470 = vector.shape_cast %add3A_464 : vector<16xf32> to vector<16xf32>
        tpu.vector_store %arg8[%swap3A_467], %swap3A_470 {strides = array<i32>} : memref<35088xf32, #tpu.memory_space<vmem>>, vector<16xf32>,
        %add3A_471 = arith.constant 208 : i32
        %add3A_472 = arith.addi %mul3A_49, %add3A_471 : i32
        %get3A_473 = arith.index_cast %add3A_472 : i32 to index
        %get3A_474 = tpu.vector_load %arg9[%get3A_473] {strides = array<i32>} : memref<33024xf32, #tpu.memory_space<vmem>>, vector<16xf32>,
        %get3A_475 = vector.shape_cast %get3A_474 : vector<16xf32> to vector<16xf32>
        %max3A_476 = arith.maximumf %get3A_475, %get3A_458 : vector<16xf32>
        %add3A_477 = arith.constant 208 : i32
        %add3A_478 = arith.addi %mul3A_49, %add3A_477 : i32
        %swap3A_479 = arith.index_cast %add3A_478 : i32 to index
        %swap3A_480 = tpu.vector_load %arg9[%swap3A_479] {strides = array<i32>} : memref<33024xf32, #tpu.memory_space<vmem>>, vector<16xf32>,
        %swap3A_481 = vector.shape_cast %swap3A_480 : vector<16xf32> to vector<16xf32>
        %swap3A_482 = vector.shape_cast %max3A_476 : vector<16xf32> to vector<16xf32>
        tpu.vector_store %arg9[%swap3A_479], %swap3A_482 {strides = array<i32>} : memref<33024xf32, #tpu.memory_space<vmem>>, vector<16xf32>,
        %mul3A_483 = arith.constant 256 : i32
        %mul3A_484 = arith.muli %scan3A_40, %mul3A_483 : i32
        %add3A_485 = arith.constant 224 : i32
        %add3A_486 = arith.addi %mul3A_484, %add3A_485 : i32
        %get3A_487 = arith.index_cast %add3A_486 : i32 to index
        %get3A_488 = tpu.vector_load %arg7[%get3A_487] {strides = array<i32>} : memref<16384xf32, #tpu.memory_space<vmem>>, vector<16xf32>,
        %get3A_489 = vector.shape_cast %get3A_488 : vector<16xf32> to vector<16xf32>
        %add3A_490 = arith.constant 224 : i32
        %add3A_491 = arith.addi %mul3A_47, %add3A_490 : i32
        %get3A_492 = arith.index_cast %add3A_491 : i32 to index
        %get3A_493 = tpu.vector_load %arg8[%get3A_492] {strides = array<i32>} : memref<35088xf32, #tpu.memory_space<vmem>>, vector<16xf32>,
        %get3A_494 = vector.shape_cast %get3A_493 : vector<16xf32> to vector<16xf32>
        %add3A_495 = arith.addf %get3A_494, %get3A_489 : vector<16xf32>
        %add3A_496 = arith.constant 224 : i32
        %add3A_497 = arith.addi %mul3A_47, %add3A_496 : i32
        %swap3A_498 = arith.index_cast %add3A_497 : i32 to index
        %swap3A_499 = tpu.vector_load %arg8[%swap3A_498] {strides = array<i32>} : memref<35088xf32, #tpu.memory_space<vmem>>, vector<16xf32>,
        %swap3A_500 = vector.shape_cast %swap3A_499 : vector<16xf32> to vector<16xf32>
        %swap3A_501 = vector.shape_cast %add3A_495 : vector<16xf32> to vector<16xf32>
        tpu.vector_store %arg8[%swap3A_498], %swap3A_501 {strides = array<i32>} : memref<35088xf32, #tpu.memory_space<vmem>>, vector<16xf32>,
        %add3A_502 = arith.constant 224 : i32
        %add3A_503 = arith.addi %mul3A_49, %add3A_502 : i32
        %get3A_504 = arith.index_cast %add3A_503 : i32 to index
        %get3A_505 = tpu.vector_load %arg9[%get3A_504] {strides = array<i32>} : memref<33024xf32, #tpu.memory_space<vmem>>, vector<16xf32>,
        %get3A_506 = vector.shape_cast %get3A_505 : vector<16xf32> to vector<16xf32>
        %max3A_507 = arith.maximumf %get3A_506, %get3A_489 : vector<16xf32>
        %add3A_508 = arith.constant 224 : i32
        %add3A_509 = arith.addi %mul3A_49, %add3A_508 : i32
        %swap3A_510 = arith.index_cast %add3A_509 : i32 to index
        %swap3A_511 = tpu.vector_load %arg9[%swap3A_510] {strides = array<i32>} : memref<33024xf32, #tpu.memory_space<vmem>>, vector<16xf32>,
        %swap3A_512 = vector.shape_cast %swap3A_511 : vector<16xf32> to vector<16xf32>
        %swap3A_513 = vector.shape_cast %max3A_507 : vector<16xf32> to vector<16xf32>
        tpu.vector_store %arg9[%swap3A_510], %swap3A_513 {strides = array<i32>} : memref<33024xf32, #tpu.memory_space<vmem>>, vector<16xf32>,
        %mul3A_514 = arith.constant 256 : i32
        %mul3A_515 = arith.muli %scan3A_40, %mul3A_514 : i32
        %add3A_516 = arith.constant 240 : i32
        %add3A_517 = arith.addi %mul3A_515, %add3A_516 : i32
        %get3A_518 = arith.index_cast %add3A_517 : i32 to index
        %get3A_519 = tpu.vector_load %arg7[%get3A_518] {strides = array<i32>} : memref<16384xf32, #tpu.memory_space<vmem>>, vector<16xf32>,
        %get3A_520 = vector.shape_cast %get3A_519 : vector<16xf32> to vector<16xf32>
        %add3A_521 = arith.constant 240 : i32
        %add3A_522 = arith.addi %mul3A_47, %add3A_521 : i32
        %get3A_523 = arith.index_cast %add3A_522 : i32 to index
        %get3A_524 = tpu.vector_load %arg8[%get3A_523] {strides = array<i32>} : memref<35088xf32, #tpu.memory_space<vmem>>, vector<16xf32>,
        %get3A_525 = vector.shape_cast %get3A_524 : vector<16xf32> to vector<16xf32>
        %add3A_526 = arith.addf %get3A_525, %get3A_520 : vector<16xf32>
        %add3A_527 = arith.constant 240 : i32
        %add3A_528 = arith.addi %mul3A_47, %add3A_527 : i32
        %swap3A_529 = arith.index_cast %add3A_528 : i32 to index
        %swap3A_530 = tpu.vector_load %arg8[%swap3A_529] {strides = array<i32>} : memref<35088xf32, #tpu.memory_space<vmem>>, vector<16xf32>,
        %swap3A_531 = vector.shape_cast %swap3A_530 : vector<16xf32> to vector<16xf32>
        %swap3A_532 = vector.shape_cast %add3A_526 : vector<16xf32> to vector<16xf32>
        tpu.vector_store %arg8[%swap3A_529], %swap3A_532 {strides = array<i32>} : memref<35088xf32, #tpu.memory_space<vmem>>, vector<16xf32>,
        %add3A_533 = arith.constant 240 : i32
        %add3A_534 = arith.addi %mul3A_49, %add3A_533 : i32
        %get3A_535 = arith.index_cast %add3A_534 : i32 to index
        %get3A_536 = tpu.vector_load %arg9[%get3A_535] {strides = array<i32>} : memref<33024xf32, #tpu.memory_space<vmem>>, vector<16xf32>,
        %get3A_537 = vector.shape_cast %get3A_536 : vector<16xf32> to vector<16xf32>
        %max3A_538 = arith.maximumf %get3A_537, %get3A_520 : vector<16xf32>
        %add3A_539 = arith.constant 240 : i32
        %add3A_540 = arith.addi %mul3A_49, %add3A_539 : i32
        %swap3A_541 = arith.index_cast %add3A_540 : i32 to index
        %swap3A_542 = tpu.vector_load %arg9[%swap3A_541] {strides = array<i32>} : memref<33024xf32, #tpu.memory_space<vmem>>, vector<16xf32>,
        %swap3A_543 = vector.shape_cast %swap3A_542 : vector<16xf32> to vector<16xf32>
        %swap3A_544 = vector.shape_cast %max3A_538 : vector<16xf32> to vector<16xf32>
        tpu.vector_store %arg9[%swap3A_541], %swap3A_544 {strides = array<i32>} : memref<33024xf32, #tpu.memory_space<vmem>>, vector<16xf32>,
        %add3A_545 = arith.constant 256 : i32
        %add3A_546 = arith.addi %mul3A_47, %add3A_545 : i32
        %get3A_547 = arith.index_cast %add3A_546 : i32 to index
        %get3A_548 = tpu.vector_load %arg8[%get3A_547] {strides = array<i32>} : memref<35088xf32, #tpu.memory_space<vmem>>, vector<16xf32>,
        %get3A_549 = vector.shape_cast %get3A_548 : vector<16xf32> to vector<16xf32>
        %add3A_550 = arith.addf %get3A_549, %broadcast_in_dim3A_7 : vector<16xf32>
        %add3A_551 = arith.constant 256 : i32
        %add3A_552 = arith.addi %mul3A_47, %add3A_551 : i32
        %swap3A_553 = arith.index_cast %add3A_552 : i32 to index
        %swap3A_554 = tpu.vector_load %arg8[%swap3A_553] {strides = array<i32>} : memref<35088xf32, #tpu.memory_space<vmem>>, vector<16xf32>,
        %swap3A_555 = vector.shape_cast %swap3A_554 : vector<16xf32> to vector<16xf32>
        %swap3A_556 = vector.shape_cast %add3A_550 : vector<16xf32> to vector<16xf32>
        tpu.vector_store %arg8[%swap3A_553], %swap3A_556 {strides = array<i32>} : memref<35088xf32, #tpu.memory_space<vmem>>, vector<16xf32>,
      }
      %scan3A_39 = arith.constant 64 : i32
    }
    %scan3A_27 = arith.constant 5 : i32
    "tpu.region"() ({
      %run_scoped3A = tpu.sem_alloc : memref<!tpu.dma_semaphore, #tpu.memory_space<semaphore_mem>>
      %dma_start3A = arith.constant 0 : i32
      %dma_start3A_28 = tpu.memref_slice %arg8[%dma_start3A] : memref<35088xf32, #tpu.memory_space<vmem>> -> memref<34816xf32, #tpu.memory_space<vmem>>
      %dma_start3A_29 = arith.constant 0 : i32
      %dma_start3A_30 = tpu.memref_slice %arg4[%add3A, %dma_start3A_29] : memref<32x34816xf32, #tpu.memory_space<hbm>> -> memref<1x34816xf32, #tpu.memory_space<hbm>>
      %dma_start3A_31 = tpu.memref_squeeze %dma_start3A_30 : memref<1x34816xf32, #tpu.memory_space<hbm>> -> memref<34816xf32, #tpu.memory_space<hbm>>
      %dma_start3A_32 = arith.constant 0 : i32
      %dma_start3A_33 = tpu.memref_slice %arg4[%add3A, %dma_start3A_32] : memref<32x34816xf32, #tpu.memory_space<hbm>> -> memref<1x34816xf32, #tpu.memory_space<hbm>>
      %dma_start3A_34 = tpu.memref_squeeze %dma_start3A_33 : memref<1x34816xf32, #tpu.memory_space<hbm>> -> memref<34816xf32, #tpu.memory_space<hbm>>
      %dma_start3A_35 = arith.constant 0 : i32
      %dma_start3A_36 = tpu.memref_slice %arg8[%dma_start3A_35] : memref<35088xf32, #tpu.memory_space<vmem>> -> memref<34816xf32, #tpu.memory_space<vmem>>
      tpu.enqueue_dma source(%dma_start3A_36 : memref<34816xf32, #tpu.memory_space<vmem>>) target(%dma_start3A_34 : memref<34816xf32, #tpu.memory_space<hbm>>) target_semaphore(%run_scoped3A : memref<!tpu.dma_semaphore, #tpu.memory_space<semaphore_mem>>)
      %dma_wait3A = arith.constant 0 : i32
      %dma_wait3A_37 = tpu.memref_slice %arg8[%dma_wait3A] : memref<35088xf32, #tpu.memory_space<vmem>> -> memref<34816xf32, #tpu.memory_space<vmem>>
      %dma_wait3A_38 = arith.constant 0 : i32
      %dma_wait3A_39 = tpu.memref_slice %arg4[%add3A, %dma_wait3A_38] : memref<32x34816xf32, #tpu.memory_space<hbm>> -> memref<1x34816xf32, #tpu.memory_space<hbm>>
      %dma_wait3A_40 = tpu.memref_squeeze %dma_wait3A_39 : memref<1x34816xf32, #tpu.memory_space<hbm>> -> memref<34816xf32, #tpu.memory_space<hbm>>
      %dma_wait3A_41 = arith.constant 0 : i32
      %dma_wait3A_42 = tpu.memref_slice %arg4[%add3A, %dma_wait3A_41] : memref<32x34816xf32, #tpu.memory_space<hbm>> -> memref<1x34816xf32, #tpu.memory_space<hbm>>
      %dma_wait3A_43 = tpu.memref_squeeze %dma_wait3A_42 : memref<1x34816xf32, #tpu.memory_space<hbm>> -> memref<34816xf32, #tpu.memory_space<hbm>>
      %dma_wait3A_44 = arith.constant 0 : i32
      %dma_wait3A_45 = tpu.memref_slice %arg8[%dma_wait3A_44] : memref<35088xf32, #tpu.memory_space<vmem>> -> memref<34816xf32, #tpu.memory_space<vmem>>
      tpu.wait_dma2 semaphore(%run_scoped3A : memref<!tpu.dma_semaphore, #tpu.memory_space<semaphore_mem>>) src(%dma_wait3A_45 : memref<34816xf32, #tpu.memory_space<vmem>>) dst(%dma_wait3A_43 : memref<34816xf32, #tpu.memory_space<hbm>>)
      tpu.yield
    }) : () -> ()
    "tpu.region"() ({
      %run_scoped3A = tpu.sem_alloc : memref<!tpu.dma_semaphore, #tpu.memory_space<semaphore_mem>>
      %dma_start3A = arith.constant 0 : i32
      %dma_start3A_28 = tpu.memref_slice %arg9[%dma_start3A] : memref<33024xf32, #tpu.memory_space<vmem>> -> memref<32768xf32, #tpu.memory_space<vmem>>
      %dma_start3A_29 = arith.constant 0 : i32
      %dma_start3A_30 = tpu.memref_slice %arg5[%add3A, %dma_start3A_29] : memref<32x32768xf32, #tpu.memory_space<hbm>> -> memref<1x32768xf32, #tpu.memory_space<hbm>>
      %dma_start3A_31 = tpu.memref_squeeze %dma_start3A_30 : memref<1x32768xf32, #tpu.memory_space<hbm>> -> memref<32768xf32, #tpu.memory_space<hbm>>
      %dma_start3A_32 = arith.constant 0 : i32
      %dma_start3A_33 = tpu.memref_slice %arg5[%add3A, %dma_start3A_32] : memref<32x32768xf32, #tpu.memory_space<hbm>> -> memref<1x32768xf32, #tpu.memory_space<hbm>>
      %dma_start3A_34 = tpu.memref_squeeze %dma_start3A_33 : memref<1x32768xf32, #tpu.memory_space<hbm>> -> memref<32768xf32, #tpu.memory_space<hbm>>
      %dma_start3A_35 = arith.constant 0 : i32
      %dma_start3A_36 = tpu.memref_slice %arg9[%dma_start3A_35] : memref<33024xf32, #tpu.memory_space<vmem>> -> memref<32768xf32, #tpu.memory_space<vmem>>
      tpu.enqueue_dma source(%dma_start3A_36 : memref<32768xf32, #tpu.memory_space<vmem>>) target(%dma_start3A_34 : memref<32768xf32, #tpu.memory_space<hbm>>) target_semaphore(%run_scoped3A : memref<!tpu.dma_semaphore, #tpu.memory_space<semaphore_mem>>)
      %dma_wait3A = arith.constant 0 : i32
      %dma_wait3A_37 = tpu.memref_slice %arg9[%dma_wait3A] : memref<33024xf32, #tpu.memory_space<vmem>> -> memref<32768xf32, #tpu.memory_space<vmem>>
      %dma_wait3A_38 = arith.constant 0 : i32
      %dma_wait3A_39 = tpu.memref_slice %arg5[%add3A, %dma_wait3A_38] : memref<32x32768xf32, #tpu.memory_space<hbm>> -> memref<1x32768xf32, #tpu.memory_space<hbm>>
      %dma_wait3A_40 = tpu.memref_squeeze %dma_wait3A_39 : memref<1x32768xf32, #tpu.memory_space<hbm>> -> memref<32768xf32, #tpu.memory_space<hbm>>
      %dma_wait3A_41 = arith.constant 0 : i32
      %dma_wait3A_42 = tpu.memref_slice %arg5[%add3A, %dma_wait3A_41] : memref<32x32768xf32, #tpu.memory_space<hbm>> -> memref<1x32768xf32, #tpu.memory_space<hbm>>
      %dma_wait3A_43 = tpu.memref_squeeze %dma_wait3A_42 : memref<1x32768xf32, #tpu.memory_space<hbm>> -> memref<32768xf32, #tpu.memory_space<hbm>>
      %dma_wait3A_44 = arith.constant 0 : i32
      %dma_wait3A_45 = tpu.memref_slice %arg9[%dma_wait3A_44] : memref<33024xf32, #tpu.memory_space<vmem>> -> memref<32768xf32, #tpu.memory_space<vmem>>
      tpu.wait_dma2 semaphore(%run_scoped3A : memref<!tpu.dma_semaphore, #tpu.memory_space<semaphore_mem>>) src(%dma_wait3A_45 : memref<32768xf32, #tpu.memory_space<vmem>>) dst(%dma_wait3A_43 : memref<32768xf32, #tpu.memory_space<hbm>>)
      tpu.yield
    }) : () -> ()
    return
  }
}

#map = affine_map<(d0, d1) -> (0, 0)>
#map1 = affine_map<(d0, d1) -> (0, 0, 0)>
module attributes {stable_mosaic.version = 14 : i64} {
  func.func @agg(%arg0: i32, %arg1: i32, %arg2: memref<10000x128xf32, #tpu.memory_space<hbm>>, %arg3: memref<2528x128xi32, #tpu.memory_space<hbm>>, %arg4: memref<2528x128xi32, #tpu.memory_space<hbm>>, %arg5: memref<2x10112x128xf32, #tpu.memory_space<hbm>>, %arg6: memref<128xi32, #tpu.memory_space<vmem>>, %arg7: memref<128xi32, #tpu.memory_space<vmem>>, %arg8: memref<128x128xf32, #tpu.memory_space<vmem>>, %arg9: memref<10112x128xf32, #tpu.memory_space<vmem_shared>>, %arg10: memref<!tpu.dma_semaphore, #tpu.memory_space<semaphore_mem>>) attributes {dimension_semantics = [#tpu.dimension_semantics<core_parallel>, #tpu.dimension_semantics<subcore_parallel>], iteration_bounds = array<i64: 2, 16>, scalar_prefetch = 0 : i64, scratch_operands = 5 : i64, tpu.core_type = #tpu.core_type<sc_vector_subcore>, window_params = [{transform_indices = #map}, {transform_indices = #map}, {transform_indices = #map}, {transform_indices = #map1}]} {
    %scan3A = arith.constant 0 : i32
    %scan3A_0 = arith.constant 0 : i32
    %scan3A_1 = arith.constant 128 : i32
    %scan3A_2 = arith.addi %scan3A_0, %scan3A_1 : i32
    %scan3A_3 = arith.constant 1 : i32
    scf.for %scan3A_27 = %scan3A_0 to %scan3A_2 step %scan3A_3  : i32 {
      %broadcast_in_dim3A_28 = arith.constant 0.000000e+00 : f32
      %broadcast_in_dim3A_29 = vector.broadcast %broadcast_in_dim3A_28 : f32 to vector<16xf32>
      %swap3A = arith.index_cast %scan3A_27 : i32 to index
      %swap3A_30 = arith.constant 0 : index
      %swap3A_31 = tpu.vector_load %arg8[%swap3A, %swap3A_30] {strides = array<i32>} : memref<128x128xf32, #tpu.memory_space<vmem>>, vector<1x16xf32>,
      %swap3A_32 = vector.shape_cast %swap3A_31 : vector<1x16xf32> to vector<16xf32>
      %swap3A_33 = vector.shape_cast %broadcast_in_dim3A_29 : vector<16xf32> to vector<1x16xf32>
      tpu.vector_store %arg8[%swap3A, %swap3A_30], %swap3A_33 {strides = array<i32>} : memref<128x128xf32, #tpu.memory_space<vmem>>, vector<1x16xf32>,
      %broadcast_in_dim3A_34 = arith.constant 0.000000e+00 : f32
      %broadcast_in_dim3A_35 = vector.broadcast %broadcast_in_dim3A_34 : f32 to vector<16xf32>
      %swap3A_36 = arith.index_cast %scan3A_27 : i32 to index
      %swap3A_37 = arith.constant 16 : index
      %swap3A_38 = tpu.vector_load %arg8[%swap3A_36, %swap3A_37] {strides = array<i32>} : memref<128x128xf32, #tpu.memory_space<vmem>>, vector<1x16xf32>,
      %swap3A_39 = vector.shape_cast %swap3A_38 : vector<1x16xf32> to vector<16xf32>
      %swap3A_40 = vector.shape_cast %broadcast_in_dim3A_35 : vector<16xf32> to vector<1x16xf32>
      tpu.vector_store %arg8[%swap3A_36, %swap3A_37], %swap3A_40 {strides = array<i32>} : memref<128x128xf32, #tpu.memory_space<vmem>>, vector<1x16xf32>,
      %broadcast_in_dim3A_41 = arith.constant 0.000000e+00 : f32
      %broadcast_in_dim3A_42 = vector.broadcast %broadcast_in_dim3A_41 : f32 to vector<16xf32>
      %swap3A_43 = arith.index_cast %scan3A_27 : i32 to index
      %swap3A_44 = arith.constant 32 : index
      %swap3A_45 = tpu.vector_load %arg8[%swap3A_43, %swap3A_44] {strides = array<i32>} : memref<128x128xf32, #tpu.memory_space<vmem>>, vector<1x16xf32>,
      %swap3A_46 = vector.shape_cast %swap3A_45 : vector<1x16xf32> to vector<16xf32>
      %swap3A_47 = vector.shape_cast %broadcast_in_dim3A_42 : vector<16xf32> to vector<1x16xf32>
      tpu.vector_store %arg8[%swap3A_43, %swap3A_44], %swap3A_47 {strides = array<i32>} : memref<128x128xf32, #tpu.memory_space<vmem>>, vector<1x16xf32>,
      %broadcast_in_dim3A_48 = arith.constant 0.000000e+00 : f32
      %broadcast_in_dim3A_49 = vector.broadcast %broadcast_in_dim3A_48 : f32 to vector<16xf32>
      %swap3A_50 = arith.index_cast %scan3A_27 : i32 to index
      %swap3A_51 = arith.constant 48 : index
      %swap3A_52 = tpu.vector_load %arg8[%swap3A_50, %swap3A_51] {strides = array<i32>} : memref<128x128xf32, #tpu.memory_space<vmem>>, vector<1x16xf32>,
      %swap3A_53 = vector.shape_cast %swap3A_52 : vector<1x16xf32> to vector<16xf32>
      %swap3A_54 = vector.shape_cast %broadcast_in_dim3A_49 : vector<16xf32> to vector<1x16xf32>
      tpu.vector_store %arg8[%swap3A_50, %swap3A_51], %swap3A_54 {strides = array<i32>} : memref<128x128xf32, #tpu.memory_space<vmem>>, vector<1x16xf32>,
      %broadcast_in_dim3A_55 = arith.constant 0.000000e+00 : f32
      %broadcast_in_dim3A_56 = vector.broadcast %broadcast_in_dim3A_55 : f32 to vector<16xf32>
      %swap3A_57 = arith.index_cast %scan3A_27 : i32 to index
      %swap3A_58 = arith.constant 64 : index
      %swap3A_59 = tpu.vector_load %arg8[%swap3A_57, %swap3A_58] {strides = array<i32>} : memref<128x128xf32, #tpu.memory_space<vmem>>, vector<1x16xf32>,
      %swap3A_60 = vector.shape_cast %swap3A_59 : vector<1x16xf32> to vector<16xf32>
      %swap3A_61 = vector.shape_cast %broadcast_in_dim3A_56 : vector<16xf32> to vector<1x16xf32>
      tpu.vector_store %arg8[%swap3A_57, %swap3A_58], %swap3A_61 {strides = array<i32>} : memref<128x128xf32, #tpu.memory_space<vmem>>, vector<1x16xf32>,
      %broadcast_in_dim3A_62 = arith.constant 0.000000e+00 : f32
      %broadcast_in_dim3A_63 = vector.broadcast %broadcast_in_dim3A_62 : f32 to vector<16xf32>
      %swap3A_64 = arith.index_cast %scan3A_27 : i32 to index
      %swap3A_65 = arith.constant 80 : index
      %swap3A_66 = tpu.vector_load %arg8[%swap3A_64, %swap3A_65] {strides = array<i32>} : memref<128x128xf32, #tpu.memory_space<vmem>>, vector<1x16xf32>,
      %swap3A_67 = vector.shape_cast %swap3A_66 : vector<1x16xf32> to vector<16xf32>
      %swap3A_68 = vector.shape_cast %broadcast_in_dim3A_63 : vector<16xf32> to vector<1x16xf32>
      tpu.vector_store %arg8[%swap3A_64, %swap3A_65], %swap3A_68 {strides = array<i32>} : memref<128x128xf32, #tpu.memory_space<vmem>>, vector<1x16xf32>,
      %broadcast_in_dim3A_69 = arith.constant 0.000000e+00 : f32
      %broadcast_in_dim3A_70 = vector.broadcast %broadcast_in_dim3A_69 : f32 to vector<16xf32>
      %swap3A_71 = arith.index_cast %scan3A_27 : i32 to index
      %swap3A_72 = arith.constant 96 : index
      %swap3A_73 = tpu.vector_load %arg8[%swap3A_71, %swap3A_72] {strides = array<i32>} : memref<128x128xf32, #tpu.memory_space<vmem>>, vector<1x16xf32>,
      %swap3A_74 = vector.shape_cast %swap3A_73 : vector<1x16xf32> to vector<16xf32>
      %swap3A_75 = vector.shape_cast %broadcast_in_dim3A_70 : vector<16xf32> to vector<1x16xf32>
      tpu.vector_store %arg8[%swap3A_71, %swap3A_72], %swap3A_75 {strides = array<i32>} : memref<128x128xf32, #tpu.memory_space<vmem>>, vector<1x16xf32>,
      %broadcast_in_dim3A_76 = arith.constant 0.000000e+00 : f32
      %broadcast_in_dim3A_77 = vector.broadcast %broadcast_in_dim3A_76 : f32 to vector<16xf32>
      %swap3A_78 = arith.index_cast %scan3A_27 : i32 to index
      %swap3A_79 = arith.constant 112 : index
      %swap3A_80 = tpu.vector_load %arg8[%swap3A_78, %swap3A_79] {strides = array<i32>} : memref<128x128xf32, #tpu.memory_space<vmem>>, vector<1x16xf32>,
      %swap3A_81 = vector.shape_cast %swap3A_80 : vector<1x16xf32> to vector<16xf32>
      %swap3A_82 = vector.shape_cast %broadcast_in_dim3A_77 : vector<16xf32> to vector<1x16xf32>
      tpu.vector_store %arg8[%swap3A_78, %swap3A_79], %swap3A_82 {strides = array<i32>} : memref<128x128xf32, #tpu.memory_space<vmem>>, vector<1x16xf32>,
    }
    %scan3A_4 = arith.constant 128 : i32
    %mul3A = arith.constant 632 : i32
    %mul3A_5 = arith.muli %arg1, %mul3A : i32
    %add3A = arith.constant 0 : i32
    %add3A_6 = arith.addi %mul3A_5, %add3A : i32
    "tpu.region"() ({
      %run_scoped3A = tpu.sem_alloc : memref<!tpu.dma_semaphore, #tpu.memory_space<semaphore_mem>>
      %dma_start3A = arith.constant 0 : i32
      %dma_start3A_27 = arith.constant 0 : i32
      %dma_start3A_28 = tpu.memref_slice %arg8[%dma_start3A, %dma_start3A_27] : memref<128x128xf32, #tpu.memory_space<vmem>> -> memref<128x128xf32, #tpu.memory_space<vmem>>
      %dma_start3A_29 = arith.constant 0 : i32
      %dma_start3A_30 = tpu.memref_slice %arg9[%add3A_6, %dma_start3A_29] : memref<10112x128xf32, #tpu.memory_space<vmem_shared>> -> memref<128x128xf32, #tpu.memory_space<vmem_shared>>
      %dma_start3A_31 = arith.constant 0 : i32
      %dma_start3A_32 = tpu.memref_slice %arg9[%add3A_6, %dma_start3A_31] : memref<10112x128xf32, #tpu.memory_space<vmem_shared>> -> memref<128x128xf32, #tpu.memory_space<vmem_shared>>
      %dma_start3A_33 = arith.constant 0 : i32
      %dma_start3A_34 = arith.constant 0 : i32
      %dma_start3A_35 = tpu.memref_slice %arg8[%dma_start3A_33, %dma_start3A_34] : memref<128x128xf32, #tpu.memory_space<vmem>> -> memref<128x128xf32, #tpu.memory_space<vmem>>
      tpu.enqueue_dma source(%dma_start3A_35 : memref<128x128xf32, #tpu.memory_space<vmem>>) target(%dma_start3A_32 : memref<128x128xf32, #tpu.memory_space<vmem_shared>>) target_semaphore(%run_scoped3A : memref<!tpu.dma_semaphore, #tpu.memory_space<semaphore_mem>>)
      %dma_wait3A = arith.constant 0 : i32
      %dma_wait3A_36 = arith.constant 0 : i32
      %dma_wait3A_37 = tpu.memref_slice %arg8[%dma_wait3A, %dma_wait3A_36] : memref<128x128xf32, #tpu.memory_space<vmem>> -> memref<128x128xf32, #tpu.memory_space<vmem>>
      %dma_wait3A_38 = arith.constant 0 : i32
      %dma_wait3A_39 = tpu.memref_slice %arg9[%add3A_6, %dma_wait3A_38] : memref<10112x128xf32, #tpu.memory_space<vmem_shared>> -> memref<128x128xf32, #tpu.memory_space<vmem_shared>>
      %dma_wait3A_40 = arith.constant 0 : i32
      %dma_wait3A_41 = tpu.memref_slice %arg9[%add3A_6, %dma_wait3A_40] : memref<10112x128xf32, #tpu.memory_space<vmem_shared>> -> memref<128x128xf32, #tpu.memory_space<vmem_shared>>
      %dma_wait3A_42 = arith.constant 0 : i32
      %dma_wait3A_43 = arith.constant 0 : i32
      %dma_wait3A_44 = tpu.memref_slice %arg8[%dma_wait3A_42, %dma_wait3A_43] : memref<128x128xf32, #tpu.memory_space<vmem>> -> memref<128x128xf32, #tpu.memory_space<vmem>>
      tpu.wait_dma2 semaphore(%run_scoped3A : memref<!tpu.dma_semaphore, #tpu.memory_space<semaphore_mem>>) src(%dma_wait3A_44 : memref<128x128xf32, #tpu.memory_space<vmem>>) dst(%dma_wait3A_41 : memref<128x128xf32, #tpu.memory_space<vmem_shared>>)
      tpu.yield
    }) : () -> ()
    %add3A_7 = arith.constant 128 : i32
    %add3A_8 = arith.addi %mul3A_5, %add3A_7 : i32
    "tpu.region"() ({
      %run_scoped3A = tpu.sem_alloc : memref<!tpu.dma_semaphore, #tpu.memory_space<semaphore_mem>>
      %dma_start3A = arith.constant 0 : i32
      %dma_start3A_27 = arith.constant 0 : i32
      %dma_start3A_28 = tpu.memref_slice %arg8[%dma_start3A, %dma_start3A_27] : memref<128x128xf32, #tpu.memory_space<vmem>> -> memref<128x128xf32, #tpu.memory_space<vmem>>
      %dma_start3A_29 = arith.constant 0 : i32
      %dma_start3A_30 = tpu.memref_slice %arg9[%add3A_8, %dma_start3A_29] : memref<10112x128xf32, #tpu.memory_space<vmem_shared>> -> memref<128x128xf32, #tpu.memory_space<vmem_shared>>
      %dma_start3A_31 = arith.constant 0 : i32
      %dma_start3A_32 = tpu.memref_slice %arg9[%add3A_8, %dma_start3A_31] : memref<10112x128xf32, #tpu.memory_space<vmem_shared>> -> memref<128x128xf32, #tpu.memory_space<vmem_shared>>
      %dma_start3A_33 = arith.constant 0 : i32
      %dma_start3A_34 = arith.constant 0 : i32
      %dma_start3A_35 = tpu.memref_slice %arg8[%dma_start3A_33, %dma_start3A_34] : memref<128x128xf32, #tpu.memory_space<vmem>> -> memref<128x128xf32, #tpu.memory_space<vmem>>
      tpu.enqueue_dma source(%dma_start3A_35 : memref<128x128xf32, #tpu.memory_space<vmem>>) target(%dma_start3A_32 : memref<128x128xf32, #tpu.memory_space<vmem_shared>>) target_semaphore(%run_scoped3A : memref<!tpu.dma_semaphore, #tpu.memory_space<semaphore_mem>>)
      %dma_wait3A = arith.constant 0 : i32
      %dma_wait3A_36 = arith.constant 0 : i32
      %dma_wait3A_37 = tpu.memref_slice %arg8[%dma_wait3A, %dma_wait3A_36] : memref<128x128xf32, #tpu.memory_space<vmem>> -> memref<128x128xf32, #tpu.memory_space<vmem>>
      %dma_wait3A_38 = arith.constant 0 : i32
      %dma_wait3A_39 = tpu.memref_slice %arg9[%add3A_8, %dma_wait3A_38] : memref<10112x128xf32, #tpu.memory_space<vmem_shared>> -> memref<128x128xf32, #tpu.memory_space<vmem_shared>>
      %dma_wait3A_40 = arith.constant 0 : i32
      %dma_wait3A_41 = tpu.memref_slice %arg9[%add3A_8, %dma_wait3A_40] : memref<10112x128xf32, #tpu.memory_space<vmem_shared>> -> memref<128x128xf32, #tpu.memory_space<vmem_shared>>
      %dma_wait3A_42 = arith.constant 0 : i32
      %dma_wait3A_43 = arith.constant 0 : i32
      %dma_wait3A_44 = tpu.memref_slice %arg8[%dma_wait3A_42, %dma_wait3A_43] : memref<128x128xf32, #tpu.memory_space<vmem>> -> memref<128x128xf32, #tpu.memory_space<vmem>>
      tpu.wait_dma2 semaphore(%run_scoped3A : memref<!tpu.dma_semaphore, #tpu.memory_space<semaphore_mem>>) src(%dma_wait3A_44 : memref<128x128xf32, #tpu.memory_space<vmem>>) dst(%dma_wait3A_41 : memref<128x128xf32, #tpu.memory_space<vmem_shared>>)
      tpu.yield
    }) : () -> ()
    %add3A_9 = arith.constant 256 : i32
    %add3A_10 = arith.addi %mul3A_5, %add3A_9 : i32
    "tpu.region"() ({
      %run_scoped3A = tpu.sem_alloc : memref<!tpu.dma_semaphore, #tpu.memory_space<semaphore_mem>>
      %dma_start3A = arith.constant 0 : i32
      %dma_start3A_27 = arith.constant 0 : i32
      %dma_start3A_28 = tpu.memref_slice %arg8[%dma_start3A, %dma_start3A_27] : memref<128x128xf32, #tpu.memory_space<vmem>> -> memref<128x128xf32, #tpu.memory_space<vmem>>
      %dma_start3A_29 = arith.constant 0 : i32
      %dma_start3A_30 = tpu.memref_slice %arg9[%add3A_10, %dma_start3A_29] : memref<10112x128xf32, #tpu.memory_space<vmem_shared>> -> memref<128x128xf32, #tpu.memory_space<vmem_shared>>
      %dma_start3A_31 = arith.constant 0 : i32
      %dma_start3A_32 = tpu.memref_slice %arg9[%add3A_10, %dma_start3A_31] : memref<10112x128xf32, #tpu.memory_space<vmem_shared>> -> memref<128x128xf32, #tpu.memory_space<vmem_shared>>
      %dma_start3A_33 = arith.constant 0 : i32
      %dma_start3A_34 = arith.constant 0 : i32
      %dma_start3A_35 = tpu.memref_slice %arg8[%dma_start3A_33, %dma_start3A_34] : memref<128x128xf32, #tpu.memory_space<vmem>> -> memref<128x128xf32, #tpu.memory_space<vmem>>
      tpu.enqueue_dma source(%dma_start3A_35 : memref<128x128xf32, #tpu.memory_space<vmem>>) target(%dma_start3A_32 : memref<128x128xf32, #tpu.memory_space<vmem_shared>>) target_semaphore(%run_scoped3A : memref<!tpu.dma_semaphore, #tpu.memory_space<semaphore_mem>>)
      %dma_wait3A = arith.constant 0 : i32
      %dma_wait3A_36 = arith.constant 0 : i32
      %dma_wait3A_37 = tpu.memref_slice %arg8[%dma_wait3A, %dma_wait3A_36] : memref<128x128xf32, #tpu.memory_space<vmem>> -> memref<128x128xf32, #tpu.memory_space<vmem>>
      %dma_wait3A_38 = arith.constant 0 : i32
      %dma_wait3A_39 = tpu.memref_slice %arg9[%add3A_10, %dma_wait3A_38] : memref<10112x128xf32, #tpu.memory_space<vmem_shared>> -> memref<128x128xf32, #tpu.memory_space<vmem_shared>>
      %dma_wait3A_40 = arith.constant 0 : i32
      %dma_wait3A_41 = tpu.memref_slice %arg9[%add3A_10, %dma_wait3A_40] : memref<10112x128xf32, #tpu.memory_space<vmem_shared>> -> memref<128x128xf32, #tpu.memory_space<vmem_shared>>
      %dma_wait3A_42 = arith.constant 0 : i32
      %dma_wait3A_43 = arith.constant 0 : i32
      %dma_wait3A_44 = tpu.memref_slice %arg8[%dma_wait3A_42, %dma_wait3A_43] : memref<128x128xf32, #tpu.memory_space<vmem>> -> memref<128x128xf32, #tpu.memory_space<vmem>>
      tpu.wait_dma2 semaphore(%run_scoped3A : memref<!tpu.dma_semaphore, #tpu.memory_space<semaphore_mem>>) src(%dma_wait3A_44 : memref<128x128xf32, #tpu.memory_space<vmem>>) dst(%dma_wait3A_41 : memref<128x128xf32, #tpu.memory_space<vmem_shared>>)
      tpu.yield
    }) : () -> ()
    %add3A_11 = arith.constant 384 : i32
    %add3A_12 = arith.addi %mul3A_5, %add3A_11 : i32
    "tpu.region"() ({
      %run_scoped3A = tpu.sem_alloc : memref<!tpu.dma_semaphore, #tpu.memory_space<semaphore_mem>>
      %dma_start3A = arith.constant 0 : i32
      %dma_start3A_27 = arith.constant 0 : i32
      %dma_start3A_28 = tpu.memref_slice %arg8[%dma_start3A, %dma_start3A_27] : memref<128x128xf32, #tpu.memory_space<vmem>> -> memref<128x128xf32, #tpu.memory_space<vmem>>
      %dma_start3A_29 = arith.constant 0 : i32
      %dma_start3A_30 = tpu.memref_slice %arg9[%add3A_12, %dma_start3A_29] : memref<10112x128xf32, #tpu.memory_space<vmem_shared>> -> memref<128x128xf32, #tpu.memory_space<vmem_shared>>
      %dma_start3A_31 = arith.constant 0 : i32
      %dma_start3A_32 = tpu.memref_slice %arg9[%add3A_12, %dma_start3A_31] : memref<10112x128xf32, #tpu.memory_space<vmem_shared>> -> memref<128x128xf32, #tpu.memory_space<vmem_shared>>
      %dma_start3A_33 = arith.constant 0 : i32
      %dma_start3A_34 = arith.constant 0 : i32
      %dma_start3A_35 = tpu.memref_slice %arg8[%dma_start3A_33, %dma_start3A_34] : memref<128x128xf32, #tpu.memory_space<vmem>> -> memref<128x128xf32, #tpu.memory_space<vmem>>
      tpu.enqueue_dma source(%dma_start3A_35 : memref<128x128xf32, #tpu.memory_space<vmem>>) target(%dma_start3A_32 : memref<128x128xf32, #tpu.memory_space<vmem_shared>>) target_semaphore(%run_scoped3A : memref<!tpu.dma_semaphore, #tpu.memory_space<semaphore_mem>>)
      %dma_wait3A = arith.constant 0 : i32
      %dma_wait3A_36 = arith.constant 0 : i32
      %dma_wait3A_37 = tpu.memref_slice %arg8[%dma_wait3A, %dma_wait3A_36] : memref<128x128xf32, #tpu.memory_space<vmem>> -> memref<128x128xf32, #tpu.memory_space<vmem>>
      %dma_wait3A_38 = arith.constant 0 : i32
      %dma_wait3A_39 = tpu.memref_slice %arg9[%add3A_12, %dma_wait3A_38] : memref<10112x128xf32, #tpu.memory_space<vmem_shared>> -> memref<128x128xf32, #tpu.memory_space<vmem_shared>>
      %dma_wait3A_40 = arith.constant 0 : i32
      %dma_wait3A_41 = tpu.memref_slice %arg9[%add3A_12, %dma_wait3A_40] : memref<10112x128xf32, #tpu.memory_space<vmem_shared>> -> memref<128x128xf32, #tpu.memory_space<vmem_shared>>
      %dma_wait3A_42 = arith.constant 0 : i32
      %dma_wait3A_43 = arith.constant 0 : i32
      %dma_wait3A_44 = tpu.memref_slice %arg8[%dma_wait3A_42, %dma_wait3A_43] : memref<128x128xf32, #tpu.memory_space<vmem>> -> memref<128x128xf32, #tpu.memory_space<vmem>>
      tpu.wait_dma2 semaphore(%run_scoped3A : memref<!tpu.dma_semaphore, #tpu.memory_space<semaphore_mem>>) src(%dma_wait3A_44 : memref<128x128xf32, #tpu.memory_space<vmem>>) dst(%dma_wait3A_41 : memref<128x128xf32, #tpu.memory_space<vmem_shared>>)
      tpu.yield
    }) : () -> ()
    %add3A_13 = arith.constant 512 : i32
    %add3A_14 = arith.addi %mul3A_5, %add3A_13 : i32
    "tpu.region"() ({
      %run_scoped3A = tpu.sem_alloc : memref<!tpu.dma_semaphore, #tpu.memory_space<semaphore_mem>>
      %dma_start3A = arith.constant 0 : i32
      %dma_start3A_27 = arith.constant 0 : i32
      %dma_start3A_28 = tpu.memref_slice %arg8[%dma_start3A, %dma_start3A_27] : memref<128x128xf32, #tpu.memory_space<vmem>> -> memref<120x128xf32, #tpu.memory_space<vmem>>
      %dma_start3A_29 = arith.constant 0 : i32
      %dma_start3A_30 = tpu.memref_slice %arg9[%add3A_14, %dma_start3A_29] : memref<10112x128xf32, #tpu.memory_space<vmem_shared>> -> memref<120x128xf32, #tpu.memory_space<vmem_shared>>
      %dma_start3A_31 = arith.constant 0 : i32
      %dma_start3A_32 = tpu.memref_slice %arg9[%add3A_14, %dma_start3A_31] : memref<10112x128xf32, #tpu.memory_space<vmem_shared>> -> memref<120x128xf32, #tpu.memory_space<vmem_shared>>
      %dma_start3A_33 = arith.constant 0 : i32
      %dma_start3A_34 = arith.constant 0 : i32
      %dma_start3A_35 = tpu.memref_slice %arg8[%dma_start3A_33, %dma_start3A_34] : memref<128x128xf32, #tpu.memory_space<vmem>> -> memref<120x128xf32, #tpu.memory_space<vmem>>
      tpu.enqueue_dma source(%dma_start3A_35 : memref<120x128xf32, #tpu.memory_space<vmem>>) target(%dma_start3A_32 : memref<120x128xf32, #tpu.memory_space<vmem_shared>>) target_semaphore(%run_scoped3A : memref<!tpu.dma_semaphore, #tpu.memory_space<semaphore_mem>>)
      %dma_wait3A = arith.constant 0 : i32
      %dma_wait3A_36 = arith.constant 0 : i32
      %dma_wait3A_37 = tpu.memref_slice %arg8[%dma_wait3A, %dma_wait3A_36] : memref<128x128xf32, #tpu.memory_space<vmem>> -> memref<120x128xf32, #tpu.memory_space<vmem>>
      %dma_wait3A_38 = arith.constant 0 : i32
      %dma_wait3A_39 = tpu.memref_slice %arg9[%add3A_14, %dma_wait3A_38] : memref<10112x128xf32, #tpu.memory_space<vmem_shared>> -> memref<120x128xf32, #tpu.memory_space<vmem_shared>>
      %dma_wait3A_40 = arith.constant 0 : i32
      %dma_wait3A_41 = tpu.memref_slice %arg9[%add3A_14, %dma_wait3A_40] : memref<10112x128xf32, #tpu.memory_space<vmem_shared>> -> memref<120x128xf32, #tpu.memory_space<vmem_shared>>
      %dma_wait3A_42 = arith.constant 0 : i32
      %dma_wait3A_43 = arith.constant 0 : i32
      %dma_wait3A_44 = tpu.memref_slice %arg8[%dma_wait3A_42, %dma_wait3A_43] : memref<128x128xf32, #tpu.memory_space<vmem>> -> memref<120x128xf32, #tpu.memory_space<vmem>>
      tpu.wait_dma2 semaphore(%run_scoped3A : memref<!tpu.dma_semaphore, #tpu.memory_space<semaphore_mem>>) src(%dma_wait3A_44 : memref<120x128xf32, #tpu.memory_space<vmem>>) dst(%dma_wait3A_41 : memref<120x128xf32, #tpu.memory_space<vmem_shared>>)
      tpu.yield
    }) : () -> ()
    %barrier3A = arith.constant 0 : index
    tpu.barrier barrier_id(%barrier3A)
    %mul3A_15 = arith.constant 2 : i32
    %mul3A_16 = arith.muli %arg1, %mul3A_15 : i32
    %add3A_17 = arith.addi %mul3A_16, %arg0 : i32
    %mul3A_18 = arith.constant 79 : i32
    %mul3A_19 = arith.muli %add3A_17, %mul3A_18 : i32
    %broadcast_in_dim3A = vector.broadcast %arg0 : i32 to vector<16xi32>
    %scan3A_20 = arith.constant 0 : i32
    %scan3A_21 = arith.constant 0 : i32
    %scan3A_22 = arith.constant 79 : i32
    %scan3A_23 = arith.addi %scan3A_21, %scan3A_22 : i32
    %scan3A_24 = arith.constant 1 : i32
    scf.for %scan3A_27 = %scan3A_21 to %scan3A_23 step %scan3A_24  : i32 {
      %add3A_28 = arith.addi %mul3A_19, %scan3A_27 : i32
      "tpu.region"() ({
        %run_scoped3A = tpu.sem_alloc : memref<!tpu.dma_semaphore, #tpu.memory_space<semaphore_mem>>
        %dma_start3A_33 = arith.constant 0 : i32
        %dma_start3A_34 = tpu.memref_slice %arg3[%add3A_28, %dma_start3A_33] : memref<2528x128xi32, #tpu.memory_space<hbm>> -> memref<1x128xi32, #tpu.memory_space<hbm>>
        %dma_start3A_35 = tpu.memref_squeeze %dma_start3A_34 : memref<1x128xi32, #tpu.memory_space<hbm>> -> memref<128xi32, #tpu.memory_space<hbm>>
        %dma_start3A_36 = arith.constant 0 : i32
        %dma_start3A_37 = tpu.memref_slice %arg3[%add3A_28, %dma_start3A_36] : memref<2528x128xi32, #tpu.memory_space<hbm>> -> memref<1x128xi32, #tpu.memory_space<hbm>>
        %dma_start3A_38 = tpu.memref_squeeze %dma_start3A_37 : memref<1x128xi32, #tpu.memory_space<hbm>> -> memref<128xi32, #tpu.memory_space<hbm>>
        tpu.enqueue_dma source(%dma_start3A_38 : memref<128xi32, #tpu.memory_space<hbm>>) target(%arg6 : memref<128xi32, #tpu.memory_space<vmem>>) target_semaphore(%run_scoped3A : memref<!tpu.dma_semaphore, #tpu.memory_space<semaphore_mem>>)
        %dma_wait3A_39 = arith.constant 0 : i32
        %dma_wait3A_40 = tpu.memref_slice %arg3[%add3A_28, %dma_wait3A_39] : memref<2528x128xi32, #tpu.memory_space<hbm>> -> memref<1x128xi32, #tpu.memory_space<hbm>>
        %dma_wait3A_41 = tpu.memref_squeeze %dma_wait3A_40 : memref<1x128xi32, #tpu.memory_space<hbm>> -> memref<128xi32, #tpu.memory_space<hbm>>
        %dma_wait3A_42 = arith.constant 0 : i32
        %dma_wait3A_43 = tpu.memref_slice %arg3[%add3A_28, %dma_wait3A_42] : memref<2528x128xi32, #tpu.memory_space<hbm>> -> memref<1x128xi32, #tpu.memory_space<hbm>>
        %dma_wait3A_44 = tpu.memref_squeeze %dma_wait3A_43 : memref<1x128xi32, #tpu.memory_space<hbm>> -> memref<128xi32, #tpu.memory_space<hbm>>
        tpu.wait_dma2 semaphore(%run_scoped3A : memref<!tpu.dma_semaphore, #tpu.memory_space<semaphore_mem>>) src(%dma_wait3A_44 : memref<128xi32, #tpu.memory_space<hbm>>) dst(%arg6 : memref<128xi32, #tpu.memory_space<vmem>>)
        tpu.yield
      }) : () -> ()
      %dma_start3A = arith.constant 0 : i32
      %dma_start3A_29 = arith.constant 0 : i32
      %dma_start3A_30 = tpu.memref_slice %arg2[%dma_start3A, %dma_start3A_29] : memref<10000x128xf32, #tpu.memory_space<hbm>> -> memref<10000x128xf32, #tpu.memory_space<hbm>>
      tpu.enqueue_indirect_dma source(%dma_start3A_30 : memref<10000x128xf32, #tpu.memory_space<hbm>>) target(%arg8 : memref<128x128xf32, #tpu.memory_space<vmem>>) offsets(%arg6 : memref<128xi32, #tpu.memory_space<vmem>>) semaphore(%arg10 : memref<!tpu.dma_semaphore, #tpu.memory_space<semaphore_mem>>)
      %dma_wait3A = arith.constant 0 : i32
      %dma_wait3A_31 = arith.constant 0 : i32
      %dma_wait3A_32 = tpu.memref_slice %arg2[%dma_wait3A, %dma_wait3A_31] : memref<10000x128xf32, #tpu.memory_space<hbm>> -> memref<10000x128xf32, #tpu.memory_space<hbm>>
      tpu.wait_indirect_dma semaphore(%arg10 : memref<!tpu.dma_semaphore, #tpu.memory_space<semaphore_mem>>) src(%dma_wait3A_32 : memref<10000x128xf32, #tpu.memory_space<hbm>>) dst(%arg8 : memref<128x128xf32, #tpu.memory_space<vmem>>)
      "tpu.region"() ({
        %run_scoped3A = tpu.sem_alloc : memref<!tpu.dma_semaphore, #tpu.memory_space<semaphore_mem>>
        %dma_start3A_33 = arith.constant 0 : i32
        %dma_start3A_34 = tpu.memref_slice %arg4[%add3A_28, %dma_start3A_33] : memref<2528x128xi32, #tpu.memory_space<hbm>> -> memref<1x128xi32, #tpu.memory_space<hbm>>
        %dma_start3A_35 = tpu.memref_squeeze %dma_start3A_34 : memref<1x128xi32, #tpu.memory_space<hbm>> -> memref<128xi32, #tpu.memory_space<hbm>>
        %dma_start3A_36 = arith.constant 0 : i32
        %dma_start3A_37 = tpu.memref_slice %arg4[%add3A_28, %dma_start3A_36] : memref<2528x128xi32, #tpu.memory_space<hbm>> -> memref<1x128xi32, #tpu.memory_space<hbm>>
        %dma_start3A_38 = tpu.memref_squeeze %dma_start3A_37 : memref<1x128xi32, #tpu.memory_space<hbm>> -> memref<128xi32, #tpu.memory_space<hbm>>
        tpu.enqueue_dma source(%dma_start3A_38 : memref<128xi32, #tpu.memory_space<hbm>>) target(%arg7 : memref<128xi32, #tpu.memory_space<vmem>>) target_semaphore(%run_scoped3A : memref<!tpu.dma_semaphore, #tpu.memory_space<semaphore_mem>>)
        %dma_wait3A_39 = arith.constant 0 : i32
        %dma_wait3A_40 = tpu.memref_slice %arg4[%add3A_28, %dma_wait3A_39] : memref<2528x128xi32, #tpu.memory_space<hbm>> -> memref<1x128xi32, #tpu.memory_space<hbm>>
        %dma_wait3A_41 = tpu.memref_squeeze %dma_wait3A_40 : memref<1x128xi32, #tpu.memory_space<hbm>> -> memref<128xi32, #tpu.memory_space<hbm>>
        %dma_wait3A_42 = arith.constant 0 : i32
        %dma_wait3A_43 = tpu.memref_slice %arg4[%add3A_28, %dma_wait3A_42] : memref<2528x128xi32, #tpu.memory_space<hbm>> -> memref<1x128xi32, #tpu.memory_space<hbm>>
        %dma_wait3A_44 = tpu.memref_squeeze %dma_wait3A_43 : memref<1x128xi32, #tpu.memory_space<hbm>> -> memref<128xi32, #tpu.memory_space<hbm>>
        tpu.wait_dma2 semaphore(%run_scoped3A : memref<!tpu.dma_semaphore, #tpu.memory_space<semaphore_mem>>) src(%dma_wait3A_44 : memref<128xi32, #tpu.memory_space<hbm>>) dst(%arg7 : memref<128xi32, #tpu.memory_space<vmem>>)
        tpu.yield
      }) : () -> ()
      "tpu.region"() ({
        %run_scoped3A = tpu.sem_alloc : memref<!tpu.dma_semaphore, #tpu.memory_space<semaphore_mem>>
        %dma_start3A_33 = arith.constant 0 : i32
        %dma_start3A_34 = arith.constant 0 : i32
        %dma_start3A_35 = tpu.memref_slice %arg9[%dma_start3A_33, %dma_start3A_34] : memref<10112x128xf32, #tpu.memory_space<vmem_shared>> -> memref<10112x128xf32, #tpu.memory_space<vmem_shared>>
        tpu.enqueue_indirect_dma source(%arg8 : memref<128x128xf32, #tpu.memory_space<vmem>>) target(%dma_start3A_35 : memref<10112x128xf32, #tpu.memory_space<vmem_shared>>) offsets(%arg7 : memref<128xi32, #tpu.memory_space<vmem>>) semaphore(%run_scoped3A : memref<!tpu.dma_semaphore, #tpu.memory_space<semaphore_mem>>) {add = true}
        %dma_wait3A_36 = arith.constant 0 : i32
        %dma_wait3A_37 = arith.constant 0 : i32
        %dma_wait3A_38 = tpu.memref_slice %arg9[%dma_wait3A_36, %dma_wait3A_37] : memref<10112x128xf32, #tpu.memory_space<vmem_shared>> -> memref<10112x128xf32, #tpu.memory_space<vmem_shared>>
        tpu.wait_indirect_dma semaphore(%run_scoped3A : memref<!tpu.dma_semaphore, #tpu.memory_space<semaphore_mem>>) src(%arg8 : memref<128x128xf32, #tpu.memory_space<vmem>>) dst(%dma_wait3A_38 : memref<10112x128xf32, #tpu.memory_space<vmem_shared>>)
        tpu.yield
      }) : () -> ()
    }
    %scan3A_25 = arith.constant 79 : i32
    %barrier3A_26 = arith.constant 0 : index
    tpu.barrier barrier_id(%barrier3A_26)
    "tpu.region"() ({
      %run_scoped3A = tpu.sem_alloc : memref<!tpu.dma_semaphore, #tpu.memory_space<semaphore_mem>>
      %dma_start3A = arith.constant 0 : i32
      %dma_start3A_27 = tpu.memref_slice %arg5[%arg0, %mul3A_5, %dma_start3A] : memref<2x10112x128xf32, #tpu.memory_space<hbm>> -> memref<1x632x128xf32, #tpu.memory_space<hbm>>
      %dma_start3A_28 = tpu.memref_squeeze %dma_start3A_27 : memref<1x632x128xf32, #tpu.memory_space<hbm>> -> memref<632x128xf32, #tpu.memory_space<hbm>>
      %dma_start3A_29 = arith.constant 0 : i32
      %dma_start3A_30 = tpu.memref_slice %arg9[%mul3A_5, %dma_start3A_29] : memref<10112x128xf32, #tpu.memory_space<vmem_shared>> -> memref<632x128xf32, #tpu.memory_space<vmem_shared>>
      tpu.enqueue_dma source(%dma_start3A_30 : memref<632x128xf32, #tpu.memory_space<vmem_shared>>) target(%dma_start3A_28 : memref<632x128xf32, #tpu.memory_space<hbm>>) target_semaphore(%run_scoped3A : memref<!tpu.dma_semaphore, #tpu.memory_space<semaphore_mem>>)
      %dma_wait3A = arith.constant 0 : i32
      %dma_wait3A_31 = tpu.memref_slice %arg5[%arg0, %mul3A_5, %dma_wait3A] : memref<2x10112x128xf32, #tpu.memory_space<hbm>> -> memref<1x632x128xf32, #tpu.memory_space<hbm>>
      %dma_wait3A_32 = tpu.memref_squeeze %dma_wait3A_31 : memref<1x632x128xf32, #tpu.memory_space<hbm>> -> memref<632x128xf32, #tpu.memory_space<hbm>>
      %dma_wait3A_33 = arith.constant 0 : i32
      %dma_wait3A_34 = tpu.memref_slice %arg9[%mul3A_5, %dma_wait3A_33] : memref<10112x128xf32, #tpu.memory_space<vmem_shared>> -> memref<632x128xf32, #tpu.memory_space<vmem_shared>>
      tpu.wait_dma2 semaphore(%run_scoped3A : memref<!tpu.dma_semaphore, #tpu.memory_space<semaphore_mem>>) src(%dma_wait3A_34 : memref<632x128xf32, #tpu.memory_space<vmem_shared>>) dst(%dma_wait3A_32 : memref<632x128xf32, #tpu.memory_space<hbm>>)
      tpu.yield
    }) : () -> ()
    return
  }
}

module attributes {stable_mosaic.version = 14 : i64} {
  func.func @body(%arg0: i32, %arg1: memref<1024x128xf32, #tpu.memory_space<vmem>>, %arg2: memref<2x1024x128xf32, #tpu.memory_space<vmem>>, %arg3: memref<128x256xf32, #tpu.memory_space<vmem>>, %arg4: memref<1x256xf32, #tpu.memory_space<vmem>>, %arg5: memref<1024x256xf32, #tpu.memory_space<vmem>>) attributes {dimension_semantics = [#tpu.dimension_semantics<arbitrary>], iteration_bounds = array<i64: 10>, scalar_prefetch = 0 : i64, scratch_operands = 0 : i64, tpu.core_type = #tpu.core_type<tc>, window_params = [{transform_indices = @transform_0, window_bounds = array<i64: 1024, 128>}, {transform_indices = @transform_1, window_bounds = array<i64: 2, 1024, 128>}, {pipeline_mode = #tpu.pipeline_mode<synchronous>, transform_indices = @transform_2, window_bounds = array<i64: 128, 256>}, {pipeline_mode = #tpu.pipeline_mode<synchronous>, transform_indices = @transform_3, window_bounds = array<i64: 1, 256>}, {transform_indices = @transform_4, window_bounds = array<i64: 1024, 256>}]} {
    %get3A = arith.constant 0 : index
    %get3A_0 = arith.constant 0 : index
    %get3A_1 = vector.load %arg1[%get3A, %get3A_0] : memref<1024x128xf32, #tpu.memory_space<vmem>>, vector<1024x128xf32>
    %get3A_2 = arith.constant 0 : index
    %get3A_3 = arith.constant 0 : index
    %get3A_4 = arith.constant 0 : index
    %get3A_5 = vector.load %arg2[%get3A_2, %get3A_3, %get3A_4] : memref<2x1024x128xf32, #tpu.memory_space<vmem>>, vector<1x1024x128xf32>
    %get3A_6 = vector.shape_cast %get3A_5 : vector<1x1024x128xf32> to vector<1024x128xf32>
    %add3A = arith.addf %get3A_1, %get3A_6 : vector<1024x128xf32>
    %get3A_7 = arith.constant 1 : index
    %get3A_8 = arith.constant 0 : index
    %get3A_9 = arith.constant 0 : index
    %get3A_10 = vector.load %arg2[%get3A_7, %get3A_8, %get3A_9] : memref<2x1024x128xf32, #tpu.memory_space<vmem>>, vector<1x1024x128xf32>
    %get3A_11 = vector.shape_cast %get3A_10 : vector<1x1024x128xf32> to vector<1024x128xf32>
    %add3A_12 = arith.addf %add3A, %get3A_11 : vector<1024x128xf32>
    %get3A_13 = arith.constant 0 : index
    %get3A_14 = arith.constant 0 : index
    %get3A_15 = vector.load %arg3[%get3A_13, %get3A_14] : memref<128x256xf32, #tpu.memory_space<vmem>>, vector<128x256xf32>
    %dot_general3A = arith.constant dense<0.000000e+00> : vector<1024x256xf32>
    %dot_general3A_16 = tpu.matmul %add3A_12, %get3A_15, %dot_general3A {dimension_numbers = #tpu.dot_dimension_numbers<[1], [0], [0], [1], [0, 0, 1, 1], [], []>, transpose_lhs_hint = false} : vector<1024x128xf32>, vector<128x256xf32>, vector<1024x256xf32> -> vector<1024x256xf32>
    %get3A_17 = arith.constant 0 : index
    %get3A_18 = arith.constant 0 : index
    %get3A_19 = vector.load %arg4[%get3A_17, %get3A_18] : memref<1x256xf32, #tpu.memory_space<vmem>>, vector<1x256xf32>
    %add3A_20 = vector.broadcast %get3A_19 : vector<1x256xf32> to vector<1024x256xf32>
    %add3A_21 = arith.addf %dot_general3A_16, %add3A_20 : vector<1024x256xf32>
    %ge3A = arith.constant 0.000000e+00 : f32
    %ge3A_22 = vector.broadcast %ge3A : f32 to vector<1024x256xf32>
    %ge3A_23 = arith.cmpf oge, %add3A_21, %ge3A_22 : vector<1024x256xf32>
    %mul3A = arith.constant 0.00999999977 : f32
    %mul3A_24 = vector.broadcast %mul3A : f32 to vector<1024x256xf32>
    %mul3A_25 = arith.mulf %mul3A_24, %add3A_21 : vector<1024x256xf32>
    %select_n3A = arith.select %ge3A_23, %add3A_21, %mul3A_25 : vector<1024x256xi1>, vector<1024x256xf32>
    %ge3A_26 = arith.constant 0.000000e+00 : f32
    %ge3A_27 = vector.broadcast %ge3A_26 : f32 to vector<1024x256xf32>
    %ge3A_28 = arith.cmpf oge, %select_n3A, %ge3A_27 : vector<1024x256xf32>
    %mul3A_29 = arith.constant 0.00999999977 : f32
    %mul3A_30 = vector.broadcast %mul3A_29 : f32 to vector<1024x256xf32>
    %mul3A_31 = arith.mulf %mul3A_30, %select_n3A : vector<1024x256xf32>
    %select_n3A_32 = arith.select %ge3A_28, %select_n3A, %mul3A_31 : vector<1024x256xi1>, vector<1024x256xf32>
    %swap3A = arith.constant 0 : index
    %swap3A_33 = arith.constant 0 : index
    %swap3A_34 = vector.load %arg5[%swap3A, %swap3A_33] : memref<1024x256xf32, #tpu.memory_space<vmem>>, vector<1024x256xf32>
    tpu.vector_store %arg5[%swap3A, %swap3A_33], %select_n3A_32 {strides = array<i32>} : memref<1024x256xf32, #tpu.memory_space<vmem>>, vector<1024x256xf32>,
    return
  }
  func.func @transform_0(%arg0: i32) -> (i32, i32) {
    %c0_i32 = arith.constant 0 : i32
    %c0_i32_0 = arith.constant 0 : i32
    return %arg0, %c0_i32 : i32, i32
  }
  func.func @transform_1(%arg0: i32) -> (i32, i32, i32) {
    %c0_i32 = arith.constant 0 : i32
    %c0_i32_0 = arith.constant 0 : i32
    %c0_i32_1 = arith.constant 0 : i32
    return %c0_i32, %arg0, %c0_i32_0 : i32, i32, i32
  }
  func.func @transform_2(%arg0: i32) -> (i32, i32) {
    %c0_i32 = arith.constant 0 : i32
    %c0_i32_0 = arith.constant 0 : i32
    %c0_i32_1 = arith.constant 0 : i32
    return %c0_i32, %c0_i32_0 : i32, i32
  }
  func.func @transform_3(%arg0: i32) -> (i32, i32) {
    %c0_i32 = arith.constant 0 : i32
    %c0_i32_0 = arith.constant 0 : i32
    %c0_i32_1 = arith.constant 0 : i32
    return %c0_i32, %c0_i32_0 : i32, i32
  }
  func.func @transform_4(%arg0: i32) -> (i32, i32) {
    %c0_i32 = arith.constant 0 : i32
    %c0_i32_0 = arith.constant 0 : i32
    return %arg0, %c0_i32 : i32, i32
  }
}

module attributes {stable_mosaic.version = 14 : i64} {
  func.func @body(%arg0: i32, %arg1: memref<1024x256xf32, #tpu.memory_space<vmem>>, %arg2: memref<2x1024x128xf32, #tpu.memory_space<vmem>>, %arg3: memref<256x256xf32, #tpu.memory_space<vmem>>, %arg4: memref<1x256xf32, #tpu.memory_space<vmem>>, %arg5: memref<1024x256xf32, #tpu.memory_space<vmem>>) attributes {dimension_semantics = [#tpu.dimension_semantics<arbitrary>], iteration_bounds = array<i64: 10>, scalar_prefetch = 0 : i64, scratch_operands = 0 : i64, tpu.core_type = #tpu.core_type<tc>, window_params = [{transform_indices = @transform_0, window_bounds = array<i64: 1024, 256>}, {transform_indices = @transform_1, window_bounds = array<i64: 2, 1024, 128>}, {pipeline_mode = #tpu.pipeline_mode<synchronous>, transform_indices = @transform_2, window_bounds = array<i64: 256, 256>}, {pipeline_mode = #tpu.pipeline_mode<synchronous>, transform_indices = @transform_3, window_bounds = array<i64: 1, 256>}, {transform_indices = @transform_4, window_bounds = array<i64: 1024, 256>}]} {
    %get3A = arith.constant 0 : index
    %get3A_0 = arith.constant 0 : index
    %get3A_1 = vector.load %arg1[%get3A, %get3A_0] : memref<1024x256xf32, #tpu.memory_space<vmem>>, vector<1024x256xf32>
    %slice3A = vector.extract_strided_slice %get3A_1 {offsets = [0, 0], sizes = [1024, 128], strides = [1, 1]} : vector<1024x256xf32> to vector<1024x128xf32>
    %get3A_2 = arith.constant 0 : index
    %get3A_3 = arith.constant 0 : index
    %get3A_4 = arith.constant 0 : index
    %get3A_5 = vector.load %arg2[%get3A_2, %get3A_3, %get3A_4] : memref<2x1024x128xf32, #tpu.memory_space<vmem>>, vector<1x1024x128xf32>
    %get3A_6 = vector.shape_cast %get3A_5 : vector<1x1024x128xf32> to vector<1024x128xf32>
    %add3A = arith.addf %slice3A, %get3A_6 : vector<1024x128xf32>
    %slice3A_7 = vector.extract_strided_slice %get3A_1 {offsets = [0, 128], sizes = [1024, 128], strides = [1, 1]} : vector<1024x256xf32> to vector<1024x128xf32>
    %get3A_8 = arith.constant 1 : index
    %get3A_9 = arith.constant 0 : index
    %get3A_10 = arith.constant 0 : index
    %get3A_11 = vector.load %arg2[%get3A_8, %get3A_9, %get3A_10] : memref<2x1024x128xf32, #tpu.memory_space<vmem>>, vector<1x1024x128xf32>
    %get3A_12 = vector.shape_cast %get3A_11 : vector<1x1024x128xf32> to vector<1024x128xf32>
    %add3A_13 = arith.addf %slice3A_7, %get3A_12 : vector<1024x128xf32>
    %get3A_14 = arith.constant 0 : index
    %get3A_15 = arith.constant 0 : index
    %get3A_16 = vector.load %arg3[%get3A_14, %get3A_15] : memref<256x256xf32, #tpu.memory_space<vmem>>, vector<256x256xf32>
    %slice3A_17 = vector.extract_strided_slice %get3A_16 {offsets = [0, 0], sizes = [128, 256], strides = [1, 1]} : vector<256x256xf32> to vector<128x256xf32>
    %dot_general3A = arith.constant dense<0.000000e+00> : vector<1024x256xf32>
    %dot_general3A_18 = tpu.matmul %add3A, %slice3A_17, %dot_general3A {dimension_numbers = #tpu.dot_dimension_numbers<[1], [0], [0], [1], [0, 0, 1, 1], [], []>, transpose_lhs_hint = false} : vector<1024x128xf32>, vector<128x256xf32>, vector<1024x256xf32> -> vector<1024x256xf32>
    %slice3A_19 = vector.extract_strided_slice %get3A_16 {offsets = [128, 0], sizes = [128, 256], strides = [1, 1]} : vector<256x256xf32> to vector<128x256xf32>
    %dot_general3A_20 = arith.constant dense<0.000000e+00> : vector<1024x256xf32>
    %dot_general3A_21 = tpu.matmul %add3A_13, %slice3A_19, %dot_general3A_20 {dimension_numbers = #tpu.dot_dimension_numbers<[1], [0], [0], [1], [0, 0, 1, 1], [], []>, transpose_lhs_hint = false} : vector<1024x128xf32>, vector<128x256xf32>, vector<1024x256xf32> -> vector<1024x256xf32>
    %add3A_22 = arith.addf %dot_general3A_18, %dot_general3A_21 : vector<1024x256xf32>
    %get3A_23 = arith.constant 0 : index
    %get3A_24 = arith.constant 0 : index
    %get3A_25 = vector.load %arg4[%get3A_23, %get3A_24] : memref<1x256xf32, #tpu.memory_space<vmem>>, vector<1x256xf32>
    %add3A_26 = vector.broadcast %get3A_25 : vector<1x256xf32> to vector<1024x256xf32>
    %add3A_27 = arith.addf %add3A_22, %add3A_26 : vector<1024x256xf32>
    %ge3A = arith.constant 0.000000e+00 : f32
    %ge3A_28 = vector.broadcast %ge3A : f32 to vector<1024x256xf32>
    %ge3A_29 = arith.cmpf oge, %add3A_27, %ge3A_28 : vector<1024x256xf32>
    %mul3A = arith.constant 0.00999999977 : f32
    %mul3A_30 = vector.broadcast %mul3A : f32 to vector<1024x256xf32>
    %mul3A_31 = arith.mulf %mul3A_30, %add3A_27 : vector<1024x256xf32>
    %select_n3A = arith.select %ge3A_29, %add3A_27, %mul3A_31 : vector<1024x256xi1>, vector<1024x256xf32>
    %ge3A_32 = arith.constant 0.000000e+00 : f32
    %ge3A_33 = vector.broadcast %ge3A_32 : f32 to vector<1024x256xf32>
    %ge3A_34 = arith.cmpf oge, %select_n3A, %ge3A_33 : vector<1024x256xf32>
    %mul3A_35 = arith.constant 0.00999999977 : f32
    %mul3A_36 = vector.broadcast %mul3A_35 : f32 to vector<1024x256xf32>
    %mul3A_37 = arith.mulf %mul3A_36, %select_n3A : vector<1024x256xf32>
    %select_n3A_38 = arith.select %ge3A_34, %select_n3A, %mul3A_37 : vector<1024x256xi1>, vector<1024x256xf32>
    %swap3A = arith.constant 0 : index
    %swap3A_39 = arith.constant 0 : index
    %swap3A_40 = vector.load %arg5[%swap3A, %swap3A_39] : memref<1024x256xf32, #tpu.memory_space<vmem>>, vector<1024x256xf32>
    tpu.vector_store %arg5[%swap3A, %swap3A_39], %select_n3A_38 {strides = array<i32>} : memref<1024x256xf32, #tpu.memory_space<vmem>>, vector<1024x256xf32>,
    return
  }
  func.func @transform_0(%arg0: i32) -> (i32, i32) {
    %c0_i32 = arith.constant 0 : i32
    %c0_i32_0 = arith.constant 0 : i32
    return %arg0, %c0_i32 : i32, i32
  }
  func.func @transform_1(%arg0: i32) -> (i32, i32, i32) {
    %c0_i32 = arith.constant 0 : i32
    %c0_i32_0 = arith.constant 0 : i32
    %c0_i32_1 = arith.constant 0 : i32
    return %c0_i32, %arg0, %c0_i32_0 : i32, i32, i32
  }
  func.func @transform_2(%arg0: i32) -> (i32, i32) {
    %c0_i32 = arith.constant 0 : i32
    %c0_i32_0 = arith.constant 0 : i32
    %c0_i32_1 = arith.constant 0 : i32
    return %c0_i32, %c0_i32_0 : i32, i32
  }
  func.func @transform_3(%arg0: i32) -> (i32, i32) {
    %c0_i32 = arith.constant 0 : i32
    %c0_i32_0 = arith.constant 0 : i32
    %c0_i32_1 = arith.constant 0 : i32
    return %c0_i32, %c0_i32_0 : i32, i32
  }
  func.func @transform_4(%arg0: i32) -> (i32, i32) {
    %c0_i32 = arith.constant 0 : i32
    %c0_i32_0 = arith.constant 0 : i32
    return %arg0, %c0_i32 : i32, i32
  }
}

module attributes {stable_mosaic.version = 14 : i64} {
  func.func @body(%arg0: i32, %arg1: memref<32x128x272xf32, #tpu.memory_space<vmem>>, %arg2: memref<32x128x256xf32, #tpu.memory_space<vmem>>, %arg3: memref<768x128xf32, #tpu.memory_space<vmem>>, %arg4: memref<1x128xf32, #tpu.memory_space<vmem>>, %arg5: memref<128x128xf32, #tpu.memory_space<vmem>>) attributes {dimension_semantics = [#tpu.dimension_semantics<arbitrary>], iteration_bounds = array<i64: 1>, scalar_prefetch = 0 : i64, scratch_operands = 0 : i64, tpu.core_type = #tpu.core_type<tc>, window_params = [{pipeline_mode = #tpu.pipeline_mode<synchronous>, transform_indices = @transform_0, window_bounds = array<i64: 32, 128, 272>}, {pipeline_mode = #tpu.pipeline_mode<synchronous>, transform_indices = @transform_1, window_bounds = array<i64: 32, 128, 256>}, {pipeline_mode = #tpu.pipeline_mode<synchronous>, transform_indices = @transform_2, window_bounds = array<i64: 768, 128>}, {pipeline_mode = #tpu.pipeline_mode<synchronous>, transform_indices = @transform_3, window_bounds = array<i64: 1, 128>}, {pipeline_mode = #tpu.pipeline_mode<synchronous>, transform_indices = @transform_4, window_bounds = array<i64: 128, 128>}]} {
    %get3A = arith.constant 0 : index
    %get3A_0 = arith.constant 0 : index
    %get3A_1 = arith.constant 0 : index
    %get3A_2 = vector.load %arg1[%get3A, %get3A_0, %get3A_1] : memref<32x128x272xf32, #tpu.memory_space<vmem>>, vector<32x128x272xf32>
    %reduce_sum3A = arith.constant dense<0.000000e+00> : vector<128x272xf32>
    %reduce_sum3A_3 = vector.multi_reduction <add>, %get3A_2, %reduce_sum3A [0] : vector<32x128x272xf32> to vector<128x272xf32>
    %slice3A = vector.extract_strided_slice %reduce_sum3A_3 {offsets = [0, 0], sizes = [128, 256], strides = [1, 1]} : vector<128x272xf32> to vector<128x256xf32>
    %slice3A_4 = vector.extract_strided_slice %reduce_sum3A_3 {offsets = [0, 256], sizes = [128, 1], strides = [1, 1]} : vector<128x272xf32> to vector<128x1xf32>
    %squeeze3A = vector.shape_cast %slice3A_4 : vector<128x1xf32> to vector<128xf32>
    %get3A_5 = arith.constant 0 : index
    %get3A_6 = arith.constant 0 : index
    %get3A_7 = arith.constant 0 : index
    %get3A_8 = vector.load %arg2[%get3A_5, %get3A_6, %get3A_7] : memref<32x128x256xf32, #tpu.memory_space<vmem>>, vector<32x128x256xf32>
    %reduce_max3A = arith.constant dense<0xFF800000> : vector<128x256xf32>
    %reduce_max3A_9 = vector.multi_reduction <maximumf>, %get3A_8, %reduce_max3A [0] : vector<32x128x256xf32> to vector<128x256xf32>
    %max3A = arith.constant 1.000000e+00 : f32
    %max3A_10 = vector.broadcast %max3A : f32 to vector<128xf32>
    %max3A_11 = arith.maximumf %squeeze3A, %max3A_10 : vector<128xf32>
    %broadcast_in_dim3A = vector.shape_cast %max3A_11 : vector<128xf32> to vector<128x1xf32>
    %div3A = vector.broadcast %broadcast_in_dim3A : vector<128x1xf32> to vector<128x256xf32>
    %div3A_12 = arith.divf %slice3A, %div3A : vector<128x256xf32>
    %broadcast_in_dim3A_13 = vector.shape_cast %squeeze3A : vector<128xf32> to vector<128x1xf32>
    %gt3A = arith.constant 0.000000e+00 : f32
    %gt3A_14 = vector.broadcast %gt3A : f32 to vector<128x1xf32>
    %gt3A_15 = arith.cmpf ogt, %broadcast_in_dim3A_13, %gt3A_14 : vector<128x1xf32>
    %jit3A = arith.constant 0.000000e+00 : f32
    %broadcast_in_dim3A_16 = vector.shape_cast %gt3A_15 : vector<128x1xi1> to vector<128x1xi1>
    %broadcast_in_dim3A_17 = vector.broadcast %broadcast_in_dim3A_16 : vector<128x1xi1> to vector<128x256xi1>
    %broadcast_in_dim3A_18 = vector.broadcast %jit3A : f32 to vector<128x256xf32>
    %select_n3A = arith.select %broadcast_in_dim3A_17, %reduce_max3A_9, %broadcast_in_dim3A_18 : vector<128x256xi1>, vector<128x256xf32>
    %concatenate3A = tpu.concatenate %div3A_12, %slice3A, %select_n3A in 1 : vector<128x256xf32>, vector<128x256xf32>, vector<128x256xf32> -> vector<128x768xf32>
    %get3A_19 = arith.constant 0 : index
    %get3A_20 = arith.constant 0 : index
    %get3A_21 = vector.load %arg3[%get3A_19, %get3A_20] : memref<768x128xf32, #tpu.memory_space<vmem>>, vector<768x128xf32>
    %dot_general3A = arith.constant dense<0.000000e+00> : vector<128x128xf32>
    %dot_general3A_22 = tpu.matmul %concatenate3A, %get3A_21, %dot_general3A {dimension_numbers = #tpu.dot_dimension_numbers<[1], [0], [0], [1], [0, 0, 1, 1], [], []>, transpose_lhs_hint = false} : vector<128x768xf32>, vector<768x128xf32>, vector<128x128xf32> -> vector<128x128xf32>
    %get3A_23 = arith.constant 0 : index
    %get3A_24 = arith.constant 0 : index
    %get3A_25 = vector.load %arg4[%get3A_23, %get3A_24] : memref<1x128xf32, #tpu.memory_space<vmem>>, vector<1x128xf32>
    %add3A = vector.broadcast %get3A_25 : vector<1x128xf32> to vector<128x128xf32>
    %add3A_26 = arith.addf %dot_general3A_22, %add3A : vector<128x128xf32>
    %ge3A = arith.constant 0.000000e+00 : f32
    %ge3A_27 = vector.broadcast %ge3A : f32 to vector<128x128xf32>
    %ge3A_28 = arith.cmpf oge, %add3A_26, %ge3A_27 : vector<128x128xf32>
    %mul3A = arith.constant 0.00999999977 : f32
    %mul3A_29 = vector.broadcast %mul3A : f32 to vector<128x128xf32>
    %mul3A_30 = arith.mulf %mul3A_29, %add3A_26 : vector<128x128xf32>
    %select_n3A_31 = arith.select %ge3A_28, %add3A_26, %mul3A_30 : vector<128x128xi1>, vector<128x128xf32>
    %swap3A = arith.constant 0 : index
    %swap3A_32 = arith.constant 0 : index
    %swap3A_33 = vector.load %arg5[%swap3A, %swap3A_32] : memref<128x128xf32, #tpu.memory_space<vmem>>, vector<128x128xf32>
    tpu.vector_store %arg5[%swap3A, %swap3A_32], %select_n3A_31 {strides = array<i32>} : memref<128x128xf32, #tpu.memory_space<vmem>>, vector<128x128xf32>,
    return
  }
  func.func @transform_0(%arg0: i32) -> (i32, i32, i32) {
    %c0_i32 = arith.constant 0 : i32
    %c0_i32_0 = arith.constant 0 : i32
    %c0_i32_1 = arith.constant 0 : i32
    %c0_i32_2 = arith.constant 0 : i32
    return %c0_i32, %c0_i32_0, %c0_i32_1 : i32, i32, i32
  }
  func.func @transform_1(%arg0: i32) -> (i32, i32, i32) {
    %c0_i32 = arith.constant 0 : i32
    %c0_i32_0 = arith.constant 0 : i32
    %c0_i32_1 = arith.constant 0 : i32
    %c0_i32_2 = arith.constant 0 : i32
    return %c0_i32, %c0_i32_0, %c0_i32_1 : i32, i32, i32
  }
  func.func @transform_2(%arg0: i32) -> (i32, i32) {
    %c0_i32 = arith.constant 0 : i32
    %c0_i32_0 = arith.constant 0 : i32
    %c0_i32_1 = arith.constant 0 : i32
    return %c0_i32, %c0_i32_0 : i32, i32
  }
  func.func @transform_3(%arg0: i32) -> (i32, i32) {
    %c0_i32 = arith.constant 0 : i32
    %c0_i32_0 = arith.constant 0 : i32
    %c0_i32_1 = arith.constant 0 : i32
    return %c0_i32, %c0_i32_0 : i32, i32
  }
  func.func @transform_4(%arg0: i32) -> (i32, i32) {
    %c0_i32 = arith.constant 0 : i32
    %c0_i32_0 = arith.constant 0 : i32
    %c0_i32_1 = arith.constant 0 : i32
    return %c0_i32, %c0_i32_0 : i32, i32
  }
}

</mosaic_0001>

<sc_bundles>
// kernel: kernel.11.cloned.1.call-start
scs
__scs_entry_jumppad:
0x0: {  	(pc) =	sbr.rel $0x88, $3  }
0x1: {  	(tag) =	ssettag $0x0;
	lr =	simm.s32 $0x1  }
0x2: {  	[smem:$0x3F98] =	sst lr;
	_ =	strace $0xD0000000  }
0x3: {  	_ = 	snop  }
0x4: {  	_ = 	snop  }
0x5: {  	_ = 	snop  }
0x6: {  	_ = 	snop  }
0x7: {  	_ = 	snop  }
__scs_overlays_trampoline_lowered:
0x8: {  	[smem:$0x3FA7] =	sst s0  }
0x9: {  	[smem:$0x3FA8] =	sst s1  }
0xa: {  	[smem:$0x3FA9] =	sst s2  }
0xb: {  	[smem:$0x3FAA] =	sst s3  }
0xc: {  	[smem:$0x3FAB] =	sst s4  }
0xd: {  	[smem:$0x3FAC] =	sst s5  }
0xe: {  	[smem:$0x3FAD] =	sst s6  }
0xf: {  	[smem:$0x3FAE] =	sst s7  }
0x10: {  	[smem:$0x3FAF] =	sst s8  }
0x11: {  	[smem:$0x3FB0] =	sst s9;
	s0 =	simm.s32 @!p0 $0x0  }
0x12: {  	s1 =	sld [smem:$0x3F96];
	s0 =	simm.s32 @p0 $0x1  }
0x13: {  	[smem:$0x3FB1] =	sst s0;
	s0 =	simm.s32 @!p1 $0x0  }
0x14: {  	s2 =	sld [smem:$0x3F95];
	s0 =	simm.s32 @p1 $0x1  }
0x15: {  	[smem:$0x3FB2] =	sst s0;
	s0 =	simm.s32 @!p2 $0x0  }
0x16: {  	s3 =	sld [smem:$0x3FDB];
	s0 =	simm.s32 @p2 $0x1  }
0x17: {  	s4 =	simm.s32 $0x1BF5;
	[smem:$0x3FB4] =	sst s0  }
0x18: {  	s0 =	sld [smem:$0x3F97];
	_ =	swait.ge [sflag:s4], $0x0  }
0x19: {  	s7 =	sld [smem:$0x3F98]  }
0x1a: {  	s8 =	sadd.s32 $0xFFFFE003, lr  }
0x1b: {  	s9 =	sadd.s32 $0xFFFFFEF7, lr;
	s5 =	simm.s32 $0xFFFFFFFF;
	p2 =	slt.u32 s8, $0xFFFFF086  }
0x1c: {  	p1 =	slt.u32 s9, $0xF7A;
	s5 =	simm.s32 @!p2 $0x0  }
0x1d: {  	s5 =	simm.s32 @p1 $0x1;
	p0 =	seq.s32 s7, s2  }
0x1e: {  	s7 =	smul.u32 @!p0 $0xF7A, s2;
	p2 =	seq.s32 @!p0 s5, $0x0  }
0x1f: {  	s9 =	smul.u32 $0xF7A, s1;
	s8 =	simm.s32 @!p0 $0x1BF5;
	p2 =	por !p2, p0  }
0x20: {  	[sflag:s8] =	ssyncset.s32 @!p0 $0xFFFFF086;
	s6 =	sadd.s32 @!p0 s3, s7;
	s7 =	simm.s32 @!p0 $0x108  }
0x21: {  	s3 =	sadd.s32 s3, s9;
	s6 =	sadd.s32 @!p0 $0x88, s6;
	s7 =	simm.s32 @p2 $0x1082  }
0x22: {  	[simem:s7], [sflag:s8] =	dma.local @!p0 [hbm:s6], $0xF7A  }
0x23: {  	s9 =	sor.u32 $0xD0000000, s2;
	s6 =	simm.s32 $0x108;
	_ =	swait.ge @!p0 [sflag:s8], $0x0  }
0x24: {  	s3 =	sadd.s32 $0x88, s3;
	s6 =	simm.s32 @!p1 $0x1082;
	[sflag:s4] =	ssyncset.s32 $0xFFFFF086  }
0x25: {  	[simem:s6], [sflag:s4] =	dma.local [hbm:s3], $0xF7A  }
0x26: {  	[smem:$0x3F98] =	sst s1;
	(tag) =	ssettag s2;
	_ =	strace s9  }
0x27: {  	s1 =	sld [smem:$0x3FA8]  }
0x28: {  	s2 =	sld [smem:$0x3FA9]  }
0x29: {  	s4 =	sld [smem:$0x3FAB]  }
0x2a: {  	p0 =	seq.s32 s5, $0x0;
	s5 =	sld [smem:$0x3FAC]  }
0x2b: {  	s6 =	sld [smem:$0x3FAD]  }
0x2c: {  	s7 =	sld [smem:$0x3FAE]  }
0x2d: {  	s3 =	simm.s32 $0x108;
	s8 =	sld [smem:$0x3FAF]  }
0x2e: {  	s3 =	simm.s32 @!p0 $0x1082;
	s9 =	sld [smem:$0x3FB0]  }
0x2f: {  	lr =	sadd.s32 s0, s3;
	s0 =	sld [smem:$0x3FA7]  }
0x30: {  	s3 =	sld [smem:$0x3FAA]  }
0x31: {  	[smem:$0x3FB3] =	sst s10  }
0x32: {  	s10 =	sld [smem:$0x3FB1];
	_ =	sdelay $0x3  }
0x33: {  	p0 =	seq.s32 s10, $0x1;
	s10 =	sld [smem:$0x3FB3];
	_ =	sdelay $0x3  }
0x34: {  	[smem:$0x3FB3] =	sst s10  }
0x35: {  	s10 =	sld [smem:$0x3FB2];
	_ =	sdelay $0x3  }
0x36: {  	p1 =	seq.s32 s10, $0x1;
	s10 =	sld [smem:$0x3FB3];
	_ =	sdelay $0x3  }
0x37: {  	[smem:$0x3FB3] =	sst s10  }
0x38: {  	s10 =	sld [smem:$0x3FB4]  }
0x39: {  	_ = 	snop;
	(pc) =	sbr.ind lr, $3  }
0x3a: {  	_ = 	snop  }
0x3b: {  	_ = 	snop  }
0x3c: {  	p2 =	seq.s32 s10, $0x1;
	s10 =	sld [smem:$0x3FB3]  }
0x3d: {  	_ =	shalt  }
0x3e: {  	_ =	shalt  }
0x3f: {  	_ =	shalt  }
0x40: {  	_ =	shalt  }
0x41: {  	_ =	shalt  }
0x42: {  	_ =	shalt  }
0x43: {  	_ =	shalt  }
0x44: {  	_ =	shalt  }
0x45: {  	_ =	shalt  }
0x46: {  	_ =	shalt  }
0x47: {  	_ =	shalt  }
0x48: {  	_ =	shalt  }
0x49: {  	_ =	shalt  }
0x4a: {  	_ =	shalt  }
0x4b: {  	_ =	shalt  }
0x4c: {  	_ =	shalt  }
0x4d: {  	_ =	shalt  }
0x4e: {  	_ =	shalt  }
0x4f: {  	_ =	shalt  }
0x50: {  	_ =	shalt  }
0x51: {  	_ =	shalt  }
0x52: {  	_ =	shalt  }
0x53: {  	_ =	shalt  }
0x54: {  	_ =	shalt  }
0x55: {  	_ =	shalt  }
0x56: {  	_ =	shalt  }
0x57: {  	_ =	shalt  }
0x58: {  	_ =	shalt  }
0x59: {  	_ =	shalt  }
0x5a: {  	_ =	shalt  }
0x5b: {  	_ =	shalt  }
0x5c: {  	_ =	shalt  }
0x5d: {  	_ =	shalt  }
0x5e: {  	_ =	shalt  }
0x5f: {  	_ =	shalt  }
0x60: {  	_ =	shalt  }
0x61: {  	_ =	shalt  }
0x62: {  	_ =	shalt  }
0x63: {  	_ =	shalt  }
0x64: {  	_ =	shalt  }
0x65: {  	_ =	shalt  }
0x66: {  	_ =	shalt  }
0x67: {  	_ =	shalt  }
0x68: {  	_ =	shalt  }
0x69: {  	_ =	shalt  }
0x6a: {  	_ =	shalt  }
0x6b: {  	_ =	shalt  }
0x6c: {  	_ =	shalt  }
0x6d: {  	_ =	shalt  }
0x6e: {  	_ =	shalt  }
0x6f: {  	_ =	shalt  }
0x70: {  	_ =	shalt  }
0x71: {  	_ =	shalt  }
0x72: {  	_ =	shalt  }
0x73: {  	_ =	shalt  }
0x74: {  	_ =	shalt  }
0x75: {  	_ =	shalt  }
0x76: {  	_ =	shalt  }
0x77: {  	_ =	shalt  }
0x78: {  	_ =	shalt  }
0x79: {  	_ =	shalt  }
0x7a: {  	_ =	shalt  }
0x7b: {  	_ =	shalt  }
0x7c: {  	_ =	shalt  }
0x7d: {  	_ =	shalt  }
0x7e: {  	_ =	shalt  }
0x7f: {  	_ =	shalt  }
0x80: {  	_ =	shalt  }
0x81: {  	_ =	shalt  }
0x82: {  	_ =	shalt  }
0x83: {  	_ =	shalt  }
0x84: {  	_ =	shalt  }
0x85: {  	_ =	shalt  }
0x86: {  	_ =	shalt  }
0x87: {  	_ =	shalt  }
.Lfunc_end0:
.L_simem_size_0:
called_computation.1_lowered:
.L_overlay_start_0:
0x88: {  	s2 =	sld [smem:$0x3FD9]  }
0x89: {  	s3 =	sld [smem:$0x3FFE];
	_ =	sdelay $0x1  }
0x8a: {  	s1 =	srdreg.scid  }
0x8b: {  	s0 =	sand.u32 $0x1, s1  }
0x8c: {  	s16 =	sshll.u32 s0, $0xA;
	s2 =	sadd.s32 s3, s2  }
0x8d: {  	s2 =	sadd.s32 s2, s16  }
0x8e: {  	[smem:$0x3FBF] =	sst s2  }
0x8f: {  	_ = 	snop  }
0x90: {  	(tm) =	ssettm $0x1  }
0x91: {  	s17 =	sld [smem:$0x3FFB];
	_ =	sdelay $0x3  }
0x92: {  	_ =	strace s17  }
0x93: {  	s2 =	sld [smem:$0x3FFC];
	_ =	sdelay $0x3  }
0x94: {  	_ =	strace s2  }
0x95: {  	s2 =	sld [smem:$0x3FFD];
	_ =	sdelay $0x3  }
0x96: {  	_ =	strace s2  }
0x97: {  	_ =	strace $0x8FFFFFFF  }
0x98: {  	s18 =	sld [smem:$0x3FDB];
	_ =	sdelay $0x1  }
0x99: {  	s19 =	simm.s32 $_scs_section_size  }
0x9a: {  	s4 =	simm.s32 $_size__tile_overlayer_lowered;
	s5 =	simm.s32 $_tile_overlayer_lowered  }
0x9b: {  	s22 =	simm.s32 $0x1BFF;
	s21 =	sshll.u32 s5, $0x1;
	s2 =	sadd.s32 s19, s18  }
0x9c: {  	s6 =	simm.s32 $0x0;
	s20 =	sshll.u32 s4, $0x1;
	s4 =	sadd.s32 s21, s2  }
0x9d: {  	[timem:s6], [sflag:s22] =	dma.local [hbm:s4], s20  }
0x9e: {  	_ =	swait.ge [sflag:s22], s20  }
0x9f: {  	s3 =	ssub.s32 $0x0, s20;
	[sflag:s22] =	ssyncset.done $0x0  }
0xa0: {  	[sflag:s22] =	ssyncadd.s32 s3;
	_ =	sdelay $0x1  }
0xa1: {  	s23 =	simm.s32 $0x1B8B  }
0xa2: {  	_ =	swait.ge [sflag:s23], $0x1  }
0xa3: {  	[sflag:s23] =	ssyncset.done $0x0  }
0xa4: {  	s25 =	simm.s32 $0x1B8E;
	s24 =	sld [smem:$0x3FFE];
	[sflag:s23] =	ssyncadd.s32 $0xFFFFFFFF  }
0xa5: {  	s26 =	simm.s32 $execute0_lowered;
	[smem:$0x3FD2] =	sst s25  }
0xa6: {  	s4 =	sshll.u32 s26, $0x1;
	_ =	strace $0x80000049;
	[dreg:$0x1] =	wrdreg $0xFFFFFFFF  }
0xa7: {  	s28 =	simm.s32 $_size_execute0_lowered;
	s2 =	sadd.s32 s2, s4;
	[dreg:$0x0] =	wrdreg $0x0  }
0xa8: {  	s4 =	sshll.u32 s28, $0x1;
	[dreg:$0x2] =	wrdreg s2  }
0xa9: {  	[dreg:$0x3] =	wrdreg s4  }
0xaa: {  	[dreg:$0x4] =	wrdreg $0xC0  }
0xab: {  	_ =	task [dreg:s6], $0x5FFFF  }
0xac: {  	[dreg:$0x1] =	wrdreg $0xFFFFFFFF  }
0xad: {  	[dreg:$0x0] =	wrdreg $0x60  }
0xae: {  	[dreg:$0x2] =	wrdreg s24  }
0xaf: {  	[dreg:$0x3] =	wrdreg $0x41000  }
0xb0: {  	[dreg:$0x4] =	wrdreg $0x9  }
0xb1: {  	_ =	task.clear_ibuf [dreg:s6], $0x5FFFF;
	_ =	strace $0x90000049  }
0xb2: {  	s29 =	simm.s32 $0x9;
	_ =	strace $0x8000004B  }
0xb3: {  	_ =	swait.ge [sflag:s29], $0x1  }
0xb4: {  	[sflag:s29] =	ssyncadd.s32 $0xFFFFFFFF  }
0xb5: {  	_ =	strace $0x9000004B  }
0xb6: {  	_ =	sfence  }
0xb7: {  	s30 =	sld [smem:$0x0];
	_ =	sdelay $0x2  }
0xb8: {  	s31 =	sshll.u32 s1, $0xD;
	s1 =	sshrl.u32 s1, $0x2  }
0xb9: {  	s3 =	sand.u32 $0x4000, s31;
	s1 =	sadd.s32 s1, s30  }
0xba: {  	s0 =	sor.u32 s3, s0;
	s1 =	sshll.u32 s1, $0x11  }
0xbb: {  	s0 =	sor.u32 s1, s0  }
0xbc: {  	s0 =	sadd.s32 $0x8F2B, s0  }
0xbd: {  	[sflag:s0] =	ssyncadd.remote.s32 $0x1  }
0xbe: {  	_ =	sfence.sel $0xFFFF  }
0xbf: {  	[dreg:$0x0] =	wrdreg $0xFFFFFFFF;
	(pc) =	sbr.abs _section_cstart, $3  }
0xc0: {  	[dreg:$0x1] =	wrdreg $0xFFFFFFFF  }
0xc1: {  	_ =	task.clear_ibuf [dreg:s6], $0x2FFFF;
	_ =	strace $0x9FFFFFFF  }
0xc2: {  	(tm) =	ssettm $0x7FFFFFFF  }
0xc3: {  	_ =	shalt  }
tec
execute0_lowered:
.L_overlay_start_1:
0x0: {  	(tag) =	ssettag $0x1  }
0x1: {  	s0 =	stileid.u32  }
0x2: {  	s1 =	srdreg.scid;
	s6 =	rddreg [dreg:$0x0]  }
0x3: {  	s2 =	rddreg [dreg:$0x1];
	s3 =	simm.s32 $0x0;
	s14 =	simm.s32 $0x100  }
0x4: {  	s15 =	simm.s32 $0x2;
	s16 =	simm.s32 $0x80;
	s17 =	simm.s32 $0x1  }
0x5: {  	s5 =	smul.u32 $0x9D0, s0;
	s18 =	sand.u32 $0x1, s1;
	s1 =	rddreg [dreg:$0x2]  }
0x6: {  	s20 =	simm.s32 $0x0;
	s8 =	smul.u32 $0x13C00, s0;
	[smem:$0x7FF] =	sst s3  }
0x7: {  	s9 =	smul.u32 $0x4F000, s0;
	s4 =	sadd.s32 $0x79000, s6;
	s19 =	sshll.u32 s0, $0x6  }
0x8: {  	s7 =	smul.u32 $0x13C000, s18;
	_ =	strace $0x8000004A;
	s29 =	ssub.s32 $0x2, s18  }
0x9: {  	v0 =	vmov s18;
	s18 =	sor.u32 $0x1C02, s19;
	s13 =	sadd.s32 s5, s6;
	s30 =	sshrl.u32 s9, $0x2  }
0xa: {  	s10 =	sshrl.u32 s29, $0x1;
	s28 =	sadd.s32 s8, s7;
	s5 =	sadd.s32 s30, s2  }
0xb: {  	s12 =	ssub.s32 s29, s10;
	s31 =	sshrl.u32 s28, $0x3;
	s7 =	sadd.s32 $0x8000, s5  }
0xc: {  	s8 =	sadd.s32 $0xC000, s5;
	s9 =	sadd.s32 $0x10000, s5;
	s11 =	sadd.s32 s31, s6  }
0xd: {  	s19 =	sshrl.u32 s5, $0x3;
	s6 =	sadd.s32 $0x4000, s5;
	s10 =	sadd.s32 $0xC9000, s11  }
0xe: {  	v1 =	vimm.f32 $0.0e+00;
	s11 =	smax.u32 s12, $0x1;
	s12 =	sadd.s32 $0x6F200, s13;
	s13 =	sadd.s32 $0x65400, s13  }
.LBB2_1:
0xf: {  	s21 =	simm.s32 $0x0;
	s22 =	simm.s32 $0x200  }
.LBB2_2:
0x10: {  	p0 =	sne.s32 s22, $0xFE00;
	[tilespmem:s21+$0x170] =	vst v1  }
0x11: {  	[tilespmem:s21+$0x100] =	vst v1  }
0x12: {  	[tilespmem:s21+$0x110] =	vst v1  }
.Ltmp0:
0x13: {  	[tilespmem:s21+$0x120] =	vst v1;
	(pc) =	sbr.rel @p0 .LBB2_2-.Ltmp0, $4  }
0x14: {  	[tilespmem:s21+$0x130] =	vst v1  }
0x15: {  	[tilespmem:s21+$0x140] =	vst v1  }
0x16: {  	[tilespmem:s21+$0x150] =	vst v1  }
0x17: {  	[tilespmem:s21+$0x160] =	vst v1;
	s21 =	sshra.s32 s22, $0x2;
	s22 =	sadd.s32 $0x200, s22  }
0x18: {  	[tilespmem:s21+$0x170] =	vst v1  }
0x19: {  	[tilespmem:s21+$0x100] =	vst v1  }
0x1a: {  	[tilespmem:s21+$0x110] =	vst v1  }
0x1b: {  	[tilespmem:s21+$0x120] =	vst v1  }
0x1c: {  	[tilespmem:s21+$0x130] =	vst v1  }
0x1d: {  	[tilespmem:s21+$0x140] =	vst v1  }
0x1e: {  	[tilespmem:s21+$0x150] =	vst v1  }
0x1f: {  	[tilespmem:s21+$0x160] =	vst v1  }
0x20: {  	[spmem:s5] =	stream.linear.scatter [tilespmem:s14], [sflag:$0x2], $0x4000, $0x38;
	[tilespmem:$0x17D00] =	vst v63  }
0x21: {  	_ =	swait.ge [sflag:s15], $0x4000  }
0x22: {  	[sflag:s15] =	ssyncset.done $0x0  }
0x23: {  	[sflag:s15] =	ssyncadd.s32 $0xFFFFC000  }
0x24: {  	[spmem:s6] =	stream.linear.scatter [tilespmem:s14], [sflag:$0x2], $0x4000, $0x38;
	[tilespmem:$0x17D00] =	vst v63  }
0x25: {  	_ =	swait.ge [sflag:s15], $0x4000  }
0x26: {  	[sflag:s15] =	ssyncset.done $0x0  }
0x27: {  	[sflag:s15] =	ssyncadd.s32 $0xFFFFC000  }
0x28: {  	[spmem:s7] =	stream.linear.scatter [tilespmem:s14], [sflag:$0x2], $0x4000, $0x38;
	[tilespmem:$0x17D00] =	vst v63  }
0x29: {  	_ =	swait.ge [sflag:s15], $0x4000  }
0x2a: {  	[sflag:s15] =	ssyncset.done $0x0  }
0x2b: {  	[sflag:s15] =	ssyncadd.s32 $0xFFFFC000  }
0x2c: {  	[spmem:s8] =	stream.linear.scatter [tilespmem:s14], [sflag:$0x2], $0x4000, $0x38;
	[tilespmem:$0x17D00] =	vst v63  }
0x2d: {  	_ =	swait.ge [sflag:s15], $0x4000  }
0x2e: {  	[sflag:s15] =	ssyncset.done $0x0  }
0x2f: {  	[sflag:s15] =	ssyncadd.s32 $0xFFFFC000  }
0x30: {  	[spmem:s9] =	stream.linear.scatter [tilespmem:s14], [sflag:$0x2], $0x3C00, $0x38;
	[tilespmem:$0x17D00] =	vst v63  }
0x31: {  	_ =	swait.ge [sflag:s15], $0x3C00  }
0x32: {  	[sflag:s15] =	ssyncset.done $0x0  }
0x33: {  	[sflag:s15] =	ssyncadd.s32 $0xFFFFC400  }
0x34: {  	s31 =	sadd.s32 $0x0, s12;
	[bflag:$0x0] =	sbarrier.arrive $0xFFFF  }
0x35: {  	[tilespmem:s3], [sflag:$0x2] =	stream.linear.gather [hbm4b:s31+s3], $0x80, $0x38;
	[tilespmem:$0x17D00] =	vst v63  }
0x36: {  	_ =	swait.ge [sflag:s15], $0x80  }
0x37: {  	[sflag:s15] =	ssyncset.done $0x0  }
0x38: {  	[sflag:s15] =	ssyncadd.s32 $0xFFFFFF80  }
0x39: {  	v2 =	vld [tilespmem:$0x70]  }
0x3a: {  	v3 =	vld [tilespmem:$0x30]  }
0x3b: {  	v6 =	vld [tilespmem:$0x20]  }
0x3c: {  	v4 =	vld [tilespmem:$0x50]  }
0x3d: {  	v5 =	vld [tilespmem:$0x60]  }
0x3e: {  	v7 =	vld [tilespmem:$0x10];
	v2 =	vadd.s32 v0, v2  }
0x3f: {  	v8 =	vld [tilespmem:$0x40];
	v3 =	vadd.s32 v0, v3;
	[tilespmem:$0x70] =	vst v2  }
0x40: {  	v63 =	vadd.s32 v0, v6;
	v2 =	vld [tilespmem:$0x0];
	[tilespmem:$0x30] =	vst v3  }
0x41: {  	v3 =	vadd.s32 v0, v4;
	[tilespmem:$0x20] =	vst v63  }
0x42: {  	[tilespmem:$0x50] =	vst v3;
	v3 =	vadd.s32 v0, v5  }
0x43: {  	[tilespmem:$0x60] =	vst v3;
	v3 =	vadd.s32 v0, v7  }
0x44: {  	[tilespmem:$0x10] =	vst v3;
	v3 =	vadd.s32 v0, v8  }
0x45: {  	[tilespmem:$0x40] =	vst v3;
	v2 =	vadd.s32 v0, v2  }
0x46: {  	[tilespmem:$0x0] =	vst v2  }
0x47: {  	[tilespmem:s14], [sflag:$0x1] =	stream.indirect.gather [hbm4b:s4+s16], $0x80, s3, s16, $0xb8;
	[tilespmem:$0x17D00] =	vst v63  }
0x48: {  	_ =	swait.ge [sflag:s17], $0x4000  }
0x49: {  	[sflag:s17] =	ssyncset.done $0x0  }
0x4a: {  	s21 =	simm.s32 $0x10;
	s22 =	sadd.s32 $0x0, s13;
	[sflag:s17] =	ssyncadd.s32 $0xFFFFC000  }
.LBB2_4:
0x4b: {  	[tilespmem:s16], [sflag:$0x2] =	stream.linear.gather [hbm4b:s22+s3], $0x80, $0x38;
	[tilespmem:$0x17D00] =	vst v63  }
0x4c: {  	s22 =	smov.u32 s21  }
0x4d: {  	p0 =	sne.s32 s21, $0x9C0;
	s21 =	sadd.s32 $0x10, s21;
	_ =	swait.ge [sflag:s15], $0x80  }
0x4e: {  	[sflag:s15] =	ssyncset.done $0x0  }
0x4f: {  	[sflag:s15] =	ssyncadd.s32 $0xFFFFFF80  }
0x50: {  	[spmem:s2] =	stream.indirect.scatter.add.f32 [tilespmem:s14], [sflag:$0x2], $0x80, s16, s16, $0xb8;
	[tilespmem:$0x17D00] =	vst v63  }
0x51: {  	_ =	swait.ge [sflag:s15], $0x4000  }
0x52: {  	[sflag:s15] =	ssyncset.done $0x0  }
0x53: {  	s23 =	sadd.s32 s22, s12;
	[sflag:s15] =	ssyncadd.s32 $0xFFFFC000  }
0x54: {  	[tilespmem:s3], [sflag:$0x2] =	stream.linear.gather [hbm4b:s23+s3], $0x80, $0x38;
	[tilespmem:$0x17D00] =	vst v63  }
0x55: {  	_ =	swait.ge [sflag:s15], $0x80  }
0x56: {  	[sflag:s15] =	ssyncset.done $0x0  }
0x57: {  	[sflag:s15] =	ssyncadd.s32 $0xFFFFFF80  }
0x58: {  	v2 =	vld [tilespmem:$0x70]  }
0x59: {  	v3 =	vld [tilespmem:$0x30]  }
0x5a: {  	v4 =	vld [tilespmem:$0x50]  }
0x5b: {  	v5 =	vld [tilespmem:$0x60]  }
0x5c: {  	v6 =	vld [tilespmem:$0x20]  }
0x5d: {  	v7 =	vld [tilespmem:$0x10];
	v2 =	vadd.s32 v0, v2  }
0x5e: {  	v3 =	vadd.s32 v0, v3;
	v8 =	vld [tilespmem:$0x40];
	[tilespmem:$0x70] =	vst v2  }
0x5f: {  	v2 =	vld [tilespmem:$0x0];
	[tilespmem:$0x30] =	vst v3;
	v3 =	vadd.s32 v0, v4  }
0x60: {  	[tilespmem:$0x50] =	vst v3;
	v3 =	vadd.s32 v0, v5  }
0x61: {  	v4 =	vadd.s32 v0, v6;
	[tilespmem:$0x60] =	vst v3  }
0x62: {  	v3 =	vadd.s32 v0, v7;
	[tilespmem:$0x20] =	vst v4  }
0x63: {  	[tilespmem:$0x10] =	vst v3;
	v3 =	vadd.s32 v0, v8  }
0x64: {  	v2 =	vadd.s32 v0, v2;
	[tilespmem:$0x40] =	vst v3  }
.Ltmp1:
0x65: {  	[tilespmem:$0x0] =	vst v2;
	(pc) =	sbr.rel @p0 .LBB2_4-.Ltmp1, $4  }
0x66: {  	[tilespmem:s14], [sflag:$0x1] =	stream.indirect.gather [hbm4b:s4+s16], $0x80, s3, s16, $0xb8;
	[tilespmem:$0x17D00] =	vst v63  }
0x67: {  	_ =	swait.ge [sflag:s17], $0x4000  }
0x68: {  	[sflag:s17] =	ssyncset.done $0x0  }
0x69: {  	s22 =	sadd.s32 s22, s13;
	[sflag:s17] =	ssyncadd.s32 $0xFFFFC000  }
0x6a: {  	[tilespmem:s16], [sflag:$0x2] =	stream.linear.gather [hbm4b:s22+s3], $0x80, $0x38;
	[tilespmem:$0x17D00] =	vst v63  }
0x6b: {  	_ =	swait.ge [sflag:s15], $0x80  }
0x6c: {  	[sflag:s15] =	ssyncset.done $0x0  }
0x6d: {  	[sflag:s15] =	ssyncadd.s32 $0xFFFFFF80  }
0x6e: {  	[spmem:s2] =	stream.indirect.scatter.add.f32 [tilespmem:s14], [sflag:$0x2], $0x80, s16, s16, $0xb8;
	[tilespmem:$0x17D00] =	vst v63  }
0x6f: {  	_ =	swait.ge [sflag:s15], $0x4000  }
0x70: {  	s20 =	sadd.s32 $0x1, s20;
	[sflag:s15] =	ssyncset.done $0x0  }
0x71: {  	p0 =	sne.s32 s20, s11;
	[sflag:s15] =	ssyncadd.s32 $0xFFFFC000  }
.Ltmp2:
0x72: {  	[bflag:$0x0] =	sbarrier.arrive $0xFFFF;
	(pc) =	sbr.rel @p0 .LBB2_1-.Ltmp2, $4  }
0x73: {  	[hbm:s10], [sflag:s18] =	dma.local [spmem:s19], $0x2780  }
0x74: {  	_ =	swait.ge [sflag:s15], $0x2780  }
0x75: {  	[sflag:s15] =	ssyncset.done $0x0  }
0x76: {  	[sflag:s15] =	ssyncadd.s32 $0xFFFFD880  }
0x77: {  	_ =	sfence.sel $0x180000  }
0x78: {  	[bflag:$0x0] =	sbarrier.arrive $0xFFFF  }
0x79: {  	p0 =	sne.s32 s0, $0x0;
	_ =	strace $0x9000004A  }
0x7a: {  	s0 =	sadd.s32 @!p0 $0x100000, s1;
	[bflag:$0x2] =	sbarrier.arrive $0xFFFF  }
0x7b: {  	[sflag:s0] =	ssyncadd.tile.s32 @!p0 $0x1;
	_ =	shalt  }
.Lfunc_end2:
_tile_overlayer_lowered:
.L_overlay_start_2:
0x7c: {  	(tag) =	ssettag $0x2  }
0x7d: {  	s0 =	rddreg [dreg:$0x0];
	s2 =	stileid.u32  }
0x7e: {  	s1 =	rddreg [dreg:$0x1];
	p0 =	sne.s32 s2, $0x0  }
0x7f: {  	s3 =	rddreg [dreg:$0x2];
	[bflag:$0x3] =	sbarrier.arrive $0xFFFF;
	s2 =	simm.s32 @!p0 $0x1C02  }
0x80: {  	[timem:s3], [sflag:s2] =	dma.local @!p0 [hbm:s0], s1  }
0x81: {  	s0 =	simm.s32 @!p0 $0x2  }
0x82: {  	_ =	swait.ge @!p0 [sflag:s0], s1  }
0x83: {  	s1 =	ssub.s32 @!p0 $0x0, s1;
	[sflag:s0] =	ssyncset.done @!p0 $0x0  }
0x84: {  	[sflag:s0] =	ssyncadd.s32 @!p0 s1  }
0x85: {  	[bflag:$0x3] =	sbarrier.arrive $0xFFFF  }
0x86: {  	_ =	shalt  }

// kernel: kernel.14.cloned.1.call-start
scs
__scs_entry_jumppad:
0x0: {  	(pc) =	sbr.rel $0x88, $3  }
0x1: {  	(tag) =	ssettag $0x0;
	lr =	simm.s32 $0x1  }
0x2: {  	[smem:$0x3F98] =	sst lr;
	_ =	strace $0xD0000000  }
0x3: {  	_ = 	snop  }
0x4: {  	_ = 	snop  }
0x5: {  	_ = 	snop  }
0x6: {  	_ = 	snop  }
0x7: {  	_ = 	snop  }
__scs_overlays_trampoline_lowered:
0x8: {  	[smem:$0x3FA7] =	sst s0  }
0x9: {  	[smem:$0x3FA8] =	sst s1  }
0xa: {  	[smem:$0x3FA9] =	sst s2  }
0xb: {  	[smem:$0x3FAA] =	sst s3  }
0xc: {  	[smem:$0x3FAB] =	sst s4  }
0xd: {  	[smem:$0x3FAC] =	sst s5  }
0xe: {  	[smem:$0x3FAD] =	sst s6  }
0xf: {  	[smem:$0x3FAE] =	sst s7  }
0x10: {  	[smem:$0x3FAF] =	sst s8  }
0x11: {  	[smem:$0x3FB0] =	sst s9;
	s0 =	simm.s32 @!p0 $0x0  }
0x12: {  	s1 =	sld [smem:$0x3F96];
	s0 =	simm.s32 @p0 $0x1  }
0x13: {  	[smem:$0x3FB1] =	sst s0;
	s0 =	simm.s32 @!p1 $0x0  }
0x14: {  	s2 =	sld [smem:$0x3F95];
	s0 =	simm.s32 @p1 $0x1  }
0x15: {  	[smem:$0x3FB2] =	sst s0;
	s0 =	simm.s32 @!p2 $0x0  }
0x16: {  	s3 =	sld [smem:$0x3FDB];
	s0 =	simm.s32 @p2 $0x1  }
0x17: {  	s4 =	simm.s32 $0x1BF5;
	[smem:$0x3FB4] =	sst s0  }
0x18: {  	s0 =	sld [smem:$0x3F97];
	_ =	swait.ge [sflag:s4], $0x0  }
0x19: {  	s7 =	sld [smem:$0x3F98]  }
0x1a: {  	s8 =	sadd.s32 $0xFFFFE003, lr  }
0x1b: {  	s9 =	sadd.s32 $0xFFFFFEF7, lr;
	s5 =	simm.s32 $0xFFFFFFFF;
	p2 =	slt.u32 s8, $0xFFFFF086  }
0x1c: {  	p1 =	slt.u32 s9, $0xF7A;
	s5 =	simm.s32 @!p2 $0x0  }
0x1d: {  	s5 =	simm.s32 @p1 $0x1;
	p0 =	seq.s32 s7, s2  }
0x1e: {  	s7 =	smul.u32 @!p0 $0xF7A, s2;
	p2 =	seq.s32 @!p0 s5, $0x0  }
0x1f: {  	s9 =	smul.u32 $0xF7A, s1;
	s8 =	simm.s32 @!p0 $0x1BF5;
	p2 =	por !p2, p0  }
0x20: {  	[sflag:s8] =	ssyncset.s32 @!p0 $0xFFFFF086;
	s6 =	sadd.s32 @!p0 s3, s7;
	s7 =	simm.s32 @!p0 $0x108  }
0x21: {  	s3 =	sadd.s32 s3, s9;
	s6 =	sadd.s32 @!p0 $0x88, s6;
	s7 =	simm.s32 @p2 $0x1082  }
0x22: {  	[simem:s7], [sflag:s8] =	dma.local @!p0 [hbm:s6], $0xF7A  }
0x23: {  	s9 =	sor.u32 $0xD0000000, s2;
	s6 =	simm.s32 $0x108;
	_ =	swait.ge @!p0 [sflag:s8], $0x0  }
0x24: {  	s3 =	sadd.s32 $0x88, s3;
	s6 =	simm.s32 @!p1 $0x1082;
	[sflag:s4] =	ssyncset.s32 $0xFFFFF086  }
0x25: {  	[simem:s6], [sflag:s4] =	dma.local [hbm:s3], $0xF7A  }
0x26: {  	[smem:$0x3F98] =	sst s1;
	(tag) =	ssettag s2;
	_ =	strace s9  }
0x27: {  	s1 =	sld [smem:$0x3FA8]  }
0x28: {  	s2 =	sld [smem:$0x3FA9]  }
0x29: {  	s4 =	sld [smem:$0x3FAB]  }
0x2a: {  	p0 =	seq.s32 s5, $0x0;
	s5 =	sld [smem:$0x3FAC]  }
0x2b: {  	s6 =	sld [smem:$0x3FAD]  }
0x2c: {  	s7 =	sld [smem:$0x3FAE]  }
0x2d: {  	s3 =	simm.s32 $0x108;
	s8 =	sld [smem:$0x3FAF]  }
0x2e: {  	s3 =	simm.s32 @!p0 $0x1082;
	s9 =	sld [smem:$0x3FB0]  }
0x2f: {  	lr =	sadd.s32 s0, s3;
	s0 =	sld [smem:$0x3FA7]  }
0x30: {  	s3 =	sld [smem:$0x3FAA]  }
0x31: {  	[smem:$0x3FB3] =	sst s10  }
0x32: {  	s10 =	sld [smem:$0x3FB1];
	_ =	sdelay $0x3  }
0x33: {  	p0 =	seq.s32 s10, $0x1;
	s10 =	sld [smem:$0x3FB3];
	_ =	sdelay $0x3  }
0x34: {  	[smem:$0x3FB3] =	sst s10  }
0x35: {  	s10 =	sld [smem:$0x3FB2];
	_ =	sdelay $0x3  }
0x36: {  	p1 =	seq.s32 s10, $0x1;
	s10 =	sld [smem:$0x3FB3];
	_ =	sdelay $0x3  }
0x37: {  	[smem:$0x3FB3] =	sst s10  }
0x38: {  	s10 =	sld [smem:$0x3FB4]  }
0x39: {  	_ = 	snop;
	(pc) =	sbr.ind lr, $3  }
0x3a: {  	_ = 	snop  }
0x3b: {  	_ = 	snop  }
0x3c: {  	p2 =	seq.s32 s10, $0x1;
	s10 =	sld [smem:$0x3FB3]  }
0x3d: {  	_ =	shalt  }
0x3e: {  	_ =	shalt  }
0x3f: {  	_ =	shalt  }
0x40: {  	_ =	shalt  }
0x41: {  	_ =	shalt  }
0x42: {  	_ =	shalt  }
0x43: {  	_ =	shalt  }
0x44: {  	_ =	shalt  }
0x45: {  	_ =	shalt  }
0x46: {  	_ =	shalt  }
0x47: {  	_ =	shalt  }
0x48: {  	_ =	shalt  }
0x49: {  	_ =	shalt  }
0x4a: {  	_ =	shalt  }
0x4b: {  	_ =	shalt  }
0x4c: {  	_ =	shalt  }
0x4d: {  	_ =	shalt  }
0x4e: {  	_ =	shalt  }
0x4f: {  	_ =	shalt  }
0x50: {  	_ =	shalt  }
0x51: {  	_ =	shalt  }
0x52: {  	_ =	shalt  }
0x53: {  	_ =	shalt  }
0x54: {  	_ =	shalt  }
0x55: {  	_ =	shalt  }
0x56: {  	_ =	shalt  }
0x57: {  	_ =	shalt  }
0x58: {  	_ =	shalt  }
0x59: {  	_ =	shalt  }
0x5a: {  	_ =	shalt  }
0x5b: {  	_ =	shalt  }
0x5c: {  	_ =	shalt  }
0x5d: {  	_ =	shalt  }
0x5e: {  	_ =	shalt  }
0x5f: {  	_ =	shalt  }
0x60: {  	_ =	shalt  }
0x61: {  	_ =	shalt  }
0x62: {  	_ =	shalt  }
0x63: {  	_ =	shalt  }
0x64: {  	_ =	shalt  }
0x65: {  	_ =	shalt  }
0x66: {  	_ =	shalt  }
0x67: {  	_ =	shalt  }
0x68: {  	_ =	shalt  }
0x69: {  	_ =	shalt  }
0x6a: {  	_ =	shalt  }
0x6b: {  	_ =	shalt  }
0x6c: {  	_ =	shalt  }
0x6d: {  	_ =	shalt  }
0x6e: {  	_ =	shalt  }
0x6f: {  	_ =	shalt  }
0x70: {  	_ =	shalt  }
0x71: {  	_ =	shalt  }
0x72: {  	_ =	shalt  }
0x73: {  	_ =	shalt  }
0x74: {  	_ =	shalt  }
0x75: {  	_ =	shalt  }
0x76: {  	_ =	shalt  }
0x77: {  	_ =	shalt  }
0x78: {  	_ =	shalt  }
0x79: {  	_ =	shalt  }
0x7a: {  	_ =	shalt  }
0x7b: {  	_ =	shalt  }
0x7c: {  	_ =	shalt  }
0x7d: {  	_ =	shalt  }
0x7e: {  	_ =	shalt  }
0x7f: {  	_ =	shalt  }
0x80: {  	_ =	shalt  }
0x81: {  	_ =	shalt  }
0x82: {  	_ =	shalt  }
0x83: {  	_ =	shalt  }
0x84: {  	_ =	shalt  }
0x85: {  	_ =	shalt  }
0x86: {  	_ =	shalt  }
0x87: {  	_ =	shalt  }
.Lfunc_end0:
.L_simem_size_0:
called_computation.2_lowered:
.L_overlay_start_0:
0x88: {  	s2 =	sld [smem:$0x3FD9]  }
0x89: {  	s3 =	sld [smem:$0x3FFE];
	_ =	sdelay $0x1  }
0x8a: {  	s1 =	srdreg.scid  }
0x8b: {  	s0 =	sand.u32 $0x1, s1  }
0x8c: {  	s17 =	sshll.u32 s0, $0xA;
	s2 =	sadd.s32 s3, s2  }
0x8d: {  	s2 =	sadd.s32 s2, s17  }
0x8e: {  	[smem:$0x3FBF] =	sst s2  }
0x8f: {  	_ = 	snop  }
0x90: {  	s2 =	sld [smem:$0x3FD0];
	(tm) =	ssettm $0x1  }
0x91: {  	s18 =	sld [smem:$0x3FFB];
	_ =	sdelay $0x3  }
0x92: {  	_ =	strace s18  }
0x93: {  	s3 =	sld [smem:$0x3FFC];
	_ =	sdelay $0x3  }
0x94: {  	_ =	strace s3  }
0x95: {  	s3 =	sld [smem:$0x3FFD];
	_ =	sdelay $0x3  }
0x96: {  	_ =	strace s3  }
0x97: {  	_ =	strace $0x8FFFFFFF  }
0x98: {  	s19 =	sld [smem:$0x3FDB];
	_ =	sdelay $0x1  }
0x99: {  	s4 =	simm.s32 $_scs_section_size  }
0x9a: {  	s5 =	simm.s32 $_size__tile_overlayer_lowered;
	s6 =	simm.s32 $_tile_overlayer_lowered  }
0x9b: {  	s22 =	simm.s32 $0x1BFF;
	s21 =	sshll.u32 s6, $0x1;
	s3 =	sadd.s32 s4, s19  }
0x9c: {  	s7 =	simm.s32 $0x0;
	s20 =	sshll.u32 s5, $0x1;
	s5 =	sadd.s32 s21, s3  }
0x9d: {  	[timem:s7], [sflag:s22] =	dma.local [hbm:s5], s20  }
0x9e: {  	_ =	swait.ge [sflag:s22], s20  }
0x9f: {  	s4 =	ssub.s32 $0x0, s20;
	[sflag:s22] =	ssyncset.done $0x0  }
0xa0: {  	[sflag:s22] =	ssyncadd.s32 s4;
	_ =	sdelay $0x1  }
0xa1: {  	s23 =	simm.s32 $0x1B8B  }
0xa2: {  	_ =	swait.ge [sflag:s23], $0x1  }
0xa3: {  	[sflag:s23] =	ssyncset.done $0x0  }
0xa4: {  	s25 =	simm.s32 $0x1B8E;
	s24 =	sld [smem:$0x3FFE];
	[sflag:s23] =	ssyncadd.s32 $0xFFFFFFFF  }
0xa5: {  	s26 =	simm.s32 $execute0_lowered;
	[smem:$0x3FD2] =	sst s25  }
0xa6: {  	s5 =	sshll.u32 s26, $0x1;
	_ =	strace $0x8000004C;
	[dreg:$0x1] =	wrdreg $0xFFFFFFFF  }
0xa7: {  	s28 =	simm.s32 $_size_execute0_lowered;
	s3 =	sadd.s32 s3, s5;
	[dreg:$0x0] =	wrdreg $0x0  }
0xa8: {  	s5 =	sshll.u32 s28, $0x1;
	[dreg:$0x2] =	wrdreg s3  }
0xa9: {  	[dreg:$0x3] =	wrdreg s5  }
0xaa: {  	[dreg:$0x4] =	wrdreg $0xC0  }
0xab: {  	_ =	task [dreg:s7], $0x5FFFF  }
0xac: {  	[dreg:$0x1] =	wrdreg $0xFFFFFFFF  }
0xad: {  	[dreg:$0x0] =	wrdreg $0x60  }
0xae: {  	[dreg:$0x2] =	wrdreg s24  }
0xaf: {  	[dreg:$0x3] =	wrdreg s2  }
0xb0: {  	[dreg:$0x4] =	wrdreg $0x9  }
0xb1: {  	_ =	task.clear_ibuf [dreg:s7], $0x5FFFF;
	_ =	strace $0x9000004C  }
0xb2: {  	s29 =	simm.s32 $0x9;
	_ =	strace $0x8000004E  }
0xb3: {  	_ =	swait.ge [sflag:s29], $0x1  }
0xb4: {  	[sflag:s29] =	ssyncadd.s32 $0xFFFFFFFF  }
0xb5: {  	_ =	strace $0x9000004E  }
0xb6: {  	_ =	sfence  }
0xb7: {  	s30 =	sld [smem:$0x0];
	_ =	sdelay $0x2  }
0xb8: {  	s31 =	sshll.u32 s1, $0xD;
	s1 =	sshrl.u32 s1, $0x2  }
0xb9: {  	s3 =	sand.u32 $0x4000, s31;
	s1 =	sadd.s32 s1, s30  }
0xba: {  	s0 =	sor.u32 s3, s0;
	s1 =	sshll.u32 s1, $0x11  }
0xbb: {  	s0 =	sor.u32 s1, s0  }
0xbc: {  	s0 =	sadd.s32 $0x8F2B, s0  }
0xbd: {  	[sflag:s0] =	ssyncadd.remote.s32 $0x1  }
0xbe: {  	_ =	sfence.sel $0xFFFF  }
0xbf: {  	[dreg:$0x0] =	wrdreg $0xFFFFFFFF;
	(pc) =	sbr.abs _section_cstart, $3  }
0xc0: {  	[dreg:$0x1] =	wrdreg $0xFFFFFFFF  }
0xc1: {  	_ =	task.clear_ibuf [dreg:s7], $0x2FFFF;
	_ =	strace $0x9FFFFFFF  }
0xc2: {  	(tm) =	ssettm $0x7FFFFFFF  }
0xc3: {  	_ =	shalt  }
tec
execute0_lowered:
.L_overlay_start_1:
0x0: {  	(tag) =	ssettag $0x1  }
0x1: {  	s5 =	rddreg [dreg:$0x0];
	s1 =	srdreg.scid  }
0x2: {  	s0 =	stileid.u32;
	s6 =	rddreg [dreg:$0x1];
	s12 =	simm.s32 $0x400  }
0x3: {  	s13 =	simm.s32 $0x4180;
	s14 =	simm.s32 $0xCB00;
	s7 =	sand.u32 $0x1, s1  }
0x4: {  	s2 =	sshll.u32 s0, $0x1;
	s1 =	rddreg [dreg:$0x2];
	s8 =	sshrl.u32 s0, $0x2  }
0x5: {  	s4 =	sor.u32 s7, s2;
	s2 =	simm.s32 $0x0;
	s9 =	smul.u32 $0x44000, s8  }
0x6: {  	s8 =	sshll.u32 s8, $0x12;
	s7 =	ssub.s32 $0x2, s7;
	s3 =	sshll.u32 s4, $0x7  }
0x7: {  	[smem:$0x7FF] =	sst s2;
	s4 =	smul.u32 $0x140, s4;
	s31 =	sshrl.u32 s7, $0x1  }
0x8: {  	s10 =	sand.u32 $0x380, s3;
	_ =	strace $0x8000004D;
	s3 =	sadd.s32 $0x2800, s5  }
0x9: {  	s9 =	sor.u32 s9, s10;
	s8 =	sor.u32 s8, s10;
	s11 =	sshrl.u32 s4, $0x3  }
0xa: {  	s10 =	ssub.s32 s7, s31;
	s9 =	sshrl.u32 s9, $0x3;
	s8 =	sshrl.u32 s8, $0x3  }
0xb: {  	s9 =	sadd.s32 s9, s5;
	s8 =	sadd.s32 s8, s5;
	s5 =	sadd.s32 s6, s11  }
0xc: {  	s11 =	simm.s32 $0x80;
	s6 =	sadd.s32 $0x52800, s9;
	s7 =	sadd.s32 $0x74800, s8  }
0xd: {  	v0 =	vimm.f32 $0.0e+00;
	v1 =	vimm.f32 $-3.399999950e+38;
	s8 =	smax.u32 s10, $0x1;
	s9 =	simm.s32 $0x1;
	s10 =	simm.s32 $0x180  }
.LBB2_1:
0xe: {  	s16 =	simm.s32 $0x100;
	s15 =	simm.s32 $0x0  }
.LBB2_2:
0xf: {  	p0 =	sne.s32 s16, $0x22300;
	[tilespmem:s15+$0x41B0] =	vst v0;
	s17 =	smov.u32 s16;
	s16 =	sadd.s32 $0x100, s16  }
.Ltmp0:
0x10: {  	[tilespmem:s15+$0x41A0] =	vst v0;
	(pc) =	sbr.rel @p0 .LBB2_2-.Ltmp0, $3  }
0x11: {  	[tilespmem:s15+$0x4180] =	vst v0  }
0x12: {  	[tilespmem:s15+$0x4190] =	vst v0;
	_ =	sdelay $0x1  }
0x13: {  	s15 =	sshra.s32 s17, $0x2  }
0x14: {  	[tilespmem:s15+$0x41B0] =	vst v0  }
0x15: {  	[tilespmem:s15+$0x41A0] =	vst v0  }
0x16: {  	[tilespmem:s15+$0x4180] =	vst v0  }
0x17: {  	[tilespmem:s15+$0x4190] =	vst v0  }
0x18: {  	s16 =	simm.s32 $0x100;
	s15 =	simm.s32 $0x0;
	[tilespmem:$0xCA80] =	vst v0  }
.LBB2_4:
0x19: {  	p0 =	sne.s32 s16, $0x20300;
	[tilespmem:s15+$0xCB30] =	vst v1;
	s17 =	smov.u32 s16;
	s16 =	sadd.s32 $0x100, s16  }
.Ltmp1:
0x1a: {  	[tilespmem:s15+$0xCB20] =	vst v1;
	(pc) =	sbr.rel @p0 .LBB2_4-.Ltmp1, $3  }
0x1b: {  	[tilespmem:s15+$0xCB00] =	vst v1  }
0x1c: {  	[tilespmem:s15+$0xCB10] =	vst v1;
	_ =	sdelay $0x1  }
0x1d: {  	s15 =	sshra.s32 s17, $0x2  }
0x1e: {  	[tilespmem:s15+$0xCB30] =	vst v1  }
0x1f: {  	[tilespmem:s15+$0xCB20] =	vst v1  }
0x20: {  	[tilespmem:s15+$0xCB00] =	vst v1  }
0x21: {  	[tilespmem:s15+$0xCB10] =	vst v1;
	s15 =	simm.s32 $0x0  }
0x22: {  	[tilespmem:s15], [sflag:$0x1] =	stream.linear.gather [hbm4b:s5+s15], $0x140, $0x38;
	[tilespmem:$0x14C00] =	vst v63  }
0x23: {  	_ =	swait.ge [sflag:s9], $0x140  }
0x24: {  	[sflag:s9] =	ssyncset.done $0x0  }
0x25: {  	s16 =	simm.s32 $0x0;
	s17 =	simm.s32 $0x0;
	[sflag:s9] =	ssyncadd.s32 $0xFFFFFEC0  }
.LBB2_6:
0x26: {  	s18 =	sshll.u32 s17, $0x6  }
0x27: {  	s18 =	sadd.s32 s4, s18  }
0x28: {  	s18 =	sshll.u32 s18, $0x5  }
0x29: {  	v2 =	vmov s16;
	s18 =	sadd.s32 s3, s18  }
0x2a: {  	[tilespmem:s10], [sflag:$0x1] =	stream.linear.gather [hbm4b:s18+s15], $0x4000, $0x38;
	[tilespmem:$0x14C00] =	vst v63  }
0x2b: {  	_ =	swait.ge [sflag:s9], $0x4000  }
0x2c: {  	[sflag:s9] =	ssyncset.done $0x0  }
0x2d: {  	s31 =	simm.s32 $0x0;
	[sflag:s9] =	ssyncadd.s32 $0xFFFFC000  }
0x2e: {  	v3 =	vld.idx.msk [tilespmem:v2+s31+$0x0 ss:$0x1], $0xffff;
	_ =	sdelay $0x4  }
0x2f: {  	(v2sf) =	vpush v3, $0x0;
	_ =	sdelay $0xe  }
0x30: {  	s20 =	spop (v2sf)  }
0x31: {  	s18 =	simm.s32 $0x200;
	s19 =	smul.u32 $0x110, s20  }
0x32: {  	v3 =	vld [tilespmem:s18+$0xFFFFFF80]  }
0x33: {  	v4 =	vld [tilespmem:s19+$0x4180];
	_ =	sdelay $0x4  }
0x34: {  	v4 =	vadd.f32 v4, v3  }
0x35: {  	s20 =	sshll.u32 s20, $0xA  }
0x36: {  	s20 =	sshra.s32 s20, $0x2;
	[tilespmem:s19+$0x4180] =	vst v4  }
0x37: {  	v4 =	vld [tilespmem:s20+$0xCB00];
	_ =	sdelay $0x4  }
0x38: {  	v3 =	vmax.f32 v4, v3  }
0x39: {  	[tilespmem:s20+$0xCB00] =	vst v3  }
0x3a: {  	v3 =	vld [tilespmem:s18+$0xFFFFFF90]  }
0x3b: {  	v4 =	vld [tilespmem:s19+$0x4190];
	_ =	sdelay $0x4  }
0x3c: {  	v4 =	vadd.f32 v4, v3;
	_ =	sdelay $0x1  }
0x3d: {  	[tilespmem:s19+$0x4190] =	vst v4  }
0x3e: {  	v4 =	vld [tilespmem:s20+$0xCB10];
	_ =	sdelay $0x4  }
0x3f: {  	v3 =	vmax.f32 v4, v3  }
0x40: {  	[tilespmem:s20+$0xCB10] =	vst v3  }
0x41: {  	v3 =	vld [tilespmem:s18+$0xFFFFFFA0]  }
0x42: {  	v4 =	vld [tilespmem:s19+$0x41A0];
	_ =	sdelay $0x4  }
0x43: {  	v4 =	vadd.f32 v4, v3;
	_ =	sdelay $0x1  }
0x44: {  	[tilespmem:s19+$0x41A0] =	vst v4  }
0x45: {  	v4 =	vld [tilespmem:s20+$0xCB20];
	_ =	sdelay $0x4  }
0x46: {  	v3 =	vmax.f32 v4, v3  }
0x47: {  	[tilespmem:s20+$0xCB20] =	vst v3  }
0x48: {  	v3 =	vld [tilespmem:s18+$0xFFFFFFB0]  }
0x49: {  	v4 =	vld [tilespmem:s19+$0x41B0];
	_ =	sdelay $0x4  }
0x4a: {  	v4 =	vadd.f32 v4, v3;
	_ =	sdelay $0x1  }
0x4b: {  	[tilespmem:s19+$0x41B0] =	vst v4  }
0x4c: {  	v4 =	vld [tilespmem:s20+$0xCB30];
	_ =	sdelay $0x4  }
0x4d: {  	v3 =	vmax.f32 v4, v3  }
0x4e: {  	[tilespmem:s20+$0xCB30] =	vst v3  }
0x4f: {  	v3 =	vld [tilespmem:s18+$0xFFFFFFC0]  }
0x50: {  	v4 =	vld [tilespmem:s19+$0x41C0];
	_ =	sdelay $0x4  }
0x51: {  	v4 =	vadd.f32 v4, v3;
	_ =	sdelay $0x1  }
0x52: {  	[tilespmem:s19+$0x41C0] =	vst v4  }
0x53: {  	v4 =	vld [tilespmem:s20+$0xCB40];
	_ =	sdelay $0x4  }
0x54: {  	v3 =	vmax.f32 v4, v3  }
0x55: {  	[tilespmem:s20+$0xCB40] =	vst v3  }
0x56: {  	v3 =	vld [tilespmem:s18+$0xFFFFFFD0]  }
0x57: {  	v4 =	vld [tilespmem:s19+$0x41D0];
	_ =	sdelay $0x4  }
0x58: {  	v4 =	vadd.f32 v4, v3;
	_ =	sdelay $0x1  }
0x59: {  	[tilespmem:s19+$0x41D0] =	vst v4  }
0x5a: {  	v4 =	vld [tilespmem:s20+$0xCB50];
	_ =	sdelay $0x4  }
0x5b: {  	v3 =	vmax.f32 v4, v3  }
0x5c: {  	[tilespmem:s20+$0xCB50] =	vst v3  }
0x5d: {  	v3 =	vld [tilespmem:s18+$0xFFFFFFE0]  }
0x5e: {  	v4 =	vld [tilespmem:s19+$0x41E0];
	_ =	sdelay $0x4  }
0x5f: {  	v4 =	vadd.f32 v4, v3;
	_ =	sdelay $0x1  }
0x60: {  	[tilespmem:s19+$0x41E0] =	vst v4  }
0x61: {  	v4 =	vld [tilespmem:s20+$0xCB60];
	_ =	sdelay $0x4  }
0x62: {  	v3 =	vmax.f32 v4, v3  }
0x63: {  	[tilespmem:s20+$0xCB60] =	vst v3  }
0x64: {  	v3 =	vld [tilespmem:s18+$0xFFFFFFF0]  }
0x65: {  	v4 =	vld [tilespmem:s19+$0x41F0];
	_ =	sdelay $0x4  }
0x66: {  	v4 =	vadd.f32 v4, v3;
	_ =	sdelay $0x1  }
0x67: {  	[tilespmem:s19+$0x41F0] =	vst v4  }
0x68: {  	v4 =	vld [tilespmem:s20+$0xCB70];
	_ =	sdelay $0x4  }
0x69: {  	v3 =	vmax.f32 v4, v3  }
0x6a: {  	[tilespmem:s20+$0xCB70] =	vst v3  }
0x6b: {  	v3 =	vld [tilespmem:s18+$0x0]  }
0x6c: {  	v4 =	vld [tilespmem:s19+$0x4200];
	_ =	sdelay $0x4  }
0x6d: {  	v4 =	vadd.f32 v4, v3;
	_ =	sdelay $0x1  }
0x6e: {  	[tilespmem:s19+$0x4200] =	vst v4  }
0x6f: {  	v4 =	vld [tilespmem:s20+$0xCB80];
	_ =	sdelay $0x4  }
0x70: {  	v3 =	vmax.f32 v4, v3  }
0x71: {  	[tilespmem:s20+$0xCB80] =	vst v3  }
0x72: {  	v3 =	vld [tilespmem:s18+$0x10]  }
0x73: {  	v4 =	vld [tilespmem:s19+$0x4210];
	_ =	sdelay $0x4  }
0x74: {  	v4 =	vadd.f32 v4, v3;
	_ =	sdelay $0x1  }
0x75: {  	[tilespmem:s19+$0x4210] =	vst v4  }
0x76: {  	v4 =	vld [tilespmem:s20+$0xCB90];
	_ =	sdelay $0x4  }
0x77: {  	v3 =	vmax.f32 v4, v3  }
0x78: {  	[tilespmem:s20+$0xCB90] =	vst v3  }
0x79: {  	v3 =	vld [tilespmem:s18+$0x20]  }
0x7a: {  	v4 =	vld [tilespmem:s19+$0x4220];
	_ =	sdelay $0x4  }
0x7b: {  	v4 =	vadd.f32 v4, v3;
	_ =	sdelay $0x1  }
0x7c: {  	[tilespmem:s19+$0x4220] =	vst v4  }
0x7d: {  	v4 =	vld [tilespmem:s20+$0xCBA0];
	_ =	sdelay $0x4  }
0x7e: {  	v3 =	vmax.f32 v4, v3  }
0x7f: {  	[tilespmem:s20+$0xCBA0] =	vst v3  }
0x80: {  	v3 =	vld [tilespmem:s18+$0x30]  }
0x81: {  	v4 =	vld [tilespmem:s19+$0x4230];
	_ =	sdelay $0x4  }
0x82: {  	v4 =	vadd.f32 v4, v3;
	_ =	sdelay $0x1  }
0x83: {  	[tilespmem:s19+$0x4230] =	vst v4  }
0x84: {  	v4 =	vld [tilespmem:s20+$0xCBB0];
	_ =	sdelay $0x4  }
0x85: {  	v3 =	vmax.f32 v4, v3  }
0x86: {  	[tilespmem:s20+$0xCBB0] =	vst v3  }
0x87: {  	v3 =	vld [tilespmem:s18+$0x40]  }
0x88: {  	v4 =	vld [tilespmem:s19+$0x4240];
	_ =	sdelay $0x4  }
0x89: {  	v4 =	vadd.f32 v4, v3;
	_ =	sdelay $0x1  }
0x8a: {  	[tilespmem:s19+$0x4240] =	vst v4  }
0x8b: {  	v4 =	vld [tilespmem:s20+$0xCBC0];
	_ =	sdelay $0x4  }
0x8c: {  	v3 =	vmax.f32 v4, v3  }
0x8d: {  	[tilespmem:s20+$0xCBC0] =	vst v3  }
0x8e: {  	v3 =	vld [tilespmem:s18+$0x50]  }
0x8f: {  	v4 =	vld [tilespmem:s19+$0x4250];
	_ =	sdelay $0x4  }
0x90: {  	v4 =	vadd.f32 v4, v3;
	_ =	sdelay $0x1  }
0x91: {  	[tilespmem:s19+$0x4250] =	vst v4  }
0x92: {  	v4 =	vld [tilespmem:s20+$0xCBD0];
	_ =	sdelay $0x4  }
0x93: {  	v3 =	vmax.f32 v4, v3  }
0x94: {  	[tilespmem:s20+$0xCBD0] =	vst v3  }
0x95: {  	v3 =	vld [tilespmem:s18+$0x60]  }
0x96: {  	v4 =	vld [tilespmem:s19+$0x4260];
	_ =	sdelay $0x4  }
0x97: {  	v4 =	vadd.f32 v4, v3;
	_ =	sdelay $0x1  }
0x98: {  	[tilespmem:s19+$0x4260] =	vst v4  }
0x99: {  	v4 =	vld [tilespmem:s20+$0xCBE0];
	_ =	sdelay $0x4  }
0x9a: {  	v3 =	vmax.f32 v4, v3  }
0x9b: {  	[tilespmem:s20+$0xCBE0] =	vst v3  }
0x9c: {  	v3 =	vld [tilespmem:s18+$0x70]  }
0x9d: {  	v4 =	vld [tilespmem:s19+$0x4270];
	_ =	sdelay $0x4  }
0x9e: {  	s21 =	simm.s32 $0x4;
	v4 =	vadd.f32 v4, v3  }
.LBB2_7:
0x9f: {  	p0 =	sne.s32 s21, $0xFC  }
0xa0: {  	s18 =	sadd.s32 $0x100, s18;
	s22 =	smov.u32 s21;
	s21 =	sadd.s32 $0x4, s21;
	[tilespmem:s19+$0x4270] =	vst v4  }
0xa1: {  	v4 =	vld [tilespmem:s20+$0xCBF0];
	_ =	sdelay $0x4  }
0xa2: {  	v3 =	vmax.f32 v4, v3  }
0xa3: {  	[tilespmem:s20+$0xCBF0] =	vst v3  }
0xa4: {  	v3 =	vld [tilespmem:s19+$0x4280];
	_ =	sdelay $0x4  }
0xa5: {  	v3 =	vadd.f32 $1.000000000e+00, v3;
	_ =	sdelay $0x1  }
0xa6: {  	s20 =	sshra.s32 s22, $0x2;
	[tilespmem:s19+$0x4280] =	vst v3  }
0xa7: {  	v3 =	vld.idx.msk [tilespmem:v2+s20+$0x0 ss:$0x1], $0xffff;
	_ =	sdelay $0x5  }
0xa8: {  	(v2sf) =	vpush v3, $0x0;
	_ =	sdelay $0xe  }
0xa9: {  	s20 =	spop (v2sf)  }
0xaa: {  	s19 =	smul.u32 $0x110, s20;
	s20 =	sshll.u32 s20, $0xA  }
0xab: {  	v3 =	vld [tilespmem:s18+$0xFFFFFF80]  }
0xac: {  	v4 =	vld [tilespmem:s19+$0x4180];
	_ =	sdelay $0x4  }
0xad: {  	v4 =	vadd.f32 v4, v3;
	_ =	sdelay $0x1  }
0xae: {  	s20 =	sshra.s32 s20, $0x2;
	[tilespmem:s19+$0x4180] =	vst v4  }
0xaf: {  	v4 =	vld [tilespmem:s20+$0xCB00];
	_ =	sdelay $0x4  }
0xb0: {  	v3 =	vmax.f32 v4, v3  }
0xb1: {  	[tilespmem:s20+$0xCB00] =	vst v3  }
0xb2: {  	v3 =	vld [tilespmem:s18+$0xFFFFFF90]  }
0xb3: {  	v4 =	vld [tilespmem:s19+$0x4190];
	_ =	sdelay $0x4  }
0xb4: {  	v4 =	vadd.f32 v4, v3;
	_ =	sdelay $0x1  }
0xb5: {  	[tilespmem:s19+$0x4190] =	vst v4  }
0xb6: {  	v4 =	vld [tilespmem:s20+$0xCB10];
	_ =	sdelay $0x4  }
0xb7: {  	v3 =	vmax.f32 v4, v3  }
0xb8: {  	[tilespmem:s20+$0xCB10] =	vst v3  }
0xb9: {  	v3 =	vld [tilespmem:s18+$0xFFFFFFA0]  }
0xba: {  	v4 =	vld [tilespmem:s19+$0x41A0];
	_ =	sdelay $0x4  }
0xbb: {  	v4 =	vadd.f32 v4, v3;
	_ =	sdelay $0x1  }
0xbc: {  	[tilespmem:s19+$0x41A0] =	vst v4  }
0xbd: {  	v4 =	vld [tilespmem:s20+$0xCB20];
	_ =	sdelay $0x4  }
0xbe: {  	v3 =	vmax.f32 v4, v3  }
0xbf: {  	[tilespmem:s20+$0xCB20] =	vst v3  }
0xc0: {  	v3 =	vld [tilespmem:s18+$0xFFFFFFB0]  }
0xc1: {  	v4 =	vld [tilespmem:s19+$0x41B0];
	_ =	sdelay $0x4  }
0xc2: {  	v4 =	vadd.f32 v4, v3;
	_ =	sdelay $0x1  }
0xc3: {  	[tilespmem:s19+$0x41B0] =	vst v4  }
0xc4: {  	v4 =	vld [tilespmem:s20+$0xCB30];
	_ =	sdelay $0x4  }
0xc5: {  	v3 =	vmax.f32 v4, v3  }
0xc6: {  	[tilespmem:s20+$0xCB30] =	vst v3  }
0xc7: {  	v3 =	vld [tilespmem:s18+$0xFFFFFFC0]  }
0xc8: {  	v4 =	vld [tilespmem:s19+$0x41C0];
	_ =	sdelay $0x4  }
0xc9: {  	v4 =	vadd.f32 v4, v3;
	_ =	sdelay $0x1  }
0xca: {  	[tilespmem:s19+$0x41C0] =	vst v4  }
0xcb: {  	v4 =	vld [tilespmem:s20+$0xCB40];
	_ =	sdelay $0x4  }
0xcc: {  	v3 =	vmax.f32 v4, v3  }
0xcd: {  	[tilespmem:s20+$0xCB40] =	vst v3  }
0xce: {  	v3 =	vld [tilespmem:s18+$0xFFFFFFD0]  }
0xcf: {  	v4 =	vld [tilespmem:s19+$0x41D0];
	_ =	sdelay $0x4  }
0xd0: {  	v4 =	vadd.f32 v4, v3;
	_ =	sdelay $0x1  }
0xd1: {  	[tilespmem:s19+$0x41D0] =	vst v4  }
0xd2: {  	v4 =	vld [tilespmem:s20+$0xCB50];
	_ =	sdelay $0x4  }
0xd3: {  	v3 =	vmax.f32 v4, v3  }
0xd4: {  	[tilespmem:s20+$0xCB50] =	vst v3  }
0xd5: {  	v3 =	vld [tilespmem:s18+$0xFFFFFFE0]  }
0xd6: {  	v4 =	vld [tilespmem:s19+$0x41E0];
	_ =	sdelay $0x4  }
0xd7: {  	v4 =	vadd.f32 v4, v3;
	_ =	sdelay $0x1  }
0xd8: {  	[tilespmem:s19+$0x41E0] =	vst v4  }
0xd9: {  	v4 =	vld [tilespmem:s20+$0xCB60];
	_ =	sdelay $0x4  }
0xda: {  	v3 =	vmax.f32 v4, v3  }
0xdb: {  	[tilespmem:s20+$0xCB60] =	vst v3  }
0xdc: {  	v3 =	vld [tilespmem:s18+$0xFFFFFFF0]  }
0xdd: {  	v4 =	vld [tilespmem:s19+$0x41F0];
	_ =	sdelay $0x4  }
0xde: {  	v4 =	vadd.f32 v4, v3;
	_ =	sdelay $0x1  }
0xdf: {  	[tilespmem:s19+$0x41F0] =	vst v4  }
0xe0: {  	v4 =	vld [tilespmem:s20+$0xCB70];
	_ =	sdelay $0x4  }
0xe1: {  	v3 =	vmax.f32 v4, v3  }
0xe2: {  	[tilespmem:s20+$0xCB70] =	vst v3  }
0xe3: {  	v3 =	vld [tilespmem:s18+$0x0]  }
0xe4: {  	v4 =	vld [tilespmem:s19+$0x4200];
	_ =	sdelay $0x4  }
0xe5: {  	v4 =	vadd.f32 v4, v3;
	_ =	sdelay $0x1  }
0xe6: {  	[tilespmem:s19+$0x4200] =	vst v4  }
0xe7: {  	v4 =	vld [tilespmem:s20+$0xCB80];
	_ =	sdelay $0x4  }
0xe8: {  	v3 =	vmax.f32 v4, v3  }
0xe9: {  	[tilespmem:s20+$0xCB80] =	vst v3  }
0xea: {  	v3 =	vld [tilespmem:s18+$0x10]  }
0xeb: {  	v4 =	vld [tilespmem:s19+$0x4210];
	_ =	sdelay $0x4  }
0xec: {  	v4 =	vadd.f32 v4, v3;
	_ =	sdelay $0x1  }
0xed: {  	[tilespmem:s19+$0x4210] =	vst v4  }
0xee: {  	v4 =	vld [tilespmem:s20+$0xCB90];
	_ =	sdelay $0x4  }
0xef: {  	v3 =	vmax.f32 v4, v3  }
0xf0: {  	[tilespmem:s20+$0xCB90] =	vst v3  }
0xf1: {  	v3 =	vld [tilespmem:s18+$0x20]  }
0xf2: {  	v4 =	vld [tilespmem:s19+$0x4220];
	_ =	sdelay $0x4  }
0xf3: {  	v4 =	vadd.f32 v4, v3;
	_ =	sdelay $0x1  }
0xf4: {  	[tilespmem:s19+$0x4220] =	vst v4  }
0xf5: {  	v4 =	vld [tilespmem:s20+$0xCBA0];
	_ =	sdelay $0x4  }
0xf6: {  	v3 =	vmax.f32 v4, v3  }
0xf7: {  	[tilespmem:s20+$0xCBA0] =	vst v3  }
0xf8: {  	v3 =	vld [tilespmem:s18+$0x30]  }
0xf9: {  	v4 =	vld [tilespmem:s19+$0x4230];
	_ =	sdelay $0x4  }
0xfa: {  	v4 =	vadd.f32 v4, v3;
	_ =	sdelay $0x1  }
0xfb: {  	[tilespmem:s19+$0x4230] =	vst v4  }
0xfc: {  	v4 =	vld [tilespmem:s20+$0xCBB0];
	_ =	sdelay $0x4  }
0xfd: {  	v3 =	vmax.f32 v4, v3  }
0xfe: {  	[tilespmem:s20+$0xCBB0] =	vst v3  }
0xff: {  	v3 =	vld [tilespmem:s18+$0x40]  }
0x100: {  	v4 =	vld [tilespmem:s19+$0x4240];
	_ =	sdelay $0x4  }
0x101: {  	v4 =	vadd.f32 v4, v3;
	_ =	sdelay $0x1  }
0x102: {  	[tilespmem:s19+$0x4240] =	vst v4  }
0x103: {  	v4 =	vld [tilespmem:s20+$0xCBC0];
	_ =	sdelay $0x4  }
0x104: {  	v3 =	vmax.f32 v4, v3  }
0x105: {  	[tilespmem:s20+$0xCBC0] =	vst v3  }
0x106: {  	v3 =	vld [tilespmem:s18+$0x50]  }
0x107: {  	v4 =	vld [tilespmem:s19+$0x4250];
	_ =	sdelay $0x4  }
0x108: {  	v4 =	vadd.f32 v4, v3;
	_ =	sdelay $0x1  }
0x109: {  	[tilespmem:s19+$0x4250] =	vst v4  }
0x10a: {  	v4 =	vld [tilespmem:s20+$0xCBD0];
	_ =	sdelay $0x4  }
0x10b: {  	v3 =	vmax.f32 v4, v3  }
0x10c: {  	[tilespmem:s20+$0xCBD0] =	vst v3  }
0x10d: {  	v3 =	vld [tilespmem:s18+$0x60]  }
0x10e: {  	v4 =	vld [tilespmem:s19+$0x4260];
	_ =	sdelay $0x4  }
0x10f: {  	v4 =	vadd.f32 v4, v3;
	_ =	sdelay $0x1  }
0x110: {  	[tilespmem:s19+$0x4260] =	vst v4  }
0x111: {  	v4 =	vld [tilespmem:s20+$0xCBE0];
	_ =	sdelay $0x4  }
0x112: {  	v3 =	vmax.f32 v4, v3  }
0x113: {  	[tilespmem:s20+$0xCBE0] =	vst v3  }
0x114: {  	v3 =	vld [tilespmem:s18+$0x70]  }
0x115: {  	v4 =	vld [tilespmem:s19+$0x4270]  }
.Ltmp2:
0x116: {  	(pc) =	sbr.rel @p0 .LBB2_7-.Ltmp2, $2  }
0x117: {  	_ =	sdelay $0x2  }
0x118: {  	v4 =	vadd.f32 v4, v3  }
0x119: {  	_ = 	snop  }
0x11a: {  	[tilespmem:s19+$0x4270] =	vst v4  }
0x11b: {  	v2 =	vld [tilespmem:s20+$0xCBF0];
	_ =	sdelay $0x4  }
0x11c: {  	v2 =	vmax.f32 v2, v3  }
0x11d: {  	[tilespmem:s20+$0xCBF0] =	vst v2  }
0x11e: {  	v2 =	vld [tilespmem:s19+$0x4280]  }
0x11f: {  	s17 =	sadd.s32 $0x1, s17  }
0x120: {  	p0 =	sne.s32 s17, $0x5  }
.Ltmp3:
0x121: {  	_ = 	snop;
	(pc) =	sbr.rel @p0 .LBB2_6-.Ltmp3, $3  }
0x122: {  	_ = 	snop  }
0x123: {  	v2 =	vadd.f32 $1.000000000e+00, v2;
	_ =	sdelay $0x1  }
0x124: {  	s16 =	sadd.s32 $0x40, s16;
	[tilespmem:s19+$0x4280] =	vst v2  }
0x125: {  	[hbm4b:s6+s11] =	stream.strided.scatter [tilespmem:s13], [sflag:$0x1], $0x8800, s12, s11, $0x38;
	[tilespmem:$0x14C00] =	vst v63  }
0x126: {  	s2 =	sadd.s32 $0x1, s2;
	_ =	swait.ge [sflag:s9], $0x8800  }
0x127: {  	p0 =	sne.s32 s2, s8;
	[sflag:s9] =	ssyncset.done $0x0  }
.Ltmp4:
0x128: {  	[sflag:s9] =	ssyncadd.s32 $0xFFFF7800;
	(pc) =	sbr.rel @p0 .LBB2_1-.Ltmp4, $4  }
0x129: {  	[hbm4b:s7+s11] =	stream.strided.scatter [tilespmem:s14], [sflag:$0x1], $0x8000, s12, s11, $0x38;
	[tilespmem:$0x14C00] =	vst v63  }
0x12a: {  	_ =	swait.ge [sflag:s9], $0x8000  }
0x12b: {  	[sflag:s9] =	ssyncset.done $0x0  }
0x12c: {  	[sflag:s9] =	ssyncadd.s32 $0xFFFF8000  }
0x12d: {  	_ =	sfence.sel $0x180000  }
0x12e: {  	[bflag:$0x0] =	sbarrier.arrive $0xFFFF  }
0x12f: {  	p0 =	sne.s32 s0, $0x0;
	_ =	strace $0x9000004D  }
0x130: {  	s0 =	sadd.s32 @!p0 $0x100000, s1;
	[bflag:$0x2] =	sbarrier.arrive $0xFFFF  }
0x131: {  	[sflag:s0] =	ssyncadd.tile.s32 @!p0 $0x1;
	_ =	shalt  }
.Lfunc_end2:
_tile_overlayer_lowered:
.L_overlay_start_2:
0x132: {  	(tag) =	ssettag $0x2  }
0x133: {  	s0 =	rddreg [dreg:$0x0];
	s2 =	stileid.u32  }
0x134: {  	s1 =	rddreg [dreg:$0x1];
	p0 =	sne.s32 s2, $0x0  }
0x135: {  	s3 =	rddreg [dreg:$0x2];
	[bflag:$0x3] =	sbarrier.arrive $0xFFFF;
	s2 =	simm.s32 @!p0 $0x1C01  }
0x136: {  	[timem:s3], [sflag:s2] =	dma.local @!p0 [hbm:s0], s1  }
0x137: {  	s0 =	simm.s32 @!p0 $0x1  }
0x138: {  	_ =	swait.ge @!p0 [sflag:s0], s1  }
0x139: {  	s1 =	ssub.s32 @!p0 $0x0, s1;
	[sflag:s0] =	ssyncset.done @!p0 $0x0  }
0x13a: {  	[sflag:s0] =	ssyncadd.s32 @!p0 s1  }
0x13b: {  	[bflag:$0x3] =	sbarrier.arrive $0xFFFF  }
0x13c: {  	_ =	shalt  }

// kernel: kernel.8.cloned.1.call-start
scs
__scs_entry_jumppad:
0x0: {  	(pc) =	sbr.rel $0x88, $3  }
0x1: {  	(tag) =	ssettag $0x0;
	lr =	simm.s32 $0x1  }
0x2: {  	[smem:$0x3F98] =	sst lr;
	_ =	strace $0xD0000000  }
0x3: {  	_ = 	snop  }
0x4: {  	_ = 	snop  }
0x5: {  	_ = 	snop  }
0x6: {  	_ = 	snop  }
0x7: {  	_ = 	snop  }
__scs_overlays_trampoline_lowered:
0x8: {  	[smem:$0x3FA7] =	sst s0  }
0x9: {  	[smem:$0x3FA8] =	sst s1  }
0xa: {  	[smem:$0x3FA9] =	sst s2  }
0xb: {  	[smem:$0x3FAA] =	sst s3  }
0xc: {  	[smem:$0x3FAB] =	sst s4  }
0xd: {  	[smem:$0x3FAC] =	sst s5  }
0xe: {  	[smem:$0x3FAD] =	sst s6  }
0xf: {  	[smem:$0x3FAE] =	sst s7  }
0x10: {  	[smem:$0x3FAF] =	sst s8  }
0x11: {  	[smem:$0x3FB0] =	sst s9;
	s0 =	simm.s32 @!p0 $0x0  }
0x12: {  	s1 =	sld [smem:$0x3F96];
	s0 =	simm.s32 @p0 $0x1  }
0x13: {  	[smem:$0x3FB1] =	sst s0;
	s0 =	simm.s32 @!p1 $0x0  }
0x14: {  	s2 =	sld [smem:$0x3F95];
	s0 =	simm.s32 @p1 $0x1  }
0x15: {  	[smem:$0x3FB2] =	sst s0;
	s0 =	simm.s32 @!p2 $0x0  }
0x16: {  	s3 =	sld [smem:$0x3FDB];
	s0 =	simm.s32 @p2 $0x1  }
0x17: {  	s4 =	simm.s32 $0x1BF5;
	[smem:$0x3FB4] =	sst s0  }
0x18: {  	s0 =	sld [smem:$0x3F97];
	_ =	swait.ge [sflag:s4], $0x0  }
0x19: {  	s7 =	sld [smem:$0x3F98]  }
0x1a: {  	s8 =	sadd.s32 $0xFFFFE003, lr  }
0x1b: {  	s9 =	sadd.s32 $0xFFFFFEF7, lr;
	s5 =	simm.s32 $0xFFFFFFFF;
	p2 =	slt.u32 s8, $0xFFFFF086  }
0x1c: {  	p1 =	slt.u32 s9, $0xF7A;
	s5 =	simm.s32 @!p2 $0x0  }
0x1d: {  	s5 =	simm.s32 @p1 $0x1;
	p0 =	seq.s32 s7, s2  }
0x1e: {  	s7 =	smul.u32 @!p0 $0xF7A, s2;
	p2 =	seq.s32 @!p0 s5, $0x0  }
0x1f: {  	s9 =	smul.u32 $0xF7A, s1;
	s8 =	simm.s32 @!p0 $0x1BF5;
	p2 =	por !p2, p0  }
0x20: {  	[sflag:s8] =	ssyncset.s32 @!p0 $0xFFFFF086;
	s6 =	sadd.s32 @!p0 s3, s7;
	s7 =	simm.s32 @!p0 $0x108  }
0x21: {  	s3 =	sadd.s32 s3, s9;
	s6 =	sadd.s32 @!p0 $0x88, s6;
	s7 =	simm.s32 @p2 $0x1082  }
0x22: {  	[simem:s7], [sflag:s8] =	dma.local @!p0 [hbm:s6], $0xF7A  }
0x23: {  	s9 =	sor.u32 $0xD0000000, s2;
	s6 =	simm.s32 $0x108;
	_ =	swait.ge @!p0 [sflag:s8], $0x0  }
0x24: {  	s3 =	sadd.s32 $0x88, s3;
	s6 =	simm.s32 @!p1 $0x1082;
	[sflag:s4] =	ssyncset.s32 $0xFFFFF086  }
0x25: {  	[simem:s6], [sflag:s4] =	dma.local [hbm:s3], $0xF7A  }
0x26: {  	[smem:$0x3F98] =	sst s1;
	(tag) =	ssettag s2;
	_ =	strace s9  }
0x27: {  	s1 =	sld [smem:$0x3FA8]  }
0x28: {  	s2 =	sld [smem:$0x3FA9]  }
0x29: {  	s4 =	sld [smem:$0x3FAB]  }
0x2a: {  	p0 =	seq.s32 s5, $0x0;
	s5 =	sld [smem:$0x3FAC]  }
0x2b: {  	s6 =	sld [smem:$0x3FAD]  }
0x2c: {  	s7 =	sld [smem:$0x3FAE]  }
0x2d: {  	s3 =	simm.s32 $0x108;
	s8 =	sld [smem:$0x3FAF]  }
0x2e: {  	s3 =	simm.s32 @!p0 $0x1082;
	s9 =	sld [smem:$0x3FB0]  }
0x2f: {  	lr =	sadd.s32 s0, s3;
	s0 =	sld [smem:$0x3FA7]  }
0x30: {  	s3 =	sld [smem:$0x3FAA]  }
0x31: {  	[smem:$0x3FB3] =	sst s10  }
0x32: {  	s10 =	sld [smem:$0x3FB1];
	_ =	sdelay $0x3  }
0x33: {  	p0 =	seq.s32 s10, $0x1;
	s10 =	sld [smem:$0x3FB3];
	_ =	sdelay $0x3  }
0x34: {  	[smem:$0x3FB3] =	sst s10  }
0x35: {  	s10 =	sld [smem:$0x3FB2];
	_ =	sdelay $0x3  }
0x36: {  	p1 =	seq.s32 s10, $0x1;
	s10 =	sld [smem:$0x3FB3];
	_ =	sdelay $0x3  }
0x37: {  	[smem:$0x3FB3] =	sst s10  }
0x38: {  	s10 =	sld [smem:$0x3FB4]  }
0x39: {  	_ = 	snop;
	(pc) =	sbr.ind lr, $3  }
0x3a: {  	_ = 	snop  }
0x3b: {  	_ = 	snop  }
0x3c: {  	p2 =	seq.s32 s10, $0x1;
	s10 =	sld [smem:$0x3FB3]  }
0x3d: {  	_ =	shalt  }
0x3e: {  	_ =	shalt  }
0x3f: {  	_ =	shalt  }
0x40: {  	_ =	shalt  }
0x41: {  	_ =	shalt  }
0x42: {  	_ =	shalt  }
0x43: {  	_ =	shalt  }
0x44: {  	_ =	shalt  }
0x45: {  	_ =	shalt  }
0x46: {  	_ =	shalt  }
0x47: {  	_ =	shalt  }
0x48: {  	_ =	shalt  }
0x49: {  	_ =	shalt  }
0x4a: {  	_ =	shalt  }
0x4b: {  	_ =	shalt  }
0x4c: {  	_ =	shalt  }
0x4d: {  	_ =	shalt  }
0x4e: {  	_ =	shalt  }
0x4f: {  	_ =	shalt  }
0x50: {  	_ =	shalt  }
0x51: {  	_ =	shalt  }
0x52: {  	_ =	shalt  }
0x53: {  	_ =	shalt  }
0x54: {  	_ =	shalt  }
0x55: {  	_ =	shalt  }
0x56: {  	_ =	shalt  }
0x57: {  	_ =	shalt  }
0x58: {  	_ =	shalt  }
0x59: {  	_ =	shalt  }
0x5a: {  	_ =	shalt  }
0x5b: {  	_ =	shalt  }
0x5c: {  	_ =	shalt  }
0x5d: {  	_ =	shalt  }
0x5e: {  	_ =	shalt  }
0x5f: {  	_ =	shalt  }
0x60: {  	_ =	shalt  }
0x61: {  	_ =	shalt  }
0x62: {  	_ =	shalt  }
0x63: {  	_ =	shalt  }
0x64: {  	_ =	shalt  }
0x65: {  	_ =	shalt  }
0x66: {  	_ =	shalt  }
0x67: {  	_ =	shalt  }
0x68: {  	_ =	shalt  }
0x69: {  	_ =	shalt  }
0x6a: {  	_ =	shalt  }
0x6b: {  	_ =	shalt  }
0x6c: {  	_ =	shalt  }
0x6d: {  	_ =	shalt  }
0x6e: {  	_ =	shalt  }
0x6f: {  	_ =	shalt  }
0x70: {  	_ =	shalt  }
0x71: {  	_ =	shalt  }
0x72: {  	_ =	shalt  }
0x73: {  	_ =	shalt  }
0x74: {  	_ =	shalt  }
0x75: {  	_ =	shalt  }
0x76: {  	_ =	shalt  }
0x77: {  	_ =	shalt  }
0x78: {  	_ =	shalt  }
0x79: {  	_ =	shalt  }
0x7a: {  	_ =	shalt  }
0x7b: {  	_ =	shalt  }
0x7c: {  	_ =	shalt  }
0x7d: {  	_ =	shalt  }
0x7e: {  	_ =	shalt  }
0x7f: {  	_ =	shalt  }
0x80: {  	_ =	shalt  }
0x81: {  	_ =	shalt  }
0x82: {  	_ =	shalt  }
0x83: {  	_ =	shalt  }
0x84: {  	_ =	shalt  }
0x85: {  	_ =	shalt  }
0x86: {  	_ =	shalt  }
0x87: {  	_ =	shalt  }
.Lfunc_end0:
.L_simem_size_0:
called_computation_lowered:
.L_overlay_start_0:
0x88: {  	s2 =	sld [smem:$0x3FD9]  }
0x89: {  	s3 =	sld [smem:$0x3FFE];
	_ =	sdelay $0x1  }
0x8a: {  	s1 =	srdreg.scid  }
0x8b: {  	s0 =	sand.u32 $0x1, s1  }
0x8c: {  	s17 =	sshll.u32 s0, $0xA;
	s2 =	sadd.s32 s3, s2  }
0x8d: {  	s2 =	sadd.s32 s2, s17  }
0x8e: {  	[smem:$0x3FBF] =	sst s2  }
0x8f: {  	_ = 	snop  }
0x90: {  	s2 =	sld [smem:$0x3FC9];
	(tm) =	ssettm $0x1  }
0x91: {  	s18 =	sld [smem:$0x3FFB];
	_ =	sdelay $0x3  }
0x92: {  	_ =	strace s18  }
0x93: {  	s3 =	sld [smem:$0x3FFC];
	_ =	sdelay $0x3  }
0x94: {  	_ =	strace s3  }
0x95: {  	s3 =	sld [smem:$0x3FFD];
	_ =	sdelay $0x3  }
0x96: {  	_ =	strace s3  }
0x97: {  	_ =	strace $0x8FFFFFFF  }
0x98: {  	s19 =	sld [smem:$0x3FDB];
	_ =	sdelay $0x1  }
0x99: {  	s4 =	simm.s32 $_scs_section_size  }
0x9a: {  	s5 =	simm.s32 $_size__tile_overlayer_lowered;
	s6 =	simm.s32 $_tile_overlayer_lowered  }
0x9b: {  	s22 =	simm.s32 $0x1BFF;
	s21 =	sshll.u32 s6, $0x1;
	s3 =	sadd.s32 s4, s19  }
0x9c: {  	s7 =	simm.s32 $0x0;
	s20 =	sshll.u32 s5, $0x1;
	s5 =	sadd.s32 s21, s3  }
0x9d: {  	[timem:s7], [sflag:s22] =	dma.local [hbm:s5], s20  }
0x9e: {  	_ =	swait.ge [sflag:s22], s20  }
0x9f: {  	s4 =	ssub.s32 $0x0, s20;
	[sflag:s22] =	ssyncset.done $0x0  }
0xa0: {  	[sflag:s22] =	ssyncadd.s32 s4;
	_ =	sdelay $0x1  }
0xa1: {  	s23 =	simm.s32 $0x1B8B  }
0xa2: {  	_ =	swait.ge [sflag:s23], $0x1  }
0xa3: {  	[sflag:s23] =	ssyncset.done $0x0  }
0xa4: {  	s25 =	simm.s32 $0x1B8E;
	s24 =	sld [smem:$0x3FFE];
	[sflag:s23] =	ssyncadd.s32 $0xFFFFFFFF  }
0xa5: {  	s26 =	simm.s32 $execute0_lowered;
	[smem:$0x3FD2] =	sst s25  }
0xa6: {  	s5 =	sshll.u32 s26, $0x1;
	_ =	strace $0x80000046;
	[dreg:$0x1] =	wrdreg $0xFFFFFFFF  }
0xa7: {  	s28 =	simm.s32 $_size_execute0_lowered;
	s3 =	sadd.s32 s3, s5;
	[dreg:$0x0] =	wrdreg $0x0  }
0xa8: {  	s5 =	sshll.u32 s28, $0x1;
	[dreg:$0x2] =	wrdreg s3  }
0xa9: {  	[dreg:$0x3] =	wrdreg s5  }
0xaa: {  	[dreg:$0x4] =	wrdreg $0xC0  }
0xab: {  	_ =	task [dreg:s7], $0x5FFFF  }
0xac: {  	[dreg:$0x1] =	wrdreg $0xFFFFFFFF  }
0xad: {  	[dreg:$0x0] =	wrdreg $0x60  }
0xae: {  	[dreg:$0x2] =	wrdreg s2  }
0xaf: {  	[dreg:$0x3] =	wrdreg s24  }
0xb0: {  	[dreg:$0x4] =	wrdreg $0x41000  }
0xb1: {  	[dreg:$0x5] =	wrdreg $0x9  }
0xb2: {  	_ =	task.clear_ibuf [dreg:s7], $0x6FFFF;
	_ =	strace $0x90000046  }
0xb3: {  	s29 =	simm.s32 $0x9;
	_ =	strace $0x80000048  }
0xb4: {  	_ =	swait.ge [sflag:s29], $0x1  }
0xb5: {  	[sflag:s29] =	ssyncadd.s32 $0xFFFFFFFF  }
0xb6: {  	_ =	strace $0x90000048  }
0xb7: {  	_ =	sfence  }
0xb8: {  	s30 =	sld [smem:$0x0];
	_ =	sdelay $0x2  }
0xb9: {  	s31 =	sshll.u32 s1, $0xD;
	s1 =	sshrl.u32 s1, $0x2  }
0xba: {  	s3 =	sand.u32 $0x4000, s31;
	s1 =	sadd.s32 s1, s30  }
0xbb: {  	s0 =	sor.u32 s3, s0;
	s1 =	sshll.u32 s1, $0x11  }
0xbc: {  	s0 =	sor.u32 s1, s0  }
0xbd: {  	s0 =	sadd.s32 $0x8F2B, s0  }
0xbe: {  	[sflag:s0] =	ssyncadd.remote.s32 $0x1  }
0xbf: {  	_ =	sfence.sel $0xFFFF  }
0xc0: {  	[dreg:$0x0] =	wrdreg $0xFFFFFFFF;
	(pc) =	sbr.abs _section_cstart, $3  }
0xc1: {  	[dreg:$0x1] =	wrdreg $0xFFFFFFFF  }
0xc2: {  	_ =	task.clear_ibuf [dreg:s7], $0x2FFFF;
	_ =	strace $0x9FFFFFFF  }
0xc3: {  	(tm) =	ssettm $0x7FFFFFFF  }
tec
execute0_lowered:
.L_overlay_start_1:
0x0: {  	(tag) =	ssettag $0x1  }
0x1: {  	s1 =	rddreg [dreg:$0x0]  }
0x2: {  	s5 =	rddreg [dreg:$0x1]  }
0x3: {  	s0 =	srdreg.scid;
	s3 =	rddreg [dreg:$0x2]  }
0x4: {  	s2 =	rddreg [dreg:$0x3];
	s6 =	sand.u32 $0x1, s0  }
0x5: {  	s0 =	stileid.u32;
	s7 =	smul.u32 $0x13C000, s6  }
0x6: {  	s4 =	simm.s32 $0x0;
	s15 =	simm.s32 $0x2;
	s8 =	smul.u32 $0x13C00, s0  }
0x7: {  	s16 =	simm.s32 $0x80;
	s17 =	simm.s32 $0x1;
	s9 =	smul.u32 $0x9E0, s0  }
0x8: {  	s20 =	simm.s32 $0x0;
	[smem:$0x7FF] =	sst s4;
	s28 =	smul.u32 $0x4F000, s0  }
0x9: {  	_ =	strace $0x80000047;
	s29 =	ssub.s32 $0x2, s6;
	s18 =	sshll.u32 s0, $0x6  }
0xa: {  	s12 =	smul.u32 $0x4F0, s6;
	s31 =	sshrl.u32 s29, $0x1;
	s18 =	sor.u32 $0x1C02, s18  }
0xb: {  	s7 =	sadd.s32 s8, s7;
	s10 =	sadd.s32 s9, s5;
	s30 =	sshrl.u32 s28, $0x2  }
0xc: {  	s13 =	ssub.s32 s29, s31;
	s7 =	sshrl.u32 s7, $0x3;
	s14 =	sadd.s32 s12, s10  }
0xd: {  	s11 =	sadd.s32 s7, s5;
	s5 =	sadd.s32 s30, s3;
	s12 =	sadd.s32 $0xC600, s14  }
0xe: {  	s6 =	sadd.s32 $0x4000, s5;
	s7 =	sadd.s32 $0x8000, s5;
	s8 =	sadd.s32 $0xC000, s5  }
0xf: {  	s9 =	sadd.s32 $0x10000, s5;
	s10 =	sadd.s32 $0x16400, s11;
	s11 =	smax.u32 s13, $0x1  }
0x10: {  	v0 =	vimm.f32 $0.0e+00;
	s13 =	sadd.s32 $0x2800, s14;
	s14 =	simm.s32 $0x100;
	s19 =	sshrl.u32 s5, $0x3  }
.LBB2_1:
0x11: {  	s21 =	simm.s32 $0x0;
	s22 =	simm.s32 $0x200  }
.LBB2_2:
0x12: {  	p0 =	sne.s32 s22, $0xFE00;
	[tilespmem:s21+$0x170] =	vst v0  }
0x13: {  	[tilespmem:s21+$0x100] =	vst v0  }
0x14: {  	[tilespmem:s21+$0x110] =	vst v0  }
.Ltmp0:
0x15: {  	[tilespmem:s21+$0x120] =	vst v0;
	(pc) =	sbr.rel @p0 .LBB2_2-.Ltmp0, $4  }
0x16: {  	[tilespmem:s21+$0x130] =	vst v0  }
0x17: {  	[tilespmem:s21+$0x140] =	vst v0  }
0x18: {  	[tilespmem:s21+$0x150] =	vst v0  }
0x19: {  	[tilespmem:s21+$0x160] =	vst v0;
	s21 =	sshra.s32 s22, $0x2;
	s22 =	sadd.s32 $0x200, s22  }
0x1a: {  	[tilespmem:s21+$0x170] =	vst v0  }
0x1b: {  	[tilespmem:s21+$0x100] =	vst v0  }
0x1c: {  	[tilespmem:s21+$0x110] =	vst v0  }
0x1d: {  	[tilespmem:s21+$0x120] =	vst v0  }
0x1e: {  	[tilespmem:s21+$0x130] =	vst v0  }
0x1f: {  	[tilespmem:s21+$0x140] =	vst v0  }
0x20: {  	[tilespmem:s21+$0x150] =	vst v0  }
0x21: {  	[tilespmem:s21+$0x160] =	vst v0  }
0x22: {  	[spmem:s5] =	stream.linear.scatter [tilespmem:s14], [sflag:$0x2], $0x4000, $0x38;
	[tilespmem:$0x17D00] =	vst v63  }
0x23: {  	_ =	swait.ge [sflag:s15], $0x4000  }
0x24: {  	[sflag:s15] =	ssyncset.done $0x0  }
0x25: {  	[sflag:s15] =	ssyncadd.s32 $0xFFFFC000  }
0x26: {  	[spmem:s6] =	stream.linear.scatter [tilespmem:s14], [sflag:$0x2], $0x4000, $0x38;
	[tilespmem:$0x17D00] =	vst v63  }
0x27: {  	_ =	swait.ge [sflag:s15], $0x4000  }
0x28: {  	[sflag:s15] =	ssyncset.done $0x0  }
0x29: {  	[sflag:s15] =	ssyncadd.s32 $0xFFFFC000  }
0x2a: {  	[spmem:s7] =	stream.linear.scatter [tilespmem:s14], [sflag:$0x2], $0x4000, $0x38;
	[tilespmem:$0x17D00] =	vst v63  }
0x2b: {  	_ =	swait.ge [sflag:s15], $0x4000  }
0x2c: {  	[sflag:s15] =	ssyncset.done $0x0  }
0x2d: {  	[sflag:s15] =	ssyncadd.s32 $0xFFFFC000  }
0x2e: {  	[spmem:s8] =	stream.linear.scatter [tilespmem:s14], [sflag:$0x2], $0x4000, $0x38;
	[tilespmem:$0x17D00] =	vst v63  }
0x2f: {  	_ =	swait.ge [sflag:s15], $0x4000  }
0x30: {  	[sflag:s15] =	ssyncset.done $0x0  }
0x31: {  	[sflag:s15] =	ssyncadd.s32 $0xFFFFC000  }
0x32: {  	[spmem:s9] =	stream.linear.scatter [tilespmem:s14], [sflag:$0x2], $0x3C00, $0x38;
	[tilespmem:$0x17D00] =	vst v63  }
0x33: {  	_ =	swait.ge [sflag:s15], $0x3C00  }
0x34: {  	[sflag:s15] =	ssyncset.done $0x0  }
0x35: {  	[sflag:s15] =	ssyncadd.s32 $0xFFFFC400  }
0x36: {  	s30 =	sadd.s32 $0x0, s12;
	[bflag:$0x0] =	sbarrier.arrive $0xFFFF  }
0x37: {  	[tilespmem:s4], [sflag:$0x2] =	stream.linear.gather [hbm4b:s30+s4], $0x80, $0x38;
	[tilespmem:$0x17D00] =	vst v63  }
0x38: {  	_ =	swait.ge [sflag:s15], $0x80  }
0x39: {  	[sflag:s15] =	ssyncset.done $0x0  }
0x3a: {  	[sflag:s15] =	ssyncadd.s32 $0xFFFFFF80  }
0x3b: {  	[tilespmem:s14], [sflag:$0x1] =	stream.indirect.gather [hbm4b:s1+s16], $0x80, s4, s16, $0xb8;
	[tilespmem:$0x17D00] =	vst v63  }
0x3c: {  	_ =	swait.ge [sflag:s17], $0x4000  }
0x3d: {  	[sflag:s17] =	ssyncset.done $0x0  }
0x3e: {  	s31 =	sadd.s32 $0x0, s13;
	[sflag:s17] =	ssyncadd.s32 $0xFFFFC000  }
0x3f: {  	[tilespmem:s16], [sflag:$0x2] =	stream.linear.gather [hbm4b:s31+s4], $0x80, $0x38;
	[tilespmem:$0x17D00] =	vst v63  }
0x40: {  	_ =	swait.ge [sflag:s15], $0x80  }
0x41: {  	[sflag:s15] =	ssyncset.done $0x0  }
0x42: {  	[sflag:s15] =	ssyncadd.s32 $0xFFFFFF80  }
0x43: {  	[spmem:s3] =	stream.indirect.scatter.add.f32 [tilespmem:s14], [sflag:$0x2], $0x80, s16, s16, $0xb8;
	[tilespmem:$0x17D00] =	vst v63  }
0x44: {  	_ =	swait.ge [sflag:s15], $0x4000  }
0x45: {  	s21 =	simm.s32 $0x10;
	s22 =	simm.s32 $0x20;
	[sflag:s15] =	ssyncset.done $0x0  }
.LBB2_4:
0x46: {  	s23 =	sadd.s32 s21, s12  }
0x47: {  	[sflag:s15] =	ssyncadd.s32 $0xFFFFC000;
	s24 =	smov.u32 s22;
	s25 =	sadd.s32 $0x10, s22  }
0x48: {  	[tilespmem:s4], [sflag:$0x2] =	stream.linear.gather [hbm4b:s23+s4], $0x80, $0x38;
	[tilespmem:$0x17D00] =	vst v63  }
0x49: {  	p0 =	sne.s32 s22, $0x4E0;
	_ =	swait.ge [sflag:s15], $0x80  }
0x4a: {  	[sflag:s15] =	ssyncset.done $0x0  }
0x4b: {  	[sflag:s15] =	ssyncadd.s32 $0xFFFFFF80  }
0x4c: {  	[tilespmem:s14], [sflag:$0x1] =	stream.indirect.gather [hbm4b:s1+s16], $0x80, s4, s16, $0xb8;
	[tilespmem:$0x17D00] =	vst v63  }
0x4d: {  	_ =	swait.ge [sflag:s17], $0x4000  }
0x4e: {  	[sflag:s17] =	ssyncset.done $0x0  }
0x4f: {  	s22 =	sadd.s32 s21, s13;
	s21 =	smov.u32 s24;
	[sflag:s17] =	ssyncadd.s32 $0xFFFFC000  }
0x50: {  	[tilespmem:s16], [sflag:$0x2] =	stream.linear.gather [hbm4b:s22+s4], $0x80, $0x38;
	[tilespmem:$0x17D00] =	vst v63  }
0x51: {  	_ =	swait.ge [sflag:s15], $0x80  }
.Ltmp1:
0x52: {  	[sflag:s15] =	ssyncset.done $0x0;
	(pc) =	sbr.rel @p0 .LBB2_4-.Ltmp1, $4  }
0x53: {  	[sflag:s15] =	ssyncadd.s32 $0xFFFFFF80  }
0x54: {  	[spmem:s3] =	stream.indirect.scatter.add.f32 [tilespmem:s14], [sflag:$0x2], $0x80, s16, s16, $0xb8;
	[tilespmem:$0x17D00] =	vst v63  }
0x55: {  	_ =	swait.ge [sflag:s15], $0x4000  }
0x56: {  	s22 =	smov.u32 s25;
	[sflag:s15] =	ssyncset.done $0x0  }
0x57: {  	s22 =	sadd.s32 s21, s12;
	[sflag:s15] =	ssyncadd.s32 $0xFFFFC000  }
0x58: {  	[tilespmem:s4], [sflag:$0x2] =	stream.linear.gather [hbm4b:s22+s4], $0x80, $0x38;
	[tilespmem:$0x17D00] =	vst v63  }
0x59: {  	_ =	swait.ge [sflag:s15], $0x80  }
0x5a: {  	[sflag:s15] =	ssyncset.done $0x0  }
0x5b: {  	[sflag:s15] =	ssyncadd.s32 $0xFFFFFF80  }
0x5c: {  	[tilespmem:s14], [sflag:$0x1] =	stream.indirect.gather [hbm4b:s1+s16], $0x80, s4, s16, $0xb8;
	[tilespmem:$0x17D00] =	vst v63  }
0x5d: {  	_ =	swait.ge [sflag:s17], $0x4000  }
0x5e: {  	[sflag:s17] =	ssyncset.done $0x0  }
0x5f: {  	s31 =	sadd.s32 s21, s13;
	[sflag:s17] =	ssyncadd.s32 $0xFFFFC000  }
0x60: {  	[tilespmem:s16], [sflag:$0x2] =	stream.linear.gather [hbm4b:s31+s4], $0x80, $0x38;
	[tilespmem:$0x17D00] =	vst v63  }
0x61: {  	_ =	swait.ge [sflag:s15], $0x80  }
0x62: {  	[sflag:s15] =	ssyncset.done $0x0  }
0x63: {  	[sflag:s15] =	ssyncadd.s32 $0xFFFFFF80  }
0x64: {  	[spmem:s3] =	stream.indirect.scatter.add.f32 [tilespmem:s14], [sflag:$0x2], $0x80, s16, s16, $0xb8;
	[tilespmem:$0x17D00] =	vst v63  }
0x65: {  	_ =	swait.ge [sflag:s15], $0x4000  }
0x66: {  	s20 =	sadd.s32 $0x1, s20;
	[sflag:s15] =	ssyncset.done $0x0  }
0x67: {  	p0 =	sne.s32 s20, s11;
	[sflag:s15] =	ssyncadd.s32 $0xFFFFC000  }
.Ltmp2:
0x68: {  	[bflag:$0x0] =	sbarrier.arrive $0xFFFF;
	(pc) =	sbr.rel @p0 .LBB2_1-.Ltmp2, $4  }
0x69: {  	[hbm:s10], [sflag:s18] =	dma.local [spmem:s19], $0x2780  }
0x6a: {  	_ =	swait.ge [sflag:s15], $0x2780  }
0x6b: {  	[sflag:s15] =	ssyncset.done $0x0  }
0x6c: {  	[sflag:s15] =	ssyncadd.s32 $0xFFFFD880  }
0x6d: {  	_ =	sfence.sel $0x180000  }
0x6e: {  	[bflag:$0x0] =	sbarrier.arrive $0xFFFF  }
0x6f: {  	p0 =	sne.s32 s0, $0x0;
	_ =	strace $0x90000047  }
0x70: {  	s0 =	sadd.s32 @!p0 $0x100000, s2;
	[bflag:$0x2] =	sbarrier.arrive $0xFFFF  }
0x71: {  	[sflag:s0] =	ssyncadd.tile.s32 @!p0 $0x1;
	_ =	shalt  }
.Lfunc_end2:
_tile_overlayer_lowered:
.L_overlay_start_2:
0x72: {  	(tag) =	ssettag $0x2  }
0x73: {  	s0 =	rddreg [dreg:$0x0];
	s2 =	stileid.u32  }
0x74: {  	s1 =	rddreg [dreg:$0x1];
	p0 =	sne.s32 s2, $0x0  }
0x75: {  	s3 =	rddreg [dreg:$0x2];
	[bflag:$0x3] =	sbarrier.arrive $0xFFFF;
	s2 =	simm.s32 @!p0 $0x1C02  }
0x76: {  	[timem:s3], [sflag:s2] =	dma.local @!p0 [hbm:s0], s1  }
0x77: {  	s0 =	simm.s32 @!p0 $0x2  }
0x78: {  	_ =	swait.ge @!p0 [sflag:s0], s1  }
0x79: {  	s1 =	ssub.s32 @!p0 $0x0, s1;
	[sflag:s0] =	ssyncset.done @!p0 $0x0  }
0x7a: {  	[sflag:s0] =	ssyncadd.s32 @!p0 s1  }
0x7b: {  	[bflag:$0x3] =	sbarrier.arrive $0xFFFF  }
0x7c: {  	_ =	shalt  }

</sc_bundles>
